<compile_context>
chip_gen: v7x
topology: tpu7x:2x2x1
jax: 0.10.2.dev20260603
libtpu: 0.0.44.dev20260713+nightly
codegen_flags: <defaults>
</compile_context>

<pallas_src>
import functools

import jax
import jax.numpy as jnp
from jax import lax
from jax.experimental import pallas as pl
from jax.experimental.pallas import tpu as pltpu
from jax.experimental.pallas import tpu_sc as plsc

_NC = 2
_NS = 16
_NW = _NC * _NS
_L = 16


def _sc_scores_kernel(B, K, D, n_user_rows, n_item_rows):
    bpw = B // _NW
    ipw = bpw * K
    u_chunks = bpw // 128
    i_chunks = ipw // 128
    groups = bpw // _L

    mesh = plsc.VectorSubcoreMesh(
        core_axis_name="c", subcore_axis_name="s",
        num_cores=_NC, num_subcores=_NS)

    @functools.partial(
        pl.kernel,
        out_type=jax.ShapeDtypeStruct((B * K,), jnp.float32),
        mesh=mesh,
        scratch_types=[
            pltpu.VMEM((u_chunks, 128), jnp.int32),
            pltpu.VMEM((i_chunks, 128), jnp.int32),
            pltpu.VMEM((bpw, D), jnp.float32),
            pltpu.VMEM((ipw, D), jnp.float32),
            pltpu.VMEM((ipw,), jnp.float32),
            pltpu.SemaphoreType.DMA,
        ],
        compiler_params=pltpu.CompilerParams(
            needs_layout_passes=False, use_tc_tiling_on_sc=False),
    )
    def sc_kernel(uidx_hbm, iidx_hbm, utab_hbm, itab_hbm, out_hbm,
                  uidx_v, iidx_v, urows_v, irows_v, scores_v, sem):
        wid = lax.axis_index("s") * _NC + lax.axis_index("c")

        pltpu.sync_copy(uidx_hbm.at[pl.ds(wid * u_chunks, u_chunks)], uidx_v)
        pltpu.sync_copy(iidx_hbm.at[pl.ds(wid * i_chunks, i_chunks)], iidx_v)

        copies = []
        for c in range(u_chunks):
            copies.append(pltpu.async_copy(
                utab_hbm.at[uidx_v.at[c]],
                urows_v.at[pl.ds(c * 128, 128)], sem))
        for c in range(i_chunks):
            copies.append(pltpu.async_copy(
                itab_hbm.at[iidx_v.at[c]],
                irows_v.at[pl.ds(c * 128, 128)], sem))
        for cp in copies:
            cp.wait()

        lane = lax.iota(jnp.int32, _L)

        def group_body(g, carry):
            b16 = g * _L + lane
            j0 = b16 * K
            zeros = jnp.zeros((_L,), jnp.float32)
            accs = [[zeros, zeros] for _ in range(K)]
            for d in range(D):
                dvec = jnp.full((_L,), d, jnp.int32)
                u = plsc.load_gather(urows_v, [b16, dvec])
                for k in range(K):
                    iv = plsc.load_gather(irows_v, [j0 + k, dvec])
                    accs[k][d % 2] = accs[k][d % 2] + u * iv
            for k in range(K):
                s = accs[k][0] + accs[k][1]
                plsc.store_scatter(scores_v, [j0 + k], s)
            return carry

        lax.fori_loop(0, groups, group_body, 0)

        pltpu.sync_copy(scores_v, out_hbm.at[pl.ds(wid * ipw, ipw)])

    return sc_kernel


def _bce_mean_body(s_ref, y_ref, o_ref):
    x = s_ref[...]
    y = y_ref[...]
    loss = jnp.maximum(x, 0.0) - x * y + jnp.log1p(jnp.exp(-jnp.abs(x)))
    o_ref[0, 0] = jnp.sum(loss) * (1.0 / x.size)


def kernel(input_user, input_items, bce_label, user_table, item_table):
    B, = input_user.shape
    K = input_items.shape[1]
    D = user_table.shape[1]

    sc = _sc_scores_kernel(B, K, D, user_table.shape[0], item_table.shape[0])
    uidx = input_user.reshape(-1, 128)
    iidx = input_items.reshape(-1, 128)
    scores = sc(uidx, iidx, user_table, item_table)

    scores2d = scores.reshape(-1, 128)
    labels2d = bce_label.reshape(-1, 128)
    loss = pl.pallas_call(
        _bce_mean_body,
        out_shape=jax.ShapeDtypeStruct((1, 1), jnp.float32),
        out_specs=pl.BlockSpec(memory_space=pltpu.SMEM),
    )(scores2d, labels2d)
    return loss[0, 0]

# --- scband reference (transcript-rebuilt; emitter-appended) ---
"""Pipeline reference for scband-model-49117245997153 (READ-ONLY COPY).

The authoritative reference and input builder live on the scoring server;
editing this copy changes nothing except your own understanding.
"""

import jax, jax.numpy as jnp
import numpy as np

EMBED_DIM = 64
USER_NUM = 1000000
ITEM_NUM = 1000000
BATCH = 16384
NEG_PLUS_ONE = 2

def setup_inputs(seed: int = 0) -> dict:
    key = jax.random.key(seed)
    k1, k2, k3, k4, k5 = jax.random.split(key, 5)
    input_user = jax.random.randint(k1, (BATCH,), 0, USER_NUM, dtype=jnp.int64 if jax.config.jax_enable_x64 else jnp.int32).astype(jnp.int32)
    input_items = jax.random.randint(k2, (BATCH, NEG_PLUS_ONE), 0, ITEM_NUM, dtype=jnp.int32)
    bce_label = jax.random.uniform(k3, (BATCH, NEG_PLUS_ONE), dtype=jnp.float32)
    user_table = jax.random.normal(k4, (USER_NUM + 1, EMBED_DIM), dtype=jnp.float32) * 0.02
    user_table = user_table.at[0].set(0.0)  # padding_idx=0
    item_table = jax.random.normal(k5, (ITEM_NUM + 1, EMBED_DIM), dtype=jnp.float32) * 0.02
    item_table = item_table.at[0].set(0.0)  # padding_idx=0
    return {"input_user": input_user, "input_items": input_items, "bce_label": bce_label,
            "user_table": user_table, "item_table": item_table}

def _bce_with_logits_mean(x, y):
    # numerically stable BCEWithLogitsLoss (mean reduction)
    return jnp.mean(jnp.maximum(x, 0.0) - x * y + jnp.log1p(jnp.exp(-jnp.abs(x))))

def reference(input_user, input_items, bce_label, user_table, item_table):
    user_embedding = jnp.take(user_table, input_user, axis=0)            # [B, D]
    input_embs = jnp.take(item_table, input_items, axis=0)               # [B, 2, D]
    item_feature = input_embs.reshape(-1, NEG_PLUS_ONE, EMBED_DIM)       # [B, 2, D]
    # torch.bmm(item_feature, user_embedding.unsqueeze(-1)).squeeze(-1)
    score = jnp.einsum('bkd,bd->bk', item_feature, user_embedding)       # [B, 2]
    loss = _bce_with_logits_mean(score.reshape(-1), bce_label.reshape(-1))
    return loss

if __name__ == "__main__":
    import jax
    _d = setup_inputs()
    print(jax.jit(kernel)(*tuple(_d.values())))

</pallas_src>

<mosaic_0001>
#map = affine_map<(d0, d1) -> (0, 0)>
#map1 = affine_map<(d0, d1) -> (0)>
module attributes {stable_mosaic.version = 14 : i64} {
  func.func @sc_kernel(%arg0: i32, %arg1: i32, %arg2: memref<128x128xi32, #tpu.memory_space<hbm>>, %arg3: memref<256x128xi32, #tpu.memory_space<hbm>>, %arg4: memref<1000001x64xf32, #tpu.memory_space<hbm>>, %arg5: memref<1000001x64xf32, #tpu.memory_space<hbm>>, %arg6: memref<32768xf32, #tpu.memory_space<hbm>>, %arg7: memref<4x128xi32, #tpu.memory_space<vmem>>, %arg8: memref<8x128xi32, #tpu.memory_space<vmem>>, %arg9: memref<512x64xf32, #tpu.memory_space<vmem>>, %arg10: memref<1024x64xf32, #tpu.memory_space<vmem>>, %arg11: memref<1024xf32, #tpu.memory_space<vmem>>, %arg12: memref<!tpu.dma_semaphore, #tpu.memory_space<semaphore_mem>>) attributes {dimension_semantics = [#tpu.dimension_semantics<core_parallel>, #tpu.dimension_semantics<subcore_parallel>], iteration_bounds = array<i64: 2, 16>, scalar_prefetch = 0 : i64, scratch_operands = 6 : i64, tpu.core_type = #tpu.core_type<sc_vector_subcore>, window_params = [{transform_indices = #map}, {transform_indices = #map}, {transform_indices = #map}, {transform_indices = #map}, {transform_indices = #map1}]} {
    %mul3A = arith.constant 2 : i32
    %mul3A_0 = arith.muli %arg1, %mul3A : i32
    %add3A = arith.addi %mul3A_0, %arg0 : i32
    %mul3A_1 = arith.constant 4 : i32
    %mul3A_2 = arith.muli %add3A, %mul3A_1 : i32
    "tpu.region"() ({
      %run_scoped3A = tpu.sem_alloc : memref<!tpu.dma_semaphore, #tpu.memory_space<semaphore_mem>>
      %dma_start3A_250 = arith.constant 0 : i32
      %dma_start3A_251 = tpu.memref_slice %arg2[%mul3A_2, %dma_start3A_250] : memref<128x128xi32, #tpu.memory_space<hbm>> -> memref<4x128xi32, #tpu.memory_space<hbm>>
      %dma_start3A_252 = arith.constant 0 : i32
      %dma_start3A_253 = tpu.memref_slice %arg2[%mul3A_2, %dma_start3A_252] : memref<128x128xi32, #tpu.memory_space<hbm>> -> memref<4x128xi32, #tpu.memory_space<hbm>>
      tpu.enqueue_dma source(%dma_start3A_253 : memref<4x128xi32, #tpu.memory_space<hbm>>) target(%arg7 : memref<4x128xi32, #tpu.memory_space<vmem>>) target_semaphore(%run_scoped3A : memref<!tpu.dma_semaphore, #tpu.memory_space<semaphore_mem>>)
      %dma_wait3A_254 = arith.constant 0 : i32
      %dma_wait3A_255 = tpu.memref_slice %arg2[%mul3A_2, %dma_wait3A_254] : memref<128x128xi32, #tpu.memory_space<hbm>> -> memref<4x128xi32, #tpu.memory_space<hbm>>
      %dma_wait3A_256 = arith.constant 0 : i32
      %dma_wait3A_257 = tpu.memref_slice %arg2[%mul3A_2, %dma_wait3A_256] : memref<128x128xi32, #tpu.memory_space<hbm>> -> memref<4x128xi32, #tpu.memory_space<hbm>>
      tpu.wait_dma2 semaphore(%run_scoped3A : memref<!tpu.dma_semaphore, #tpu.memory_space<semaphore_mem>>) src(%dma_wait3A_257 : memref<4x128xi32, #tpu.memory_space<hbm>>) dst(%arg7 : memref<4x128xi32, #tpu.memory_space<vmem>>)
      tpu.yield
    }) : () -> ()
    %mul3A_3 = arith.constant 8 : i32
    %mul3A_4 = arith.muli %add3A, %mul3A_3 : i32
    "tpu.region"() ({
      %run_scoped3A = tpu.sem_alloc : memref<!tpu.dma_semaphore, #tpu.memory_space<semaphore_mem>>
      %dma_start3A_250 = arith.constant 0 : i32
      %dma_start3A_251 = tpu.memref_slice %arg3[%mul3A_4, %dma_start3A_250] : memref<256x128xi32, #tpu.memory_space<hbm>> -> memref<8x128xi32, #tpu.memory_space<hbm>>
      %dma_start3A_252 = arith.constant 0 : i32
      %dma_start3A_253 = tpu.memref_slice %arg3[%mul3A_4, %dma_start3A_252] : memref<256x128xi32, #tpu.memory_space<hbm>> -> memref<8x128xi32, #tpu.memory_space<hbm>>
      tpu.enqueue_dma source(%dma_start3A_253 : memref<8x128xi32, #tpu.memory_space<hbm>>) target(%arg8 : memref<8x128xi32, #tpu.memory_space<vmem>>) target_semaphore(%run_scoped3A : memref<!tpu.dma_semaphore, #tpu.memory_space<semaphore_mem>>)
      %dma_wait3A_254 = arith.constant 0 : i32
      %dma_wait3A_255 = tpu.memref_slice %arg3[%mul3A_4, %dma_wait3A_254] : memref<256x128xi32, #tpu.memory_space<hbm>> -> memref<8x128xi32, #tpu.memory_space<hbm>>
      %dma_wait3A_256 = arith.constant 0 : i32
      %dma_wait3A_257 = tpu.memref_slice %arg3[%mul3A_4, %dma_wait3A_256] : memref<256x128xi32, #tpu.memory_space<hbm>> -> memref<8x128xi32, #tpu.memory_space<hbm>>
      tpu.wait_dma2 semaphore(%run_scoped3A : memref<!tpu.dma_semaphore, #tpu.memory_space<semaphore_mem>>) src(%dma_wait3A_257 : memref<8x128xi32, #tpu.memory_space<hbm>>) dst(%arg8 : memref<8x128xi32, #tpu.memory_space<vmem>>)
      tpu.yield
    }) : () -> ()
    %dma_start3A = arith.constant 0 : i32
    %dma_start3A_5 = arith.constant 0 : i32
    %dma_start3A_6 = arith.constant 0 : i32
    %dma_start3A_7 = tpu.memref_slice %arg9[%dma_start3A_5, %dma_start3A_6] : memref<512x64xf32, #tpu.memory_space<vmem>> -> memref<128x64xf32, #tpu.memory_space<vmem>>
    %dma_start3A_8 = arith.constant 0 : i32
    %dma_start3A_9 = tpu.memref_slice %arg7[%dma_start3A, %dma_start3A_8] : memref<4x128xi32, #tpu.memory_space<vmem>> -> memref<1x128xi32, #tpu.memory_space<vmem>>
    %dma_start3A_10 = tpu.memref_squeeze %dma_start3A_9 : memref<1x128xi32, #tpu.memory_space<vmem>> -> memref<128xi32, #tpu.memory_space<vmem>>
    %dma_start3A_11 = arith.constant 0 : i32
    %dma_start3A_12 = arith.constant 0 : i32
    %dma_start3A_13 = tpu.memref_slice %arg4[%dma_start3A_11, %dma_start3A_12] : memref<1000001x64xf32, #tpu.memory_space<hbm>> -> memref<1000001x64xf32, #tpu.memory_space<hbm>>
    tpu.enqueue_indirect_dma source(%dma_start3A_13 : memref<1000001x64xf32, #tpu.memory_space<hbm>>) target(%dma_start3A_7 : memref<128x64xf32, #tpu.memory_space<vmem>>) offsets(%dma_start3A_10 : memref<128xi32, #tpu.memory_space<vmem>>) semaphore(%arg12 : memref<!tpu.dma_semaphore, #tpu.memory_space<semaphore_mem>>)
    %dma_start3A_14 = arith.constant 1 : i32
    %dma_start3A_15 = arith.constant 128 : i32
    %dma_start3A_16 = arith.constant 0 : i32
    %dma_start3A_17 = tpu.memref_slice %arg9[%dma_start3A_15, %dma_start3A_16] : memref<512x64xf32, #tpu.memory_space<vmem>> -> memref<128x64xf32, #tpu.memory_space<vmem>>
    %dma_start3A_18 = arith.constant 0 : i32
    %dma_start3A_19 = tpu.memref_slice %arg7[%dma_start3A_14, %dma_start3A_18] : memref<4x128xi32, #tpu.memory_space<vmem>> -> memref<1x128xi32, #tpu.memory_space<vmem>>
    %dma_start3A_20 = tpu.memref_squeeze %dma_start3A_19 : memref<1x128xi32, #tpu.memory_space<vmem>> -> memref<128xi32, #tpu.memory_space<vmem>>
    %dma_start3A_21 = arith.constant 0 : i32
    %dma_start3A_22 = arith.constant 0 : i32
    %dma_start3A_23 = tpu.memref_slice %arg4[%dma_start3A_21, %dma_start3A_22] : memref<1000001x64xf32, #tpu.memory_space<hbm>> -> memref<1000001x64xf32, #tpu.memory_space<hbm>>
    tpu.enqueue_indirect_dma source(%dma_start3A_23 : memref<1000001x64xf32, #tpu.memory_space<hbm>>) target(%dma_start3A_17 : memref<128x64xf32, #tpu.memory_space<vmem>>) offsets(%dma_start3A_20 : memref<128xi32, #tpu.memory_space<vmem>>) semaphore(%arg12 : memref<!tpu.dma_semaphore, #tpu.memory_space<semaphore_mem>>)
    %dma_start3A_24 = arith.constant 2 : i32
    %dma_start3A_25 = arith.constant 256 : i32
    %dma_start3A_26 = arith.constant 0 : i32
    %dma_start3A_27 = tpu.memref_slice %arg9[%dma_start3A_25, %dma_start3A_26] : memref<512x64xf32, #tpu.memory_space<vmem>> -> memref<128x64xf32, #tpu.memory_space<vmem>>
    %dma_start3A_28 = arith.constant 0 : i32
    %dma_start3A_29 = tpu.memref_slice %arg7[%dma_start3A_24, %dma_start3A_28] : memref<4x128xi32, #tpu.memory_space<vmem>> -> memref<1x128xi32, #tpu.memory_space<vmem>>
    %dma_start3A_30 = tpu.memref_squeeze %dma_start3A_29 : memref<1x128xi32, #tpu.memory_space<vmem>> -> memref<128xi32, #tpu.memory_space<vmem>>
    %dma_start3A_31 = arith.constant 0 : i32
    %dma_start3A_32 = arith.constant 0 : i32
    %dma_start3A_33 = tpu.memref_slice %arg4[%dma_start3A_31, %dma_start3A_32] : memref<1000001x64xf32, #tpu.memory_space<hbm>> -> memref<1000001x64xf32, #tpu.memory_space<hbm>>
    tpu.enqueue_indirect_dma source(%dma_start3A_33 : memref<1000001x64xf32, #tpu.memory_space<hbm>>) target(%dma_start3A_27 : memref<128x64xf32, #tpu.memory_space<vmem>>) offsets(%dma_start3A_30 : memref<128xi32, #tpu.memory_space<vmem>>) semaphore(%arg12 : memref<!tpu.dma_semaphore, #tpu.memory_space<semaphore_mem>>)
    %dma_start3A_34 = arith.constant 3 : i32
    %dma_start3A_35 = arith.constant 384 : i32
    %dma_start3A_36 = arith.constant 0 : i32
    %dma_start3A_37 = tpu.memref_slice %arg9[%dma_start3A_35, %dma_start3A_36] : memref<512x64xf32, #tpu.memory_space<vmem>> -> memref<128x64xf32, #tpu.memory_space<vmem>>
    %dma_start3A_38 = arith.constant 0 : i32
    %dma_start3A_39 = tpu.memref_slice %arg7[%dma_start3A_34, %dma_start3A_38] : memref<4x128xi32, #tpu.memory_space<vmem>> -> memref<1x128xi32, #tpu.memory_space<vmem>>
    %dma_start3A_40 = tpu.memref_squeeze %dma_start3A_39 : memref<1x128xi32, #tpu.memory_space<vmem>> -> memref<128xi32, #tpu.memory_space<vmem>>
    %dma_start3A_41 = arith.constant 0 : i32
    %dma_start3A_42 = arith.constant 0 : i32
    %dma_start3A_43 = tpu.memref_slice %arg4[%dma_start3A_41, %dma_start3A_42] : memref<1000001x64xf32, #tpu.memory_space<hbm>> -> memref<1000001x64xf32, #tpu.memory_space<hbm>>
    tpu.enqueue_indirect_dma source(%dma_start3A_43 : memref<1000001x64xf32, #tpu.memory_space<hbm>>) target(%dma_start3A_37 : memref<128x64xf32, #tpu.memory_space<vmem>>) offsets(%dma_start3A_40 : memref<128xi32, #tpu.memory_space<vmem>>) semaphore(%arg12 : memref<!tpu.dma_semaphore, #tpu.memory_space<semaphore_mem>>)
    %dma_start3A_44 = arith.constant 0 : i32
    %dma_start3A_45 = arith.constant 0 : i32
    %dma_start3A_46 = arith.constant 0 : i32
    %dma_start3A_47 = tpu.memref_slice %arg10[%dma_start3A_45, %dma_start3A_46] : memref<1024x64xf32, #tpu.memory_space<vmem>> -> memref<128x64xf32, #tpu.memory_space<vmem>>
    %dma_start3A_48 = arith.constant 0 : i32
    %dma_start3A_49 = tpu.memref_slice %arg8[%dma_start3A_44, %dma_start3A_48] : memref<8x128xi32, #tpu.memory_space<vmem>> -> memref<1x128xi32, #tpu.memory_space<vmem>>
    %dma_start3A_50 = tpu.memref_squeeze %dma_start3A_49 : memref<1x128xi32, #tpu.memory_space<vmem>> -> memref<128xi32, #tpu.memory_space<vmem>>
    %dma_start3A_51 = arith.constant 0 : i32
    %dma_start3A_52 = arith.constant 0 : i32
    %dma_start3A_53 = tpu.memref_slice %arg5[%dma_start3A_51, %dma_start3A_52] : memref<1000001x64xf32, #tpu.memory_space<hbm>> -> memref<1000001x64xf32, #tpu.memory_space<hbm>>
    tpu.enqueue_indirect_dma source(%dma_start3A_53 : memref<1000001x64xf32, #tpu.memory_space<hbm>>) target(%dma_start3A_47 : memref<128x64xf32, #tpu.memory_space<vmem>>) offsets(%dma_start3A_50 : memref<128xi32, #tpu.memory_space<vmem>>) semaphore(%arg12 : memref<!tpu.dma_semaphore, #tpu.memory_space<semaphore_mem>>)
    %dma_start3A_54 = arith.constant 1 : i32
    %dma_start3A_55 = arith.constant 128 : i32
    %dma_start3A_56 = arith.constant 0 : i32
    %dma_start3A_57 = tpu.memref_slice %arg10[%dma_start3A_55, %dma_start3A_56] : memref<1024x64xf32, #tpu.memory_space<vmem>> -> memref<128x64xf32, #tpu.memory_space<vmem>>
    %dma_start3A_58 = arith.constant 0 : i32
    %dma_start3A_59 = tpu.memref_slice %arg8[%dma_start3A_54, %dma_start3A_58] : memref<8x128xi32, #tpu.memory_space<vmem>> -> memref<1x128xi32, #tpu.memory_space<vmem>>
    %dma_start3A_60 = tpu.memref_squeeze %dma_start3A_59 : memref<1x128xi32, #tpu.memory_space<vmem>> -> memref<128xi32, #tpu.memory_space<vmem>>
    %dma_start3A_61 = arith.constant 0 : i32
    %dma_start3A_62 = arith.constant 0 : i32
    %dma_start3A_63 = tpu.memref_slice %arg5[%dma_start3A_61, %dma_start3A_62] : memref<1000001x64xf32, #tpu.memory_space<hbm>> -> memref<1000001x64xf32, #tpu.memory_space<hbm>>
    tpu.enqueue_indirect_dma source(%dma_start3A_63 : memref<1000001x64xf32, #tpu.memory_space<hbm>>) target(%dma_start3A_57 : memref<128x64xf32, #tpu.memory_space<vmem>>) offsets(%dma_start3A_60 : memref<128xi32, #tpu.memory_space<vmem>>) semaphore(%arg12 : memref<!tpu.dma_semaphore, #tpu.memory_space<semaphore_mem>>)
    %dma_start3A_64 = arith.constant 2 : i32
    %dma_start3A_65 = arith.constant 256 : i32
    %dma_start3A_66 = arith.constant 0 : i32
    %dma_start3A_67 = tpu.memref_slice %arg10[%dma_start3A_65, %dma_start3A_66] : memref<1024x64xf32, #tpu.memory_space<vmem>> -> memref<128x64xf32, #tpu.memory_space<vmem>>
    %dma_start3A_68 = arith.constant 0 : i32
    %dma_start3A_69 = tpu.memref_slice %arg8[%dma_start3A_64, %dma_start3A_68] : memref<8x128xi32, #tpu.memory_space<vmem>> -> memref<1x128xi32, #tpu.memory_space<vmem>>
    %dma_start3A_70 = tpu.memref_squeeze %dma_start3A_69 : memref<1x128xi32, #tpu.memory_space<vmem>> -> memref<128xi32, #tpu.memory_space<vmem>>
    %dma_start3A_71 = arith.constant 0 : i32
    %dma_start3A_72 = arith.constant 0 : i32
    %dma_start3A_73 = tpu.memref_slice %arg5[%dma_start3A_71, %dma_start3A_72] : memref<1000001x64xf32, #tpu.memory_space<hbm>> -> memref<1000001x64xf32, #tpu.memory_space<hbm>>
    tpu.enqueue_indirect_dma source(%dma_start3A_73 : memref<1000001x64xf32, #tpu.memory_space<hbm>>) target(%dma_start3A_67 : memref<128x64xf32, #tpu.memory_space<vmem>>) offsets(%dma_start3A_70 : memref<128xi32, #tpu.memory_space<vmem>>) semaphore(%arg12 : memref<!tpu.dma_semaphore, #tpu.memory_space<semaphore_mem>>)
    %dma_start3A_74 = arith.constant 3 : i32
    %dma_start3A_75 = arith.constant 384 : i32
    %dma_start3A_76 = arith.constant 0 : i32
    %dma_start3A_77 = tpu.memref_slice %arg10[%dma_start3A_75, %dma_start3A_76] : memref<1024x64xf32, #tpu.memory_space<vmem>> -> memref<128x64xf32, #tpu.memory_space<vmem>>
    %dma_start3A_78 = arith.constant 0 : i32
    %dma_start3A_79 = tpu.memref_slice %arg8[%dma_start3A_74, %dma_start3A_78] : memref<8x128xi32, #tpu.memory_space<vmem>> -> memref<1x128xi32, #tpu.memory_space<vmem>>
    %dma_start3A_80 = tpu.memref_squeeze %dma_start3A_79 : memref<1x128xi32, #tpu.memory_space<vmem>> -> memref<128xi32, #tpu.memory_space<vmem>>
    %dma_start3A_81 = arith.constant 0 : i32
    %dma_start3A_82 = arith.constant 0 : i32
    %dma_start3A_83 = tpu.memref_slice %arg5[%dma_start3A_81, %dma_start3A_82] : memref<1000001x64xf32, #tpu.memory_space<hbm>> -> memref<1000001x64xf32, #tpu.memory_space<hbm>>
    tpu.enqueue_indirect_dma source(%dma_start3A_83 : memref<1000001x64xf32, #tpu.memory_space<hbm>>) target(%dma_start3A_77 : memref<128x64xf32, #tpu.memory_space<vmem>>) offsets(%dma_start3A_80 : memref<128xi32, #tpu.memory_space<vmem>>) semaphore(%arg12 : memref<!tpu.dma_semaphore, #tpu.memory_space<semaphore_mem>>)
    %dma_start3A_84 = arith.constant 4 : i32
    %dma_start3A_85 = arith.constant 512 : i32
    %dma_start3A_86 = arith.constant 0 : i32
    %dma_start3A_87 = tpu.memref_slice %arg10[%dma_start3A_85, %dma_start3A_86] : memref<1024x64xf32, #tpu.memory_space<vmem>> -> memref<128x64xf32, #tpu.memory_space<vmem>>
    %dma_start3A_88 = arith.constant 0 : i32
    %dma_start3A_89 = tpu.memref_slice %arg8[%dma_start3A_84, %dma_start3A_88] : memref<8x128xi32, #tpu.memory_space<vmem>> -> memref<1x128xi32, #tpu.memory_space<vmem>>
    %dma_start3A_90 = tpu.memref_squeeze %dma_start3A_89 : memref<1x128xi32, #tpu.memory_space<vmem>> -> memref<128xi32, #tpu.memory_space<vmem>>
    %dma_start3A_91 = arith.constant 0 : i32
    %dma_start3A_92 = arith.constant 0 : i32
    %dma_start3A_93 = tpu.memref_slice %arg5[%dma_start3A_91, %dma_start3A_92] : memref<1000001x64xf32, #tpu.memory_space<hbm>> -> memref<1000001x64xf32, #tpu.memory_space<hbm>>
    tpu.enqueue_indirect_dma source(%dma_start3A_93 : memref<1000001x64xf32, #tpu.memory_space<hbm>>) target(%dma_start3A_87 : memref<128x64xf32, #tpu.memory_space<vmem>>) offsets(%dma_start3A_90 : memref<128xi32, #tpu.memory_space<vmem>>) semaphore(%arg12 : memref<!tpu.dma_semaphore, #tpu.memory_space<semaphore_mem>>)
    %dma_start3A_94 = arith.constant 5 : i32
    %dma_start3A_95 = arith.constant 640 : i32
    %dma_start3A_96 = arith.constant 0 : i32
    %dma_start3A_97 = tpu.memref_slice %arg10[%dma_start3A_95, %dma_start3A_96] : memref<1024x64xf32, #tpu.memory_space<vmem>> -> memref<128x64xf32, #tpu.memory_space<vmem>>
    %dma_start3A_98 = arith.constant 0 : i32
    %dma_start3A_99 = tpu.memref_slice %arg8[%dma_start3A_94, %dma_start3A_98] : memref<8x128xi32, #tpu.memory_space<vmem>> -> memref<1x128xi32, #tpu.memory_space<vmem>>
    %dma_start3A_100 = tpu.memref_squeeze %dma_start3A_99 : memref<1x128xi32, #tpu.memory_space<vmem>> -> memref<128xi32, #tpu.memory_space<vmem>>
    %dma_start3A_101 = arith.constant 0 : i32
    %dma_start3A_102 = arith.constant 0 : i32
    %dma_start3A_103 = tpu.memref_slice %arg5[%dma_start3A_101, %dma_start3A_102] : memref<1000001x64xf32, #tpu.memory_space<hbm>> -> memref<1000001x64xf32, #tpu.memory_space<hbm>>
    tpu.enqueue_indirect_dma source(%dma_start3A_103 : memref<1000001x64xf32, #tpu.memory_space<hbm>>) target(%dma_start3A_97 : memref<128x64xf32, #tpu.memory_space<vmem>>) offsets(%dma_start3A_100 : memref<128xi32, #tpu.memory_space<vmem>>) semaphore(%arg12 : memref<!tpu.dma_semaphore, #tpu.memory_space<semaphore_mem>>)
    %dma_start3A_104 = arith.constant 6 : i32
    %dma_start3A_105 = arith.constant 768 : i32
    %dma_start3A_106 = arith.constant 0 : i32
    %dma_start3A_107 = tpu.memref_slice %arg10[%dma_start3A_105, %dma_start3A_106] : memref<1024x64xf32, #tpu.memory_space<vmem>> -> memref<128x64xf32, #tpu.memory_space<vmem>>
    %dma_start3A_108 = arith.constant 0 : i32
    %dma_start3A_109 = tpu.memref_slice %arg8[%dma_start3A_104, %dma_start3A_108] : memref<8x128xi32, #tpu.memory_space<vmem>> -> memref<1x128xi32, #tpu.memory_space<vmem>>
    %dma_start3A_110 = tpu.memref_squeeze %dma_start3A_109 : memref<1x128xi32, #tpu.memory_space<vmem>> -> memref<128xi32, #tpu.memory_space<vmem>>
    %dma_start3A_111 = arith.constant 0 : i32
    %dma_start3A_112 = arith.constant 0 : i32
    %dma_start3A_113 = tpu.memref_slice %arg5[%dma_start3A_111, %dma_start3A_112] : memref<1000001x64xf32, #tpu.memory_space<hbm>> -> memref<1000001x64xf32, #tpu.memory_space<hbm>>
    tpu.enqueue_indirect_dma source(%dma_start3A_113 : memref<1000001x64xf32, #tpu.memory_space<hbm>>) target(%dma_start3A_107 : memref<128x64xf32, #tpu.memory_space<vmem>>) offsets(%dma_start3A_110 : memref<128xi32, #tpu.memory_space<vmem>>) semaphore(%arg12 : memref<!tpu.dma_semaphore, #tpu.memory_space<semaphore_mem>>)
    %dma_start3A_114 = arith.constant 7 : i32
    %dma_start3A_115 = arith.constant 896 : i32
    %dma_start3A_116 = arith.constant 0 : i32
    %dma_start3A_117 = tpu.memref_slice %arg10[%dma_start3A_115, %dma_start3A_116] : memref<1024x64xf32, #tpu.memory_space<vmem>> -> memref<128x64xf32, #tpu.memory_space<vmem>>
    %dma_start3A_118 = arith.constant 0 : i32
    %dma_start3A_119 = tpu.memref_slice %arg8[%dma_start3A_114, %dma_start3A_118] : memref<8x128xi32, #tpu.memory_space<vmem>> -> memref<1x128xi32, #tpu.memory_space<vmem>>
    %dma_start3A_120 = tpu.memref_squeeze %dma_start3A_119 : memref<1x128xi32, #tpu.memory_space<vmem>> -> memref<128xi32, #tpu.memory_space<vmem>>
    %dma_start3A_121 = arith.constant 0 : i32
    %dma_start3A_122 = arith.constant 0 : i32
    %dma_start3A_123 = tpu.memref_slice %arg5[%dma_start3A_121, %dma_start3A_122] : memref<1000001x64xf32, #tpu.memory_space<hbm>> -> memref<1000001x64xf32, #tpu.memory_space<hbm>>
    tpu.enqueue_indirect_dma source(%dma_start3A_123 : memref<1000001x64xf32, #tpu.memory_space<hbm>>) target(%dma_start3A_117 : memref<128x64xf32, #tpu.memory_space<vmem>>) offsets(%dma_start3A_120 : memref<128xi32, #tpu.memory_space<vmem>>) semaphore(%arg12 : memref<!tpu.dma_semaphore, #tpu.memory_space<semaphore_mem>>)
    %dma_wait3A = arith.constant 0 : i32
    %dma_wait3A_124 = arith.constant 0 : i32
    %dma_wait3A_125 = arith.constant 0 : i32
    %dma_wait3A_126 = tpu.memref_slice %arg9[%dma_wait3A_124, %dma_wait3A_125] : memref<512x64xf32, #tpu.memory_space<vmem>> -> memref<128x64xf32, #tpu.memory_space<vmem>>
    %dma_wait3A_127 = arith.constant 0 : i32
    %dma_wait3A_128 = tpu.memref_slice %arg7[%dma_wait3A, %dma_wait3A_127] : memref<4x128xi32, #tpu.memory_space<vmem>> -> memref<1x128xi32, #tpu.memory_space<vmem>>
    %dma_wait3A_129 = tpu.memref_squeeze %dma_wait3A_128 : memref<1x128xi32, #tpu.memory_space<vmem>> -> memref<128xi32, #tpu.memory_space<vmem>>
    %dma_wait3A_130 = arith.constant 0 : i32
    %dma_wait3A_131 = arith.constant 0 : i32
    %dma_wait3A_132 = tpu.memref_slice %arg4[%dma_wait3A_130, %dma_wait3A_131] : memref<1000001x64xf32, #tpu.memory_space<hbm>> -> memref<1000001x64xf32, #tpu.memory_space<hbm>>
    tpu.wait_indirect_dma semaphore(%arg12 : memref<!tpu.dma_semaphore, #tpu.memory_space<semaphore_mem>>) src(%dma_wait3A_132 : memref<1000001x64xf32, #tpu.memory_space<hbm>>) dst(%dma_wait3A_126 : memref<128x64xf32, #tpu.memory_space<vmem>>)
    %dma_wait3A_133 = arith.constant 1 : i32
    %dma_wait3A_134 = arith.constant 128 : i32
    %dma_wait3A_135 = arith.constant 0 : i32
    %dma_wait3A_136 = tpu.memref_slice %arg9[%dma_wait3A_134, %dma_wait3A_135] : memref<512x64xf32, #tpu.memory_space<vmem>> -> memref<128x64xf32, #tpu.memory_space<vmem>>
    %dma_wait3A_137 = arith.constant 0 : i32
    %dma_wait3A_138 = tpu.memref_slice %arg7[%dma_wait3A_133, %dma_wait3A_137] : memref<4x128xi32, #tpu.memory_space<vmem>> -> memref<1x128xi32, #tpu.memory_space<vmem>>
    %dma_wait3A_139 = tpu.memref_squeeze %dma_wait3A_138 : memref<1x128xi32, #tpu.memory_space<vmem>> -> memref<128xi32, #tpu.memory_space<vmem>>
    %dma_wait3A_140 = arith.constant 0 : i32
    %dma_wait3A_141 = arith.constant 0 : i32
    %dma_wait3A_142 = tpu.memref_slice %arg4[%dma_wait3A_140, %dma_wait3A_141] : memref<1000001x64xf32, #tpu.memory_space<hbm>> -> memref<1000001x64xf32, #tpu.memory_space<hbm>>
    tpu.wait_indirect_dma semaphore(%arg12 : memref<!tpu.dma_semaphore, #tpu.memory_space<semaphore_mem>>) src(%dma_wait3A_142 : memref<1000001x64xf32, #tpu.memory_space<hbm>>) dst(%dma_wait3A_136 : memref<128x64xf32, #tpu.memory_space<vmem>>)
    %dma_wait3A_143 = arith.constant 2 : i32
    %dma_wait3A_144 = arith.constant 256 : i32
    %dma_wait3A_145 = arith.constant 0 : i32
    %dma_wait3A_146 = tpu.memref_slice %arg9[%dma_wait3A_144, %dma_wait3A_145] : memref<512x64xf32, #tpu.memory_space<vmem>> -> memref<128x64xf32, #tpu.memory_space<vmem>>
    %dma_wait3A_147 = arith.constant 0 : i32
    %dma_wait3A_148 = tpu.memref_slice %arg7[%dma_wait3A_143, %dma_wait3A_147] : memref<4x128xi32, #tpu.memory_space<vmem>> -> memref<1x128xi32, #tpu.memory_space<vmem>>
    %dma_wait3A_149 = tpu.memref_squeeze %dma_wait3A_148 : memref<1x128xi32, #tpu.memory_space<vmem>> -> memref<128xi32, #tpu.memory_space<vmem>>
    %dma_wait3A_150 = arith.constant 0 : i32
    %dma_wait3A_151 = arith.constant 0 : i32
    %dma_wait3A_152 = tpu.memref_slice %arg4[%dma_wait3A_150, %dma_wait3A_151] : memref<1000001x64xf32, #tpu.memory_space<hbm>> -> memref<1000001x64xf32, #tpu.memory_space<hbm>>
    tpu.wait_indirect_dma semaphore(%arg12 : memref<!tpu.dma_semaphore, #tpu.memory_space<semaphore_mem>>) src(%dma_wait3A_152 : memref<1000001x64xf32, #tpu.memory_space<hbm>>) dst(%dma_wait3A_146 : memref<128x64xf32, #tpu.memory_space<vmem>>)
    %dma_wait3A_153 = arith.constant 3 : i32
    %dma_wait3A_154 = arith.constant 384 : i32
    %dma_wait3A_155 = arith.constant 0 : i32
    %dma_wait3A_156 = tpu.memref_slice %arg9[%dma_wait3A_154, %dma_wait3A_155] : memref<512x64xf32, #tpu.memory_space<vmem>> -> memref<128x64xf32, #tpu.memory_space<vmem>>
    %dma_wait3A_157 = arith.constant 0 : i32
    %dma_wait3A_158 = tpu.memref_slice %arg7[%dma_wait3A_153, %dma_wait3A_157] : memref<4x128xi32, #tpu.memory_space<vmem>> -> memref<1x128xi32, #tpu.memory_space<vmem>>
    %dma_wait3A_159 = tpu.memref_squeeze %dma_wait3A_158 : memref<1x128xi32, #tpu.memory_space<vmem>> -> memref<128xi32, #tpu.memory_space<vmem>>
    %dma_wait3A_160 = arith.constant 0 : i32
    %dma_wait3A_161 = arith.constant 0 : i32
    %dma_wait3A_162 = tpu.memref_slice %arg4[%dma_wait3A_160, %dma_wait3A_161] : memref<1000001x64xf32, #tpu.memory_space<hbm>> -> memref<1000001x64xf32, #tpu.memory_space<hbm>>
    tpu.wait_indirect_dma semaphore(%arg12 : memref<!tpu.dma_semaphore, #tpu.memory_space<semaphore_mem>>) src(%dma_wait3A_162 : memref<1000001x64xf32, #tpu.memory_space<hbm>>) dst(%dma_wait3A_156 : memref<128x64xf32, #tpu.memory_space<vmem>>)
    %dma_wait3A_163 = arith.constant 0 : i32
    %dma_wait3A_164 = arith.constant 0 : i32
    %dma_wait3A_165 = arith.constant 0 : i32
    %dma_wait3A_166 = tpu.memref_slice %arg10[%dma_wait3A_164, %dma_wait3A_165] : memref<1024x64xf32, #tpu.memory_space<vmem>> -> memref<128x64xf32, #tpu.memory_space<vmem>>
    %dma_wait3A_167 = arith.constant 0 : i32
    %dma_wait3A_168 = tpu.memref_slice %arg8[%dma_wait3A_163, %dma_wait3A_167] : memref<8x128xi32, #tpu.memory_space<vmem>> -> memref<1x128xi32, #tpu.memory_space<vmem>>
    %dma_wait3A_169 = tpu.memref_squeeze %dma_wait3A_168 : memref<1x128xi32, #tpu.memory_space<vmem>> -> memref<128xi32, #tpu.memory_space<vmem>>
    %dma_wait3A_170 = arith.constant 0 : i32
    %dma_wait3A_171 = arith.constant 0 : i32
    %dma_wait3A_172 = tpu.memref_slice %arg5[%dma_wait3A_170, %dma_wait3A_171] : memref<1000001x64xf32, #tpu.memory_space<hbm>> -> memref<1000001x64xf32, #tpu.memory_space<hbm>>
    tpu.wait_indirect_dma semaphore(%arg12 : memref<!tpu.dma_semaphore, #tpu.memory_space<semaphore_mem>>) src(%dma_wait3A_172 : memref<1000001x64xf32, #tpu.memory_space<hbm>>) dst(%dma_wait3A_166 : memref<128x64xf32, #tpu.memory_space<vmem>>)
    %dma_wait3A_173 = arith.constant 1 : i32
    %dma_wait3A_174 = arith.constant 128 : i32
    %dma_wait3A_175 = arith.constant 0 : i32
    %dma_wait3A_176 = tpu.memref_slice %arg10[%dma_wait3A_174, %dma_wait3A_175] : memref<1024x64xf32, #tpu.memory_space<vmem>> -> memref<128x64xf32, #tpu.memory_space<vmem>>
    %dma_wait3A_177 = arith.constant 0 : i32
    %dma_wait3A_178 = tpu.memref_slice %arg8[%dma_wait3A_173, %dma_wait3A_177] : memref<8x128xi32, #tpu.memory_space<vmem>> -> memref<1x128xi32, #tpu.memory_space<vmem>>
    %dma_wait3A_179 = tpu.memref_squeeze %dma_wait3A_178 : memref<1x128xi32, #tpu.memory_space<vmem>> -> memref<128xi32, #tpu.memory_space<vmem>>
    %dma_wait3A_180 = arith.constant 0 : i32
    %dma_wait3A_181 = arith.constant 0 : i32
    %dma_wait3A_182 = tpu.memref_slice %arg5[%dma_wait3A_180, %dma_wait3A_181] : memref<1000001x64xf32, #tpu.memory_space<hbm>> -> memref<1000001x64xf32, #tpu.memory_space<hbm>>
    tpu.wait_indirect_dma semaphore(%arg12 : memref<!tpu.dma_semaphore, #tpu.memory_space<semaphore_mem>>) src(%dma_wait3A_182 : memref<1000001x64xf32, #tpu.memory_space<hbm>>) dst(%dma_wait3A_176 : memref<128x64xf32, #tpu.memory_space<vmem>>)
    %dma_wait3A_183 = arith.constant 2 : i32
    %dma_wait3A_184 = arith.constant 256 : i32
    %dma_wait3A_185 = arith.constant 0 : i32
    %dma_wait3A_186 = tpu.memref_slice %arg10[%dma_wait3A_184, %dma_wait3A_185] : memref<1024x64xf32, #tpu.memory_space<vmem>> -> memref<128x64xf32, #tpu.memory_space<vmem>>
    %dma_wait3A_187 = arith.constant 0 : i32
    %dma_wait3A_188 = tpu.memref_slice %arg8[%dma_wait3A_183, %dma_wait3A_187] : memref<8x128xi32, #tpu.memory_space<vmem>> -> memref<1x128xi32, #tpu.memory_space<vmem>>
    %dma_wait3A_189 = tpu.memref_squeeze %dma_wait3A_188 : memref<1x128xi32, #tpu.memory_space<vmem>> -> memref<128xi32, #tpu.memory_space<vmem>>
    %dma_wait3A_190 = arith.constant 0 : i32
    %dma_wait3A_191 = arith.constant 0 : i32
    %dma_wait3A_192 = tpu.memref_slice %arg5[%dma_wait3A_190, %dma_wait3A_191] : memref<1000001x64xf32, #tpu.memory_space<hbm>> -> memref<1000001x64xf32, #tpu.memory_space<hbm>>
    tpu.wait_indirect_dma semaphore(%arg12 : memref<!tpu.dma_semaphore, #tpu.memory_space<semaphore_mem>>) src(%dma_wait3A_192 : memref<1000001x64xf32, #tpu.memory_space<hbm>>) dst(%dma_wait3A_186 : memref<128x64xf32, #tpu.memory_space<vmem>>)
    %dma_wait3A_193 = arith.constant 3 : i32
    %dma_wait3A_194 = arith.constant 384 : i32
    %dma_wait3A_195 = arith.constant 0 : i32
    %dma_wait3A_196 = tpu.memref_slice %arg10[%dma_wait3A_194, %dma_wait3A_195] : memref<1024x64xf32, #tpu.memory_space<vmem>> -> memref<128x64xf32, #tpu.memory_space<vmem>>
    %dma_wait3A_197 = arith.constant 0 : i32
    %dma_wait3A_198 = tpu.memref_slice %arg8[%dma_wait3A_193, %dma_wait3A_197] : memref<8x128xi32, #tpu.memory_space<vmem>> -> memref<1x128xi32, #tpu.memory_space<vmem>>
    %dma_wait3A_199 = tpu.memref_squeeze %dma_wait3A_198 : memref<1x128xi32, #tpu.memory_space<vmem>> -> memref<128xi32, #tpu.memory_space<vmem>>
    %dma_wait3A_200 = arith.constant 0 : i32
    %dma_wait3A_201 = arith.constant 0 : i32
    %dma_wait3A_202 = tpu.memref_slice %arg5[%dma_wait3A_200, %dma_wait3A_201] : memref<1000001x64xf32, #tpu.memory_space<hbm>> -> memref<1000001x64xf32, #tpu.memory_space<hbm>>
    tpu.wait_indirect_dma semaphore(%arg12 : memref<!tpu.dma_semaphore, #tpu.memory_space<semaphore_mem>>) src(%dma_wait3A_202 : memref<1000001x64xf32, #tpu.memory_space<hbm>>) dst(%dma_wait3A_196 : memref<128x64xf32, #tpu.memory_space<vmem>>)
    %dma_wait3A_203 = arith.constant 4 : i32
    %dma_wait3A_204 = arith.constant 512 : i32
    %dma_wait3A_205 = arith.constant 0 : i32
    %dma_wait3A_206 = tpu.memref_slice %arg10[%dma_wait3A_204, %dma_wait3A_205] : memref<1024x64xf32, #tpu.memory_space<vmem>> -> memref<128x64xf32, #tpu.memory_space<vmem>>
    %dma_wait3A_207 = arith.constant 0 : i32
    %dma_wait3A_208 = tpu.memref_slice %arg8[%dma_wait3A_203, %dma_wait3A_207] : memref<8x128xi32, #tpu.memory_space<vmem>> -> memref<1x128xi32, #tpu.memory_space<vmem>>
    %dma_wait3A_209 = tpu.memref_squeeze %dma_wait3A_208 : memref<1x128xi32, #tpu.memory_space<vmem>> -> memref<128xi32, #tpu.memory_space<vmem>>
    %dma_wait3A_210 = arith.constant 0 : i32
    %dma_wait3A_211 = arith.constant 0 : i32
    %dma_wait3A_212 = tpu.memref_slice %arg5[%dma_wait3A_210, %dma_wait3A_211] : memref<1000001x64xf32, #tpu.memory_space<hbm>> -> memref<1000001x64xf32, #tpu.memory_space<hbm>>
    tpu.wait_indirect_dma semaphore(%arg12 : memref<!tpu.dma_semaphore, #tpu.memory_space<semaphore_mem>>) src(%dma_wait3A_212 : memref<1000001x64xf32, #tpu.memory_space<hbm>>) dst(%dma_wait3A_206 : memref<128x64xf32, #tpu.memory_space<vmem>>)
    %dma_wait3A_213 = arith.constant 5 : i32
    %dma_wait3A_214 = arith.constant 640 : i32
    %dma_wait3A_215 = arith.constant 0 : i32
    %dma_wait3A_216 = tpu.memref_slice %arg10[%dma_wait3A_214, %dma_wait3A_215] : memref<1024x64xf32, #tpu.memory_space<vmem>> -> memref<128x64xf32, #tpu.memory_space<vmem>>
    %dma_wait3A_217 = arith.constant 0 : i32
    %dma_wait3A_218 = tpu.memref_slice %arg8[%dma_wait3A_213, %dma_wait3A_217] : memref<8x128xi32, #tpu.memory_space<vmem>> -> memref<1x128xi32, #tpu.memory_space<vmem>>
    %dma_wait3A_219 = tpu.memref_squeeze %dma_wait3A_218 : memref<1x128xi32, #tpu.memory_space<vmem>> -> memref<128xi32, #tpu.memory_space<vmem>>
    %dma_wait3A_220 = arith.constant 0 : i32
    %dma_wait3A_221 = arith.constant 0 : i32
    %dma_wait3A_222 = tpu.memref_slice %arg5[%dma_wait3A_220, %dma_wait3A_221] : memref<1000001x64xf32, #tpu.memory_space<hbm>> -> memref<1000001x64xf32, #tpu.memory_space<hbm>>
    tpu.wait_indirect_dma semaphore(%arg12 : memref<!tpu.dma_semaphore, #tpu.memory_space<semaphore_mem>>) src(%dma_wait3A_222 : memref<1000001x64xf32, #tpu.memory_space<hbm>>) dst(%dma_wait3A_216 : memref<128x64xf32, #tpu.memory_space<vmem>>)
    %dma_wait3A_223 = arith.constant 6 : i32
    %dma_wait3A_224 = arith.constant 768 : i32
    %dma_wait3A_225 = arith.constant 0 : i32
    %dma_wait3A_226 = tpu.memref_slice %arg10[%dma_wait3A_224, %dma_wait3A_225] : memref<1024x64xf32, #tpu.memory_space<vmem>> -> memref<128x64xf32, #tpu.memory_space<vmem>>
    %dma_wait3A_227 = arith.constant 0 : i32
    %dma_wait3A_228 = tpu.memref_slice %arg8[%dma_wait3A_223, %dma_wait3A_227] : memref<8x128xi32, #tpu.memory_space<vmem>> -> memref<1x128xi32, #tpu.memory_space<vmem>>
    %dma_wait3A_229 = tpu.memref_squeeze %dma_wait3A_228 : memref<1x128xi32, #tpu.memory_space<vmem>> -> memref<128xi32, #tpu.memory_space<vmem>>
    %dma_wait3A_230 = arith.constant 0 : i32
    %dma_wait3A_231 = arith.constant 0 : i32
    %dma_wait3A_232 = tpu.memref_slice %arg5[%dma_wait3A_230, %dma_wait3A_231] : memref<1000001x64xf32, #tpu.memory_space<hbm>> -> memref<1000001x64xf32, #tpu.memory_space<hbm>>
    tpu.wait_indirect_dma semaphore(%arg12 : memref<!tpu.dma_semaphore, #tpu.memory_space<semaphore_mem>>) src(%dma_wait3A_232 : memref<1000001x64xf32, #tpu.memory_space<hbm>>) dst(%dma_wait3A_226 : memref<128x64xf32, #tpu.memory_space<vmem>>)
    %dma_wait3A_233 = arith.constant 7 : i32
    %dma_wait3A_234 = arith.constant 896 : i32
    %dma_wait3A_235 = arith.constant 0 : i32
    %dma_wait3A_236 = tpu.memref_slice %arg10[%dma_wait3A_234, %dma_wait3A_235] : memref<1024x64xf32, #tpu.memory_space<vmem>> -> memref<128x64xf32, #tpu.memory_space<vmem>>
    %dma_wait3A_237 = arith.constant 0 : i32
    %dma_wait3A_238 = tpu.memref_slice %arg8[%dma_wait3A_233, %dma_wait3A_237] : memref<8x128xi32, #tpu.memory_space<vmem>> -> memref<1x128xi32, #tpu.memory_space<vmem>>
    %dma_wait3A_239 = tpu.memref_squeeze %dma_wait3A_238 : memref<1x128xi32, #tpu.memory_space<vmem>> -> memref<128xi32, #tpu.memory_space<vmem>>
    %dma_wait3A_240 = arith.constant 0 : i32
    %dma_wait3A_241 = arith.constant 0 : i32
    %dma_wait3A_242 = tpu.memref_slice %arg5[%dma_wait3A_240, %dma_wait3A_241] : memref<1000001x64xf32, #tpu.memory_space<hbm>> -> memref<1000001x64xf32, #tpu.memory_space<hbm>>
    tpu.wait_indirect_dma semaphore(%arg12 : memref<!tpu.dma_semaphore, #tpu.memory_space<semaphore_mem>>) src(%dma_wait3A_242 : memref<1000001x64xf32, #tpu.memory_space<hbm>>) dst(%dma_wait3A_236 : memref<128x64xf32, #tpu.memory_space<vmem>>)
    %iota3A = tpu.iota {dimensions = array<i32: 0>} : vector<16xi32>
    %scan3A = arith.constant 0 : i32
    %scan3A_243 = arith.constant 0 : i32
    %scan3A_244 = arith.constant 32 : i32
    %scan3A_245 = arith.addi %scan3A_243, %scan3A_244 : i32
    %scan3A_246 = arith.constant 1 : i32
    scf.for %scan3A_250 = %scan3A_243 to %scan3A_245 step %scan3A_246  : i32 {
      %mul3A_251 = arith.constant 16 : i32
      %mul3A_252 = arith.muli %scan3A_250, %mul3A_251 : i32
      %add3A_253 = vector.broadcast %mul3A_252 : i32 to vector<16xi32>
      %add3A_254 = arith.addi %add3A_253, %iota3A : vector<16xi32>
      %mul3A_255 = arith.constant 2 : i32
      %mul3A_256 = vector.broadcast %mul3A_255 : i32 to vector<16xi32>
      %mul3A_257 = arith.muli %add3A_254, %mul3A_256 : vector<16xi32>
      %broadcast_in_dim3A = arith.constant 0.000000e+00 : f32
      %broadcast_in_dim3A_258 = vector.broadcast %broadcast_in_dim3A : f32 to vector<16xf32>
      %broadcast_in_dim3A_259 = arith.constant 0 : i32
      %broadcast_in_dim3A_260 = vector.broadcast %broadcast_in_dim3A_259 : i32 to vector<16xi32>
      %gather3A = tpu.vector_load_idx %arg9[%add3A_254, %broadcast_in_dim3A_260] : memref<512x64xf32, #tpu.memory_space<vmem>>[vector<16xi32>, vector<16xi32>], vector<16xf32>,
      %add3A_261 = arith.constant 0 : i32
      %add3A_262 = vector.broadcast %add3A_261 : i32 to vector<16xi32>
      %add3A_263 = arith.addi %mul3A_257, %add3A_262 : vector<16xi32>
      %gather3A_264 = tpu.vector_load_idx %arg10[%add3A_263, %broadcast_in_dim3A_260] : memref<1024x64xf32, #tpu.memory_space<vmem>>[vector<16xi32>, vector<16xi32>], vector<16xf32>,
      %mul3A_265 = arith.mulf %gather3A, %gather3A_264 : vector<16xf32>
      %add3A_266 = arith.addf %broadcast_in_dim3A_258, %mul3A_265 : vector<16xf32>
      %add3A_267 = arith.constant 1 : i32
      %add3A_268 = vector.broadcast %add3A_267 : i32 to vector<16xi32>
      %add3A_269 = arith.addi %mul3A_257, %add3A_268 : vector<16xi32>
      %gather3A_270 = tpu.vector_load_idx %arg10[%add3A_269, %broadcast_in_dim3A_260] : memref<1024x64xf32, #tpu.memory_space<vmem>>[vector<16xi32>, vector<16xi32>], vector<16xf32>,
      %mul3A_271 = arith.mulf %gather3A, %gather3A_270 : vector<16xf32>
      %add3A_272 = arith.addf %broadcast_in_dim3A_258, %mul3A_271 : vector<16xf32>
      %broadcast_in_dim3A_273 = arith.constant 1 : i32
      %broadcast_in_dim3A_274 = vector.broadcast %broadcast_in_dim3A_273 : i32 to vector<16xi32>
      %gather3A_275 = tpu.vector_load_idx %arg9[%add3A_254, %broadcast_in_dim3A_274] : memref<512x64xf32, #tpu.memory_space<vmem>>[vector<16xi32>, vector<16xi32>], vector<16xf32>,
      %add3A_276 = arith.constant 0 : i32
      %add3A_277 = vector.broadcast %add3A_276 : i32 to vector<16xi32>
      %add3A_278 = arith.addi %mul3A_257, %add3A_277 : vector<16xi32>
      %gather3A_279 = tpu.vector_load_idx %arg10[%add3A_278, %broadcast_in_dim3A_274] : memref<1024x64xf32, #tpu.memory_space<vmem>>[vector<16xi32>, vector<16xi32>], vector<16xf32>,
      %mul3A_280 = arith.mulf %gather3A_275, %gather3A_279 : vector<16xf32>
      %add3A_281 = arith.addf %broadcast_in_dim3A_258, %mul3A_280 : vector<16xf32>
      %add3A_282 = arith.constant 1 : i32
      %add3A_283 = vector.broadcast %add3A_282 : i32 to vector<16xi32>
      %add3A_284 = arith.addi %mul3A_257, %add3A_283 : vector<16xi32>
      %gather3A_285 = tpu.vector_load_idx %arg10[%add3A_284, %broadcast_in_dim3A_274] : memref<1024x64xf32, #tpu.memory_space<vmem>>[vector<16xi32>, vector<16xi32>], vector<16xf32>,
      %mul3A_286 = arith.mulf %gather3A_275, %gather3A_285 : vector<16xf32>
      %add3A_287 = arith.addf %broadcast_in_dim3A_258, %mul3A_286 : vector<16xf32>
      %broadcast_in_dim3A_288 = arith.constant 2 : i32
      %broadcast_in_dim3A_289 = vector.broadcast %broadcast_in_dim3A_288 : i32 to vector<16xi32>
      %gather3A_290 = tpu.vector_load_idx %arg9[%add3A_254, %broadcast_in_dim3A_289] : memref<512x64xf32, #tpu.memory_space<vmem>>[vector<16xi32>, vector<16xi32>], vector<16xf32>,
      %add3A_291 = arith.constant 0 : i32
      %add3A_292 = vector.broadcast %add3A_291 : i32 to vector<16xi32>
      %add3A_293 = arith.addi %mul3A_257, %add3A_292 : vector<16xi32>
      %gather3A_294 = tpu.vector_load_idx %arg10[%add3A_293, %broadcast_in_dim3A_289] : memref<1024x64xf32, #tpu.memory_space<vmem>>[vector<16xi32>, vector<16xi32>], vector<16xf32>,
      %mul3A_295 = arith.mulf %gather3A_290, %gather3A_294 : vector<16xf32>
      %add3A_296 = arith.addf %add3A_266, %mul3A_295 : vector<16xf32>
      %add3A_297 = arith.constant 1 : i32
      %add3A_298 = vector.broadcast %add3A_297 : i32 to vector<16xi32>
      %add3A_299 = arith.addi %mul3A_257, %add3A_298 : vector<16xi32>
      %gather3A_300 = tpu.vector_load_idx %arg10[%add3A_299, %broadcast_in_dim3A_289] : memref<1024x64xf32, #tpu.memory_space<vmem>>[vector<16xi32>, vector<16xi32>], vector<16xf32>,
      %mul3A_301 = arith.mulf %gather3A_290, %gather3A_300 : vector<16xf32>
      %add3A_302 = arith.addf %add3A_272, %mul3A_301 : vector<16xf32>
      %broadcast_in_dim3A_303 = arith.constant 3 : i32
      %broadcast_in_dim3A_304 = vector.broadcast %broadcast_in_dim3A_303 : i32 to vector<16xi32>
      %gather3A_305 = tpu.vector_load_idx %arg9[%add3A_254, %broadcast_in_dim3A_304] : memref<512x64xf32, #tpu.memory_space<vmem>>[vector<16xi32>, vector<16xi32>], vector<16xf32>,
      %add3A_306 = arith.constant 0 : i32
      %add3A_307 = vector.broadcast %add3A_306 : i32 to vector<16xi32>
      %add3A_308 = arith.addi %mul3A_257, %add3A_307 : vector<16xi32>
      %gather3A_309 = tpu.vector_load_idx %arg10[%add3A_308, %broadcast_in_dim3A_304] : memref<1024x64xf32, #tpu.memory_space<vmem>>[vector<16xi32>, vector<16xi32>], vector<16xf32>,
      %mul3A_310 = arith.mulf %gather3A_305, %gather3A_309 : vector<16xf32>
      %add3A_311 = arith.addf %add3A_281, %mul3A_310 : vector<16xf32>
      %add3A_312 = arith.constant 1 : i32
      %add3A_313 = vector.broadcast %add3A_312 : i32 to vector<16xi32>
      %add3A_314 = arith.addi %mul3A_257, %add3A_313 : vector<16xi32>
      %gather3A_315 = tpu.vector_load_idx %arg10[%add3A_314, %broadcast_in_dim3A_304] : memref<1024x64xf32, #tpu.memory_space<vmem>>[vector<16xi32>, vector<16xi32>], vector<16xf32>,
      %mul3A_316 = arith.mulf %gather3A_305, %gather3A_315 : vector<16xf32>
      %add3A_317 = arith.addf %add3A_287, %mul3A_316 : vector<16xf32>
      %broadcast_in_dim3A_318 = arith.constant 4 : i32
      %broadcast_in_dim3A_319 = vector.broadcast %broadcast_in_dim3A_318 : i32 to vector<16xi32>
      %gather3A_320 = tpu.vector_load_idx %arg9[%add3A_254, %broadcast_in_dim3A_319] : memref<512x64xf32, #tpu.memory_space<vmem>>[vector<16xi32>, vector<16xi32>], vector<16xf32>,
      %add3A_321 = arith.constant 0 : i32
      %add3A_322 = vector.broadcast %add3A_321 : i32 to vector<16xi32>
      %add3A_323 = arith.addi %mul3A_257, %add3A_322 : vector<16xi32>
      %gather3A_324 = tpu.vector_load_idx %arg10[%add3A_323, %broadcast_in_dim3A_319] : memref<1024x64xf32, #tpu.memory_space<vmem>>[vector<16xi32>, vector<16xi32>], vector<16xf32>,
      %mul3A_325 = arith.mulf %gather3A_320, %gather3A_324 : vector<16xf32>
      %add3A_326 = arith.addf %add3A_296, %mul3A_325 : vector<16xf32>
      %add3A_327 = arith.constant 1 : i32
      %add3A_328 = vector.broadcast %add3A_327 : i32 to vector<16xi32>
      %add3A_329 = arith.addi %mul3A_257, %add3A_328 : vector<16xi32>
      %gather3A_330 = tpu.vector_load_idx %arg10[%add3A_329, %broadcast_in_dim3A_319] : memref<1024x64xf32, #tpu.memory_space<vmem>>[vector<16xi32>, vector<16xi32>], vector<16xf32>,
      %mul3A_331 = arith.mulf %gather3A_320, %gather3A_330 : vector<16xf32>
      %add3A_332 = arith.addf %add3A_302, %mul3A_331 : vector<16xf32>
      %broadcast_in_dim3A_333 = arith.constant 5 : i32
      %broadcast_in_dim3A_334 = vector.broadcast %broadcast_in_dim3A_333 : i32 to vector<16xi32>
      %gather3A_335 = tpu.vector_load_idx %arg9[%add3A_254, %broadcast_in_dim3A_334] : memref<512x64xf32, #tpu.memory_space<vmem>>[vector<16xi32>, vector<16xi32>], vector<16xf32>,
      %add3A_336 = arith.constant 0 : i32
      %add3A_337 = vector.broadcast %add3A_336 : i32 to vector<16xi32>
      %add3A_338 = arith.addi %mul3A_257, %add3A_337 : vector<16xi32>
      %gather3A_339 = tpu.vector_load_idx %arg10[%add3A_338, %broadcast_in_dim3A_334] : memref<1024x64xf32, #tpu.memory_space<vmem>>[vector<16xi32>, vector<16xi32>], vector<16xf32>,
      %mul3A_340 = arith.mulf %gather3A_335, %gather3A_339 : vector<16xf32>
      %add3A_341 = arith.addf %add3A_311, %mul3A_340 : vector<16xf32>
      %add3A_342 = arith.constant 1 : i32
      %add3A_343 = vector.broadcast %add3A_342 : i32 to vector<16xi32>
      %add3A_344 = arith.addi %mul3A_257, %add3A_343 : vector<16xi32>
      %gather3A_345 = tpu.vector_load_idx %arg10[%add3A_344, %broadcast_in_dim3A_334] : memref<1024x64xf32, #tpu.memory_space<vmem>>[vector<16xi32>, vector<16xi32>], vector<16xf32>,
      %mul3A_346 = arith.mulf %gather3A_335, %gather3A_345 : vector<16xf32>
      %add3A_347 = arith.addf %add3A_317, %mul3A_346 : vector<16xf32>
      %broadcast_in_dim3A_348 = arith.constant 6 : i32
      %broadcast_in_dim3A_349 = vector.broadcast %broadcast_in_dim3A_348 : i32 to vector<16xi32>
      %gather3A_350 = tpu.vector_load_idx %arg9[%add3A_254, %broadcast_in_dim3A_349] : memref<512x64xf32, #tpu.memory_space<vmem>>[vector<16xi32>, vector<16xi32>], vector<16xf32>,
      %add3A_351 = arith.constant 0 : i32
      %add3A_352 = vector.broadcast %add3A_351 : i32 to vector<16xi32>
      %add3A_353 = arith.addi %mul3A_257, %add3A_352 : vector<16xi32>
      %gather3A_354 = tpu.vector_load_idx %arg10[%add3A_353, %broadcast_in_dim3A_349] : memref<1024x64xf32, #tpu.memory_space<vmem>>[vector<16xi32>, vector<16xi32>], vector<16xf32>,
      %mul3A_355 = arith.mulf %gather3A_350, %gather3A_354 : vector<16xf32>
      %add3A_356 = arith.addf %add3A_326, %mul3A_355 : vector<16xf32>
      %add3A_357 = arith.constant 1 : i32
      %add3A_358 = vector.broadcast %add3A_357 : i32 to vector<16xi32>
      %add3A_359 = arith.addi %mul3A_257, %add3A_358 : vector<16xi32>
      %gather3A_360 = tpu.vector_load_idx %arg10[%add3A_359, %broadcast_in_dim3A_349] : memref<1024x64xf32, #tpu.memory_space<vmem>>[vector<16xi32>, vector<16xi32>], vector<16xf32>,
      %mul3A_361 = arith.mulf %gather3A_350, %gather3A_360 : vector<16xf32>
      %add3A_362 = arith.addf %add3A_332, %mul3A_361 : vector<16xf32>
      %broadcast_in_dim3A_363 = arith.constant 7 : i32
      %broadcast_in_dim3A_364 = vector.broadcast %broadcast_in_dim3A_363 : i32 to vector<16xi32>
      %gather3A_365 = tpu.vector_load_idx %arg9[%add3A_254, %broadcast_in_dim3A_364] : memref<512x64xf32, #tpu.memory_space<vmem>>[vector<16xi32>, vector<16xi32>], vector<16xf32>,
      %add3A_366 = arith.constant 0 : i32
      %add3A_367 = vector.broadcast %add3A_366 : i32 to vector<16xi32>
      %add3A_368 = arith.addi %mul3A_257, %add3A_367 : vector<16xi32>
      %gather3A_369 = tpu.vector_load_idx %arg10[%add3A_368, %broadcast_in_dim3A_364] : memref<1024x64xf32, #tpu.memory_space<vmem>>[vector<16xi32>, vector<16xi32>], vector<16xf32>,
      %mul3A_370 = arith.mulf %gather3A_365, %gather3A_369 : vector<16xf32>
      %add3A_371 = arith.addf %add3A_341, %mul3A_370 : vector<16xf32>
      %add3A_372 = arith.constant 1 : i32
      %add3A_373 = vector.broadcast %add3A_372 : i32 to vector<16xi32>
      %add3A_374 = arith.addi %mul3A_257, %add3A_373 : vector<16xi32>
      %gather3A_375 = tpu.vector_load_idx %arg10[%add3A_374, %broadcast_in_dim3A_364] : memref<1024x64xf32, #tpu.memory_space<vmem>>[vector<16xi32>, vector<16xi32>], vector<16xf32>,
      %mul3A_376 = arith.mulf %gather3A_365, %gather3A_375 : vector<16xf32>
      %add3A_377 = arith.addf %add3A_347, %mul3A_376 : vector<16xf32>
      %broadcast_in_dim3A_378 = arith.constant 8 : i32
      %broadcast_in_dim3A_379 = vector.broadcast %broadcast_in_dim3A_378 : i32 to vector<16xi32>
      %gather3A_380 = tpu.vector_load_idx %arg9[%add3A_254, %broadcast_in_dim3A_379] : memref<512x64xf32, #tpu.memory_space<vmem>>[vector<16xi32>, vector<16xi32>], vector<16xf32>,
      %add3A_381 = arith.constant 0 : i32
      %add3A_382 = vector.broadcast %add3A_381 : i32 to vector<16xi32>
      %add3A_383 = arith.addi %mul3A_257, %add3A_382 : vector<16xi32>
      %gather3A_384 = tpu.vector_load_idx %arg10[%add3A_383, %broadcast_in_dim3A_379] : memref<1024x64xf32, #tpu.memory_space<vmem>>[vector<16xi32>, vector<16xi32>], vector<16xf32>,
      %mul3A_385 = arith.mulf %gather3A_380, %gather3A_384 : vector<16xf32>
      %add3A_386 = arith.addf %add3A_356, %mul3A_385 : vector<16xf32>
      %add3A_387 = arith.constant 1 : i32
      %add3A_388 = vector.broadcast %add3A_387 : i32 to vector<16xi32>
      %add3A_389 = arith.addi %mul3A_257, %add3A_388 : vector<16xi32>
      %gather3A_390 = tpu.vector_load_idx %arg10[%add3A_389, %broadcast_in_dim3A_379] : memref<1024x64xf32, #tpu.memory_space<vmem>>[vector<16xi32>, vector<16xi32>], vector<16xf32>,
      %mul3A_391 = arith.mulf %gather3A_380, %gather3A_390 : vector<16xf32>
      %add3A_392 = arith.addf %add3A_362, %mul3A_391 : vector<16xf32>
      %broadcast_in_dim3A_393 = arith.constant 9 : i32
      %broadcast_in_dim3A_394 = vector.broadcast %broadcast_in_dim3A_393 : i32 to vector<16xi32>
      %gather3A_395 = tpu.vector_load_idx %arg9[%add3A_254, %broadcast_in_dim3A_394] : memref<512x64xf32, #tpu.memory_space<vmem>>[vector<16xi32>, vector<16xi32>], vector<16xf32>,
      %add3A_396 = arith.constant 0 : i32
      %add3A_397 = vector.broadcast %add3A_396 : i32 to vector<16xi32>
      %add3A_398 = arith.addi %mul3A_257, %add3A_397 : vector<16xi32>
      %gather3A_399 = tpu.vector_load_idx %arg10[%add3A_398, %broadcast_in_dim3A_394] : memref<1024x64xf32, #tpu.memory_space<vmem>>[vector<16xi32>, vector<16xi32>], vector<16xf32>,
      %mul3A_400 = arith.mulf %gather3A_395, %gather3A_399 : vector<16xf32>
      %add3A_401 = arith.addf %add3A_371, %mul3A_400 : vector<16xf32>
      %add3A_402 = arith.constant 1 : i32
      %add3A_403 = vector.broadcast %add3A_402 : i32 to vector<16xi32>
      %add3A_404 = arith.addi %mul3A_257, %add3A_403 : vector<16xi32>
      %gather3A_405 = tpu.vector_load_idx %arg10[%add3A_404, %broadcast_in_dim3A_394] : memref<1024x64xf32, #tpu.memory_space<vmem>>[vector<16xi32>, vector<16xi32>], vector<16xf32>,
      %mul3A_406 = arith.mulf %gather3A_395, %gather3A_405 : vector<16xf32>
      %add3A_407 = arith.addf %add3A_377, %mul3A_406 : vector<16xf32>
      %broadcast_in_dim3A_408 = arith.constant 10 : i32
      %broadcast_in_dim3A_409 = vector.broadcast %broadcast_in_dim3A_408 : i32 to vector<16xi32>
      %gather3A_410 = tpu.vector_load_idx %arg9[%add3A_254, %broadcast_in_dim3A_409] : memref<512x64xf32, #tpu.memory_space<vmem>>[vector<16xi32>, vector<16xi32>], vector<16xf32>,
      %add3A_411 = arith.constant 0 : i32
      %add3A_412 = vector.broadcast %add3A_411 : i32 to vector<16xi32>
      %add3A_413 = arith.addi %mul3A_257, %add3A_412 : vector<16xi32>
      %gather3A_414 = tpu.vector_load_idx %arg10[%add3A_413, %broadcast_in_dim3A_409] : memref<1024x64xf32, #tpu.memory_space<vmem>>[vector<16xi32>, vector<16xi32>], vector<16xf32>,
      %mul3A_415 = arith.mulf %gather3A_410, %gather3A_414 : vector<16xf32>
      %add3A_416 = arith.addf %add3A_386, %mul3A_415 : vector<16xf32>
      %add3A_417 = arith.constant 1 : i32
      %add3A_418 = vector.broadcast %add3A_417 : i32 to vector<16xi32>
      %add3A_419 = arith.addi %mul3A_257, %add3A_418 : vector<16xi32>
      %gather3A_420 = tpu.vector_load_idx %arg10[%add3A_419, %broadcast_in_dim3A_409] : memref<1024x64xf32, #tpu.memory_space<vmem>>[vector<16xi32>, vector<16xi32>], vector<16xf32>,
      %mul3A_421 = arith.mulf %gather3A_410, %gather3A_420 : vector<16xf32>
      %add3A_422 = arith.addf %add3A_392, %mul3A_421 : vector<16xf32>
      %broadcast_in_dim3A_423 = arith.constant 11 : i32
      %broadcast_in_dim3A_424 = vector.broadcast %broadcast_in_dim3A_423 : i32 to vector<16xi32>
      %gather3A_425 = tpu.vector_load_idx %arg9[%add3A_254, %broadcast_in_dim3A_424] : memref<512x64xf32, #tpu.memory_space<vmem>>[vector<16xi32>, vector<16xi32>], vector<16xf32>,
      %add3A_426 = arith.constant 0 : i32
      %add3A_427 = vector.broadcast %add3A_426 : i32 to vector<16xi32>
      %add3A_428 = arith.addi %mul3A_257, %add3A_427 : vector<16xi32>
      %gather3A_429 = tpu.vector_load_idx %arg10[%add3A_428, %broadcast_in_dim3A_424] : memref<1024x64xf32, #tpu.memory_space<vmem>>[vector<16xi32>, vector<16xi32>], vector<16xf32>,
      %mul3A_430 = arith.mulf %gather3A_425, %gather3A_429 : vector<16xf32>
      %add3A_431 = arith.addf %add3A_401, %mul3A_430 : vector<16xf32>
      %add3A_432 = arith.constant 1 : i32
      %add3A_433 = vector.broadcast %add3A_432 : i32 to vector<16xi32>
      %add3A_434 = arith.addi %mul3A_257, %add3A_433 : vector<16xi32>
      %gather3A_435 = tpu.vector_load_idx %arg10[%add3A_434, %broadcast_in_dim3A_424] : memref<1024x64xf32, #tpu.memory_space<vmem>>[vector<16xi32>, vector<16xi32>], vector<16xf32>,
      %mul3A_436 = arith.mulf %gather3A_425, %gather3A_435 : vector<16xf32>
      %add3A_437 = arith.addf %add3A_407, %mul3A_436 : vector<16xf32>
      %broadcast_in_dim3A_438 = arith.constant 12 : i32
      %broadcast_in_dim3A_439 = vector.broadcast %broadcast_in_dim3A_438 : i32 to vector<16xi32>
      %gather3A_440 = tpu.vector_load_idx %arg9[%add3A_254, %broadcast_in_dim3A_439] : memref<512x64xf32, #tpu.memory_space<vmem>>[vector<16xi32>, vector<16xi32>], vector<16xf32>,
      %add3A_441 = arith.constant 0 : i32
      %add3A_442 = vector.broadcast %add3A_441 : i32 to vector<16xi32>
      %add3A_443 = arith.addi %mul3A_257, %add3A_442 : vector<16xi32>
      %gather3A_444 = tpu.vector_load_idx %arg10[%add3A_443, %broadcast_in_dim3A_439] : memref<1024x64xf32, #tpu.memory_space<vmem>>[vector<16xi32>, vector<16xi32>], vector<16xf32>,
      %mul3A_445 = arith.mulf %gather3A_440, %gather3A_444 : vector<16xf32>
      %add3A_446 = arith.addf %add3A_416, %mul3A_445 : vector<16xf32>
      %add3A_447 = arith.constant 1 : i32
      %add3A_448 = vector.broadcast %add3A_447 : i32 to vector<16xi32>
      %add3A_449 = arith.addi %mul3A_257, %add3A_448 : vector<16xi32>
      %gather3A_450 = tpu.vector_load_idx %arg10[%add3A_449, %broadcast_in_dim3A_439] : memref<1024x64xf32, #tpu.memory_space<vmem>>[vector<16xi32>, vector<16xi32>], vector<16xf32>,
      %mul3A_451 = arith.mulf %gather3A_440, %gather3A_450 : vector<16xf32>
      %add3A_452 = arith.addf %add3A_422, %mul3A_451 : vector<16xf32>
      %broadcast_in_dim3A_453 = arith.constant 13 : i32
      %broadcast_in_dim3A_454 = vector.broadcast %broadcast_in_dim3A_453 : i32 to vector<16xi32>
      %gather3A_455 = tpu.vector_load_idx %arg9[%add3A_254, %broadcast_in_dim3A_454] : memref<512x64xf32, #tpu.memory_space<vmem>>[vector<16xi32>, vector<16xi32>], vector<16xf32>,
      %add3A_456 = arith.constant 0 : i32
      %add3A_457 = vector.broadcast %add3A_456 : i32 to vector<16xi32>
      %add3A_458 = arith.addi %mul3A_257, %add3A_457 : vector<16xi32>
      %gather3A_459 = tpu.vector_load_idx %arg10[%add3A_458, %broadcast_in_dim3A_454] : memref<1024x64xf32, #tpu.memory_space<vmem>>[vector<16xi32>, vector<16xi32>], vector<16xf32>,
      %mul3A_460 = arith.mulf %gather3A_455, %gather3A_459 : vector<16xf32>
      %add3A_461 = arith.addf %add3A_431, %mul3A_460 : vector<16xf32>
      %add3A_462 = arith.constant 1 : i32
      %add3A_463 = vector.broadcast %add3A_462 : i32 to vector<16xi32>
      %add3A_464 = arith.addi %mul3A_257, %add3A_463 : vector<16xi32>
      %gather3A_465 = tpu.vector_load_idx %arg10[%add3A_464, %broadcast_in_dim3A_454] : memref<1024x64xf32, #tpu.memory_space<vmem>>[vector<16xi32>, vector<16xi32>], vector<16xf32>,
      %mul3A_466 = arith.mulf %gather3A_455, %gather3A_465 : vector<16xf32>
      %add3A_467 = arith.addf %add3A_437, %mul3A_466 : vector<16xf32>
      %broadcast_in_dim3A_468 = arith.constant 14 : i32
      %broadcast_in_dim3A_469 = vector.broadcast %broadcast_in_dim3A_468 : i32 to vector<16xi32>
      %gather3A_470 = tpu.vector_load_idx %arg9[%add3A_254, %broadcast_in_dim3A_469] : memref<512x64xf32, #tpu.memory_space<vmem>>[vector<16xi32>, vector<16xi32>], vector<16xf32>,
      %add3A_471 = arith.constant 0 : i32
      %add3A_472 = vector.broadcast %add3A_471 : i32 to vector<16xi32>
      %add3A_473 = arith.addi %mul3A_257, %add3A_472 : vector<16xi32>
      %gather3A_474 = tpu.vector_load_idx %arg10[%add3A_473, %broadcast_in_dim3A_469] : memref<1024x64xf32, #tpu.memory_space<vmem>>[vector<16xi32>, vector<16xi32>], vector<16xf32>,
      %mul3A_475 = arith.mulf %gather3A_470, %gather3A_474 : vector<16xf32>
      %add3A_476 = arith.addf %add3A_446, %mul3A_475 : vector<16xf32>
      %add3A_477 = arith.constant 1 : i32
      %add3A_478 = vector.broadcast %add3A_477 : i32 to vector<16xi32>
      %add3A_479 = arith.addi %mul3A_257, %add3A_478 : vector<16xi32>
      %gather3A_480 = tpu.vector_load_idx %arg10[%add3A_479, %broadcast_in_dim3A_469] : memref<1024x64xf32, #tpu.memory_space<vmem>>[vector<16xi32>, vector<16xi32>], vector<16xf32>,
      %mul3A_481 = arith.mulf %gather3A_470, %gather3A_480 : vector<16xf32>
      %add3A_482 = arith.addf %add3A_452, %mul3A_481 : vector<16xf32>
      %broadcast_in_dim3A_483 = arith.constant 15 : i32
      %broadcast_in_dim3A_484 = vector.broadcast %broadcast_in_dim3A_483 : i32 to vector<16xi32>
      %gather3A_485 = tpu.vector_load_idx %arg9[%add3A_254, %broadcast_in_dim3A_484] : memref<512x64xf32, #tpu.memory_space<vmem>>[vector<16xi32>, vector<16xi32>], vector<16xf32>,
      %add3A_486 = arith.constant 0 : i32
      %add3A_487 = vector.broadcast %add3A_486 : i32 to vector<16xi32>
      %add3A_488 = arith.addi %mul3A_257, %add3A_487 : vector<16xi32>
      %gather3A_489 = tpu.vector_load_idx %arg10[%add3A_488, %broadcast_in_dim3A_484] : memref<1024x64xf32, #tpu.memory_space<vmem>>[vector<16xi32>, vector<16xi32>], vector<16xf32>,
      %mul3A_490 = arith.mulf %gather3A_485, %gather3A_489 : vector<16xf32>
      %add3A_491 = arith.addf %add3A_461, %mul3A_490 : vector<16xf32>
      %add3A_492 = arith.constant 1 : i32
      %add3A_493 = vector.broadcast %add3A_492 : i32 to vector<16xi32>
      %add3A_494 = arith.addi %mul3A_257, %add3A_493 : vector<16xi32>
      %gather3A_495 = tpu.vector_load_idx %arg10[%add3A_494, %broadcast_in_dim3A_484] : memref<1024x64xf32, #tpu.memory_space<vmem>>[vector<16xi32>, vector<16xi32>], vector<16xf32>,
      %mul3A_496 = arith.mulf %gather3A_485, %gather3A_495 : vector<16xf32>
      %add3A_497 = arith.addf %add3A_467, %mul3A_496 : vector<16xf32>
      %broadcast_in_dim3A_498 = arith.constant 16 : i32
      %broadcast_in_dim3A_499 = vector.broadcast %broadcast_in_dim3A_498 : i32 to vector<16xi32>
      %gather3A_500 = tpu.vector_load_idx %arg9[%add3A_254, %broadcast_in_dim3A_499] : memref<512x64xf32, #tpu.memory_space<vmem>>[vector<16xi32>, vector<16xi32>], vector<16xf32>,
      %add3A_501 = arith.constant 0 : i32
      %add3A_502 = vector.broadcast %add3A_501 : i32 to vector<16xi32>
      %add3A_503 = arith.addi %mul3A_257, %add3A_502 : vector<16xi32>
      %gather3A_504 = tpu.vector_load_idx %arg10[%add3A_503, %broadcast_in_dim3A_499] : memref<1024x64xf32, #tpu.memory_space<vmem>>[vector<16xi32>, vector<16xi32>], vector<16xf32>,
      %mul3A_505 = arith.mulf %gather3A_500, %gather3A_504 : vector<16xf32>
      %add3A_506 = arith.addf %add3A_476, %mul3A_505 : vector<16xf32>
      %add3A_507 = arith.constant 1 : i32
      %add3A_508 = vector.broadcast %add3A_507 : i32 to vector<16xi32>
      %add3A_509 = arith.addi %mul3A_257, %add3A_508 : vector<16xi32>
      %gather3A_510 = tpu.vector_load_idx %arg10[%add3A_509, %broadcast_in_dim3A_499] : memref<1024x64xf32, #tpu.memory_space<vmem>>[vector<16xi32>, vector<16xi32>], vector<16xf32>,
      %mul3A_511 = arith.mulf %gather3A_500, %gather3A_510 : vector<16xf32>
      %add3A_512 = arith.addf %add3A_482, %mul3A_511 : vector<16xf32>
      %broadcast_in_dim3A_513 = arith.constant 17 : i32
      %broadcast_in_dim3A_514 = vector.broadcast %broadcast_in_dim3A_513 : i32 to vector<16xi32>
      %gather3A_515 = tpu.vector_load_idx %arg9[%add3A_254, %broadcast_in_dim3A_514] : memref<512x64xf32, #tpu.memory_space<vmem>>[vector<16xi32>, vector<16xi32>], vector<16xf32>,
      %add3A_516 = arith.constant 0 : i32
      %add3A_517 = vector.broadcast %add3A_516 : i32 to vector<16xi32>
      %add3A_518 = arith.addi %mul3A_257, %add3A_517 : vector<16xi32>
      %gather3A_519 = tpu.vector_load_idx %arg10[%add3A_518, %broadcast_in_dim3A_514] : memref<1024x64xf32, #tpu.memory_space<vmem>>[vector<16xi32>, vector<16xi32>], vector<16xf32>,
      %mul3A_520 = arith.mulf %gather3A_515, %gather3A_519 : vector<16xf32>
      %add3A_521 = arith.addf %add3A_491, %mul3A_520 : vector<16xf32>
      %add3A_522 = arith.constant 1 : i32
      %add3A_523 = vector.broadcast %add3A_522 : i32 to vector<16xi32>
      %add3A_524 = arith.addi %mul3A_257, %add3A_523 : vector<16xi32>
      %gather3A_525 = tpu.vector_load_idx %arg10[%add3A_524, %broadcast_in_dim3A_514] : memref<1024x64xf32, #tpu.memory_space<vmem>>[vector<16xi32>, vector<16xi32>], vector<16xf32>,
      %mul3A_526 = arith.mulf %gather3A_515, %gather3A_525 : vector<16xf32>
      %add3A_527 = arith.addf %add3A_497, %mul3A_526 : vector<16xf32>
      %broadcast_in_dim3A_528 = arith.constant 18 : i32
      %broadcast_in_dim3A_529 = vector.broadcast %broadcast_in_dim3A_528 : i32 to vector<16xi32>
      %gather3A_530 = tpu.vector_load_idx %arg9[%add3A_254, %broadcast_in_dim3A_529] : memref<512x64xf32, #tpu.memory_space<vmem>>[vector<16xi32>, vector<16xi32>], vector<16xf32>,
      %add3A_531 = arith.constant 0 : i32
      %add3A_532 = vector.broadcast %add3A_531 : i32 to vector<16xi32>
      %add3A_533 = arith.addi %mul3A_257, %add3A_532 : vector<16xi32>
      %gather3A_534 = tpu.vector_load_idx %arg10[%add3A_533, %broadcast_in_dim3A_529] : memref<1024x64xf32, #tpu.memory_space<vmem>>[vector<16xi32>, vector<16xi32>], vector<16xf32>,
      %mul3A_535 = arith.mulf %gather3A_530, %gather3A_534 : vector<16xf32>
      %add3A_536 = arith.addf %add3A_506, %mul3A_535 : vector<16xf32>
      %add3A_537 = arith.constant 1 : i32
      %add3A_538 = vector.broadcast %add3A_537 : i32 to vector<16xi32>
      %add3A_539 = arith.addi %mul3A_257, %add3A_538 : vector<16xi32>
      %gather3A_540 = tpu.vector_load_idx %arg10[%add3A_539, %broadcast_in_dim3A_529] : memref<1024x64xf32, #tpu.memory_space<vmem>>[vector<16xi32>, vector<16xi32>], vector<16xf32>,
      %mul3A_541 = arith.mulf %gather3A_530, %gather3A_540 : vector<16xf32>
      %add3A_542 = arith.addf %add3A_512, %mul3A_541 : vector<16xf32>
      %broadcast_in_dim3A_543 = arith.constant 19 : i32
      %broadcast_in_dim3A_544 = vector.broadcast %broadcast_in_dim3A_543 : i32 to vector<16xi32>
      %gather3A_545 = tpu.vector_load_idx %arg9[%add3A_254, %broadcast_in_dim3A_544] : memref<512x64xf32, #tpu.memory_space<vmem>>[vector<16xi32>, vector<16xi32>], vector<16xf32>,
      %add3A_546 = arith.constant 0 : i32
      %add3A_547 = vector.broadcast %add3A_546 : i32 to vector<16xi32>
      %add3A_548 = arith.addi %mul3A_257, %add3A_547 : vector<16xi32>
      %gather3A_549 = tpu.vector_load_idx %arg10[%add3A_548, %broadcast_in_dim3A_544] : memref<1024x64xf32, #tpu.memory_space<vmem>>[vector<16xi32>, vector<16xi32>], vector<16xf32>,
      %mul3A_550 = arith.mulf %gather3A_545, %gather3A_549 : vector<16xf32>
      %add3A_551 = arith.addf %add3A_521, %mul3A_550 : vector<16xf32>
      %add3A_552 = arith.constant 1 : i32
      %add3A_553 = vector.broadcast %add3A_552 : i32 to vector<16xi32>
      %add3A_554 = arith.addi %mul3A_257, %add3A_553 : vector<16xi32>
      %gather3A_555 = tpu.vector_load_idx %arg10[%add3A_554, %broadcast_in_dim3A_544] : memref<1024x64xf32, #tpu.memory_space<vmem>>[vector<16xi32>, vector<16xi32>], vector<16xf32>,
      %mul3A_556 = arith.mulf %gather3A_545, %gather3A_555 : vector<16xf32>
      %add3A_557 = arith.addf %add3A_527, %mul3A_556 : vector<16xf32>
      %broadcast_in_dim3A_558 = arith.constant 20 : i32
      %broadcast_in_dim3A_559 = vector.broadcast %broadcast_in_dim3A_558 : i32 to vector<16xi32>
      %gather3A_560 = tpu.vector_load_idx %arg9[%add3A_254, %broadcast_in_dim3A_559] : memref<512x64xf32, #tpu.memory_space<vmem>>[vector<16xi32>, vector<16xi32>], vector<16xf32>,
      %add3A_561 = arith.constant 0 : i32
      %add3A_562 = vector.broadcast %add3A_561 : i32 to vector<16xi32>
      %add3A_563 = arith.addi %mul3A_257, %add3A_562 : vector<16xi32>
      %gather3A_564 = tpu.vector_load_idx %arg10[%add3A_563, %broadcast_in_dim3A_559] : memref<1024x64xf32, #tpu.memory_space<vmem>>[vector<16xi32>, vector<16xi32>], vector<16xf32>,
      %mul3A_565 = arith.mulf %gather3A_560, %gather3A_564 : vector<16xf32>
      %add3A_566 = arith.addf %add3A_536, %mul3A_565 : vector<16xf32>
      %add3A_567 = arith.constant 1 : i32
      %add3A_568 = vector.broadcast %add3A_567 : i32 to vector<16xi32>
      %add3A_569 = arith.addi %mul3A_257, %add3A_568 : vector<16xi32>
      %gather3A_570 = tpu.vector_load_idx %arg10[%add3A_569, %broadcast_in_dim3A_559] : memref<1024x64xf32, #tpu.memory_space<vmem>>[vector<16xi32>, vector<16xi32>], vector<16xf32>,
      %mul3A_571 = arith.mulf %gather3A_560, %gather3A_570 : vector<16xf32>
      %add3A_572 = arith.addf %add3A_542, %mul3A_571 : vector<16xf32>
      %broadcast_in_dim3A_573 = arith.constant 21 : i32
      %broadcast_in_dim3A_574 = vector.broadcast %broadcast_in_dim3A_573 : i32 to vector<16xi32>
      %gather3A_575 = tpu.vector_load_idx %arg9[%add3A_254, %broadcast_in_dim3A_574] : memref<512x64xf32, #tpu.memory_space<vmem>>[vector<16xi32>, vector<16xi32>], vector<16xf32>,
      %add3A_576 = arith.constant 0 : i32
      %add3A_577 = vector.broadcast %add3A_576 : i32 to vector<16xi32>
      %add3A_578 = arith.addi %mul3A_257, %add3A_577 : vector<16xi32>
      %gather3A_579 = tpu.vector_load_idx %arg10[%add3A_578, %broadcast_in_dim3A_574] : memref<1024x64xf32, #tpu.memory_space<vmem>>[vector<16xi32>, vector<16xi32>], vector<16xf32>,
      %mul3A_580 = arith.mulf %gather3A_575, %gather3A_579 : vector<16xf32>
      %add3A_581 = arith.addf %add3A_551, %mul3A_580 : vector<16xf32>
      %add3A_582 = arith.constant 1 : i32
      %add3A_583 = vector.broadcast %add3A_582 : i32 to vector<16xi32>
      %add3A_584 = arith.addi %mul3A_257, %add3A_583 : vector<16xi32>
      %gather3A_585 = tpu.vector_load_idx %arg10[%add3A_584, %broadcast_in_dim3A_574] : memref<1024x64xf32, #tpu.memory_space<vmem>>[vector<16xi32>, vector<16xi32>], vector<16xf32>,
      %mul3A_586 = arith.mulf %gather3A_575, %gather3A_585 : vector<16xf32>
      %add3A_587 = arith.addf %add3A_557, %mul3A_586 : vector<16xf32>
      %broadcast_in_dim3A_588 = arith.constant 22 : i32
      %broadcast_in_dim3A_589 = vector.broadcast %broadcast_in_dim3A_588 : i32 to vector<16xi32>
      %gather3A_590 = tpu.vector_load_idx %arg9[%add3A_254, %broadcast_in_dim3A_589] : memref<512x64xf32, #tpu.memory_space<vmem>>[vector<16xi32>, vector<16xi32>], vector<16xf32>,
      %add3A_591 = arith.constant 0 : i32
      %add3A_592 = vector.broadcast %add3A_591 : i32 to vector<16xi32>
      %add3A_593 = arith.addi %mul3A_257, %add3A_592 : vector<16xi32>
      %gather3A_594 = tpu.vector_load_idx %arg10[%add3A_593, %broadcast_in_dim3A_589] : memref<1024x64xf32, #tpu.memory_space<vmem>>[vector<16xi32>, vector<16xi32>], vector<16xf32>,
      %mul3A_595 = arith.mulf %gather3A_590, %gather3A_594 : vector<16xf32>
      %add3A_596 = arith.addf %add3A_566, %mul3A_595 : vector<16xf32>
      %add3A_597 = arith.constant 1 : i32
      %add3A_598 = vector.broadcast %add3A_597 : i32 to vector<16xi32>
      %add3A_599 = arith.addi %mul3A_257, %add3A_598 : vector<16xi32>
      %gather3A_600 = tpu.vector_load_idx %arg10[%add3A_599, %broadcast_in_dim3A_589] : memref<1024x64xf32, #tpu.memory_space<vmem>>[vector<16xi32>, vector<16xi32>], vector<16xf32>,
      %mul3A_601 = arith.mulf %gather3A_590, %gather3A_600 : vector<16xf32>
      %add3A_602 = arith.addf %add3A_572, %mul3A_601 : vector<16xf32>
      %broadcast_in_dim3A_603 = arith.constant 23 : i32
      %broadcast_in_dim3A_604 = vector.broadcast %broadcast_in_dim3A_603 : i32 to vector<16xi32>
      %gather3A_605 = tpu.vector_load_idx %arg9[%add3A_254, %broadcast_in_dim3A_604] : memref<512x64xf32, #tpu.memory_space<vmem>>[vector<16xi32>, vector<16xi32>], vector<16xf32>,
      %add3A_606 = arith.constant 0 : i32
      %add3A_607 = vector.broadcast %add3A_606 : i32 to vector<16xi32>
      %add3A_608 = arith.addi %mul3A_257, %add3A_607 : vector<16xi32>
      %gather3A_609 = tpu.vector_load_idx %arg10[%add3A_608, %broadcast_in_dim3A_604] : memref<1024x64xf32, #tpu.memory_space<vmem>>[vector<16xi32>, vector<16xi32>], vector<16xf32>,
      %mul3A_610 = arith.mulf %gather3A_605, %gather3A_609 : vector<16xf32>
      %add3A_611 = arith.addf %add3A_581, %mul3A_610 : vector<16xf32>
      %add3A_612 = arith.constant 1 : i32
      %add3A_613 = vector.broadcast %add3A_612 : i32 to vector<16xi32>
      %add3A_614 = arith.addi %mul3A_257, %add3A_613 : vector<16xi32>
      %gather3A_615 = tpu.vector_load_idx %arg10[%add3A_614, %broadcast_in_dim3A_604] : memref<1024x64xf32, #tpu.memory_space<vmem>>[vector<16xi32>, vector<16xi32>], vector<16xf32>,
      %mul3A_616 = arith.mulf %gather3A_605, %gather3A_615 : vector<16xf32>
      %add3A_617 = arith.addf %add3A_587, %mul3A_616 : vector<16xf32>
      %broadcast_in_dim3A_618 = arith.constant 24 : i32
      %broadcast_in_dim3A_619 = vector.broadcast %broadcast_in_dim3A_618 : i32 to vector<16xi32>
      %gather3A_620 = tpu.vector_load_idx %arg9[%add3A_254, %broadcast_in_dim3A_619] : memref<512x64xf32, #tpu.memory_space<vmem>>[vector<16xi32>, vector<16xi32>], vector<16xf32>,
      %add3A_621 = arith.constant 0 : i32
      %add3A_622 = vector.broadcast %add3A_621 : i32 to vector<16xi32>
      %add3A_623 = arith.addi %mul3A_257, %add3A_622 : vector<16xi32>
      %gather3A_624 = tpu.vector_load_idx %arg10[%add3A_623, %broadcast_in_dim3A_619] : memref<1024x64xf32, #tpu.memory_space<vmem>>[vector<16xi32>, vector<16xi32>], vector<16xf32>,
      %mul3A_625 = arith.mulf %gather3A_620, %gather3A_624 : vector<16xf32>
      %add3A_626 = arith.addf %add3A_596, %mul3A_625 : vector<16xf32>
      %add3A_627 = arith.constant 1 : i32
      %add3A_628 = vector.broadcast %add3A_627 : i32 to vector<16xi32>
      %add3A_629 = arith.addi %mul3A_257, %add3A_628 : vector<16xi32>
      %gather3A_630 = tpu.vector_load_idx %arg10[%add3A_629, %broadcast_in_dim3A_619] : memref<1024x64xf32, #tpu.memory_space<vmem>>[vector<16xi32>, vector<16xi32>], vector<16xf32>,
      %mul3A_631 = arith.mulf %gather3A_620, %gather3A_630 : vector<16xf32>
      %add3A_632 = arith.addf %add3A_602, %mul3A_631 : vector<16xf32>
      %broadcast_in_dim3A_633 = arith.constant 25 : i32
      %broadcast_in_dim3A_634 = vector.broadcast %broadcast_in_dim3A_633 : i32 to vector<16xi32>
      %gather3A_635 = tpu.vector_load_idx %arg9[%add3A_254, %broadcast_in_dim3A_634] : memref<512x64xf32, #tpu.memory_space<vmem>>[vector<16xi32>, vector<16xi32>], vector<16xf32>,
      %add3A_636 = arith.constant 0 : i32
      %add3A_637 = vector.broadcast %add3A_636 : i32 to vector<16xi32>
      %add3A_638 = arith.addi %mul3A_257, %add3A_637 : vector<16xi32>
      %gather3A_639 = tpu.vector_load_idx %arg10[%add3A_638, %broadcast_in_dim3A_634] : memref<1024x64xf32, #tpu.memory_space<vmem>>[vector<16xi32>, vector<16xi32>], vector<16xf32>,
      %mul3A_640 = arith.mulf %gather3A_635, %gather3A_639 : vector<16xf32>
      %add3A_641 = arith.addf %add3A_611, %mul3A_640 : vector<16xf32>
      %add3A_642 = arith.constant 1 : i32
      %add3A_643 = vector.broadcast %add3A_642 : i32 to vector<16xi32>
      %add3A_644 = arith.addi %mul3A_257, %add3A_643 : vector<16xi32>
      %gather3A_645 = tpu.vector_load_idx %arg10[%add3A_644, %broadcast_in_dim3A_634] : memref<1024x64xf32, #tpu.memory_space<vmem>>[vector<16xi32>, vector<16xi32>], vector<16xf32>,
      %mul3A_646 = arith.mulf %gather3A_635, %gather3A_645 : vector<16xf32>
      %add3A_647 = arith.addf %add3A_617, %mul3A_646 : vector<16xf32>
      %broadcast_in_dim3A_648 = arith.constant 26 : i32
      %broadcast_in_dim3A_649 = vector.broadcast %broadcast_in_dim3A_648 : i32 to vector<16xi32>
      %gather3A_650 = tpu.vector_load_idx %arg9[%add3A_254, %broadcast_in_dim3A_649] : memref<512x64xf32, #tpu.memory_space<vmem>>[vector<16xi32>, vector<16xi32>], vector<16xf32>,
      %add3A_651 = arith.constant 0 : i32
      %add3A_652 = vector.broadcast %add3A_651 : i32 to vector<16xi32>
      %add3A_653 = arith.addi %mul3A_257, %add3A_652 : vector<16xi32>
      %gather3A_654 = tpu.vector_load_idx %arg10[%add3A_653, %broadcast_in_dim3A_649] : memref<1024x64xf32, #tpu.memory_space<vmem>>[vector<16xi32>, vector<16xi32>], vector<16xf32>,
      %mul3A_655 = arith.mulf %gather3A_650, %gather3A_654 : vector<16xf32>
      %add3A_656 = arith.addf %add3A_626, %mul3A_655 : vector<16xf32>
      %add3A_657 = arith.constant 1 : i32
      %add3A_658 = vector.broadcast %add3A_657 : i32 to vector<16xi32>
      %add3A_659 = arith.addi %mul3A_257, %add3A_658 : vector<16xi32>
      %gather3A_660 = tpu.vector_load_idx %arg10[%add3A_659, %broadcast_in_dim3A_649] : memref<1024x64xf32, #tpu.memory_space<vmem>>[vector<16xi32>, vector<16xi32>], vector<16xf32>,
      %mul3A_661 = arith.mulf %gather3A_650, %gather3A_660 : vector<16xf32>
      %add3A_662 = arith.addf %add3A_632, %mul3A_661 : vector<16xf32>
      %broadcast_in_dim3A_663 = arith.constant 27 : i32
      %broadcast_in_dim3A_664 = vector.broadcast %broadcast_in_dim3A_663 : i32 to vector<16xi32>
      %gather3A_665 = tpu.vector_load_idx %arg9[%add3A_254, %broadcast_in_dim3A_664] : memref<512x64xf32, #tpu.memory_space<vmem>>[vector<16xi32>, vector<16xi32>], vector<16xf32>,
      %add3A_666 = arith.constant 0 : i32
      %add3A_667 = vector.broadcast %add3A_666 : i32 to vector<16xi32>
      %add3A_668 = arith.addi %mul3A_257, %add3A_667 : vector<16xi32>
      %gather3A_669 = tpu.vector_load_idx %arg10[%add3A_668, %broadcast_in_dim3A_664] : memref<1024x64xf32, #tpu.memory_space<vmem>>[vector<16xi32>, vector<16xi32>], vector<16xf32>,
      %mul3A_670 = arith.mulf %gather3A_665, %gather3A_669 : vector<16xf32>
      %add3A_671 = arith.addf %add3A_641, %mul3A_670 : vector<16xf32>
      %add3A_672 = arith.constant 1 : i32
      %add3A_673 = vector.broadcast %add3A_672 : i32 to vector<16xi32>
      %add3A_674 = arith.addi %mul3A_257, %add3A_673 : vector<16xi32>
      %gather3A_675 = tpu.vector_load_idx %arg10[%add3A_674, %broadcast_in_dim3A_664] : memref<1024x64xf32, #tpu.memory_space<vmem>>[vector<16xi32>, vector<16xi32>], vector<16xf32>,
      %mul3A_676 = arith.mulf %gather3A_665, %gather3A_675 : vector<16xf32>
      %add3A_677 = arith.addf %add3A_647, %mul3A_676 : vector<16xf32>
      %broadcast_in_dim3A_678 = arith.constant 28 : i32
      %broadcast_in_dim3A_679 = vector.broadcast %broadcast_in_dim3A_678 : i32 to vector<16xi32>
      %gather3A_680 = tpu.vector_load_idx %arg9[%add3A_254, %broadcast_in_dim3A_679] : memref<512x64xf32, #tpu.memory_space<vmem>>[vector<16xi32>, vector<16xi32>], vector<16xf32>,
      %add3A_681 = arith.constant 0 : i32
      %add3A_682 = vector.broadcast %add3A_681 : i32 to vector<16xi32>
      %add3A_683 = arith.addi %mul3A_257, %add3A_682 : vector<16xi32>
      %gather3A_684 = tpu.vector_load_idx %arg10[%add3A_683, %broadcast_in_dim3A_679] : memref<1024x64xf32, #tpu.memory_space<vmem>>[vector<16xi32>, vector<16xi32>], vector<16xf32>,
      %mul3A_685 = arith.mulf %gather3A_680, %gather3A_684 : vector<16xf32>
      %add3A_686 = arith.addf %add3A_656, %mul3A_685 : vector<16xf32>
      %add3A_687 = arith.constant 1 : i32
      %add3A_688 = vector.broadcast %add3A_687 : i32 to vector<16xi32>
      %add3A_689 = arith.addi %mul3A_257, %add3A_688 : vector<16xi32>
      %gather3A_690 = tpu.vector_load_idx %arg10[%add3A_689, %broadcast_in_dim3A_679] : memref<1024x64xf32, #tpu.memory_space<vmem>>[vector<16xi32>, vector<16xi32>], vector<16xf32>,
      %mul3A_691 = arith.mulf %gather3A_680, %gather3A_690 : vector<16xf32>
      %add3A_692 = arith.addf %add3A_662, %mul3A_691 : vector<16xf32>
      %broadcast_in_dim3A_693 = arith.constant 29 : i32
      %broadcast_in_dim3A_694 = vector.broadcast %broadcast_in_dim3A_693 : i32 to vector<16xi32>
      %gather3A_695 = tpu.vector_load_idx %arg9[%add3A_254, %broadcast_in_dim3A_694] : memref<512x64xf32, #tpu.memory_space<vmem>>[vector<16xi32>, vector<16xi32>], vector<16xf32>,
      %add3A_696 = arith.constant 0 : i32
      %add3A_697 = vector.broadcast %add3A_696 : i32 to vector<16xi32>
      %add3A_698 = arith.addi %mul3A_257, %add3A_697 : vector<16xi32>
      %gather3A_699 = tpu.vector_load_idx %arg10[%add3A_698, %broadcast_in_dim3A_694] : memref<1024x64xf32, #tpu.memory_space<vmem>>[vector<16xi32>, vector<16xi32>], vector<16xf32>,
      %mul3A_700 = arith.mulf %gather3A_695, %gather3A_699 : vector<16xf32>
      %add3A_701 = arith.addf %add3A_671, %mul3A_700 : vector<16xf32>
      %add3A_702 = arith.constant 1 : i32
      %add3A_703 = vector.broadcast %add3A_702 : i32 to vector<16xi32>
      %add3A_704 = arith.addi %mul3A_257, %add3A_703 : vector<16xi32>
      %gather3A_705 = tpu.vector_load_idx %arg10[%add3A_704, %broadcast_in_dim3A_694] : memref<1024x64xf32, #tpu.memory_space<vmem>>[vector<16xi32>, vector<16xi32>], vector<16xf32>,
      %mul3A_706 = arith.mulf %gather3A_695, %gather3A_705 : vector<16xf32>
      %add3A_707 = arith.addf %add3A_677, %mul3A_706 : vector<16xf32>
      %broadcast_in_dim3A_708 = arith.constant 30 : i32
      %broadcast_in_dim3A_709 = vector.broadcast %broadcast_in_dim3A_708 : i32 to vector<16xi32>
      %gather3A_710 = tpu.vector_load_idx %arg9[%add3A_254, %broadcast_in_dim3A_709] : memref<512x64xf32, #tpu.memory_space<vmem>>[vector<16xi32>, vector<16xi32>], vector<16xf32>,
      %add3A_711 = arith.constant 0 : i32
      %add3A_712 = vector.broadcast %add3A_711 : i32 to vector<16xi32>
      %add3A_713 = arith.addi %mul3A_257, %add3A_712 : vector<16xi32>
      %gather3A_714 = tpu.vector_load_idx %arg10[%add3A_713, %broadcast_in_dim3A_709] : memref<1024x64xf32, #tpu.memory_space<vmem>>[vector<16xi32>, vector<16xi32>], vector<16xf32>,
      %mul3A_715 = arith.mulf %gather3A_710, %gather3A_714 : vector<16xf32>
      %add3A_716 = arith.addf %add3A_686, %mul3A_715 : vector<16xf32>
      %add3A_717 = arith.constant 1 : i32
      %add3A_718 = vector.broadcast %add3A_717 : i32 to vector<16xi32>
      %add3A_719 = arith.addi %mul3A_257, %add3A_718 : vector<16xi32>
      %gather3A_720 = tpu.vector_load_idx %arg10[%add3A_719, %broadcast_in_dim3A_709] : memref<1024x64xf32, #tpu.memory_space<vmem>>[vector<16xi32>, vector<16xi32>], vector<16xf32>,
      %mul3A_721 = arith.mulf %gather3A_710, %gather3A_720 : vector<16xf32>
      %add3A_722 = arith.addf %add3A_692, %mul3A_721 : vector<16xf32>
      %broadcast_in_dim3A_723 = arith.constant 31 : i32
      %broadcast_in_dim3A_724 = vector.broadcast %broadcast_in_dim3A_723 : i32 to vector<16xi32>
      %gather3A_725 = tpu.vector_load_idx %arg9[%add3A_254, %broadcast_in_dim3A_724] : memref<512x64xf32, #tpu.memory_space<vmem>>[vector<16xi32>, vector<16xi32>], vector<16xf32>,
      %add3A_726 = arith.constant 0 : i32
      %add3A_727 = vector.broadcast %add3A_726 : i32 to vector<16xi32>
      %add3A_728 = arith.addi %mul3A_257, %add3A_727 : vector<16xi32>
      %gather3A_729 = tpu.vector_load_idx %arg10[%add3A_728, %broadcast_in_dim3A_724] : memref<1024x64xf32, #tpu.memory_space<vmem>>[vector<16xi32>, vector<16xi32>], vector<16xf32>,
      %mul3A_730 = arith.mulf %gather3A_725, %gather3A_729 : vector<16xf32>
      %add3A_731 = arith.addf %add3A_701, %mul3A_730 : vector<16xf32>
      %add3A_732 = arith.constant 1 : i32
      %add3A_733 = vector.broadcast %add3A_732 : i32 to vector<16xi32>
      %add3A_734 = arith.addi %mul3A_257, %add3A_733 : vector<16xi32>
      %gather3A_735 = tpu.vector_load_idx %arg10[%add3A_734, %broadcast_in_dim3A_724] : memref<1024x64xf32, #tpu.memory_space<vmem>>[vector<16xi32>, vector<16xi32>], vector<16xf32>,
      %mul3A_736 = arith.mulf %gather3A_725, %gather3A_735 : vector<16xf32>
      %add3A_737 = arith.addf %add3A_707, %mul3A_736 : vector<16xf32>
      %broadcast_in_dim3A_738 = arith.constant 32 : i32
      %broadcast_in_dim3A_739 = vector.broadcast %broadcast_in_dim3A_738 : i32 to vector<16xi32>
      %gather3A_740 = tpu.vector_load_idx %arg9[%add3A_254, %broadcast_in_dim3A_739] : memref<512x64xf32, #tpu.memory_space<vmem>>[vector<16xi32>, vector<16xi32>], vector<16xf32>,
      %add3A_741 = arith.constant 0 : i32
      %add3A_742 = vector.broadcast %add3A_741 : i32 to vector<16xi32>
      %add3A_743 = arith.addi %mul3A_257, %add3A_742 : vector<16xi32>
      %gather3A_744 = tpu.vector_load_idx %arg10[%add3A_743, %broadcast_in_dim3A_739] : memref<1024x64xf32, #tpu.memory_space<vmem>>[vector<16xi32>, vector<16xi32>], vector<16xf32>,
      %mul3A_745 = arith.mulf %gather3A_740, %gather3A_744 : vector<16xf32>
      %add3A_746 = arith.addf %add3A_716, %mul3A_745 : vector<16xf32>
      %add3A_747 = arith.constant 1 : i32
      %add3A_748 = vector.broadcast %add3A_747 : i32 to vector<16xi32>
      %add3A_749 = arith.addi %mul3A_257, %add3A_748 : vector<16xi32>
      %gather3A_750 = tpu.vector_load_idx %arg10[%add3A_749, %broadcast_in_dim3A_739] : memref<1024x64xf32, #tpu.memory_space<vmem>>[vector<16xi32>, vector<16xi32>], vector<16xf32>,
      %mul3A_751 = arith.mulf %gather3A_740, %gather3A_750 : vector<16xf32>
      %add3A_752 = arith.addf %add3A_722, %mul3A_751 : vector<16xf32>
      %broadcast_in_dim3A_753 = arith.constant 33 : i32
      %broadcast_in_dim3A_754 = vector.broadcast %broadcast_in_dim3A_753 : i32 to vector<16xi32>
      %gather3A_755 = tpu.vector_load_idx %arg9[%add3A_254, %broadcast_in_dim3A_754] : memref<512x64xf32, #tpu.memory_space<vmem>>[vector<16xi32>, vector<16xi32>], vector<16xf32>,
      %add3A_756 = arith.constant 0 : i32
      %add3A_757 = vector.broadcast %add3A_756 : i32 to vector<16xi32>
      %add3A_758 = arith.addi %mul3A_257, %add3A_757 : vector<16xi32>
      %gather3A_759 = tpu.vector_load_idx %arg10[%add3A_758, %broadcast_in_dim3A_754] : memref<1024x64xf32, #tpu.memory_space<vmem>>[vector<16xi32>, vector<16xi32>], vector<16xf32>,
      %mul3A_760 = arith.mulf %gather3A_755, %gather3A_759 : vector<16xf32>
      %add3A_761 = arith.addf %add3A_731, %mul3A_760 : vector<16xf32>
      %add3A_762 = arith.constant 1 : i32
      %add3A_763 = vector.broadcast %add3A_762 : i32 to vector<16xi32>
      %add3A_764 = arith.addi %mul3A_257, %add3A_763 : vector<16xi32>
      %gather3A_765 = tpu.vector_load_idx %arg10[%add3A_764, %broadcast_in_dim3A_754] : memref<1024x64xf32, #tpu.memory_space<vmem>>[vector<16xi32>, vector<16xi32>], vector<16xf32>,
      %mul3A_766 = arith.mulf %gather3A_755, %gather3A_765 : vector<16xf32>
      %add3A_767 = arith.addf %add3A_737, %mul3A_766 : vector<16xf32>
      %broadcast_in_dim3A_768 = arith.constant 34 : i32
      %broadcast_in_dim3A_769 = vector.broadcast %broadcast_in_dim3A_768 : i32 to vector<16xi32>
      %gather3A_770 = tpu.vector_load_idx %arg9[%add3A_254, %broadcast_in_dim3A_769] : memref<512x64xf32, #tpu.memory_space<vmem>>[vector<16xi32>, vector<16xi32>], vector<16xf32>,
      %add3A_771 = arith.constant 0 : i32
      %add3A_772 = vector.broadcast %add3A_771 : i32 to vector<16xi32>
      %add3A_773 = arith.addi %mul3A_257, %add3A_772 : vector<16xi32>
      %gather3A_774 = tpu.vector_load_idx %arg10[%add3A_773, %broadcast_in_dim3A_769] : memref<1024x64xf32, #tpu.memory_space<vmem>>[vector<16xi32>, vector<16xi32>], vector<16xf32>,
      %mul3A_775 = arith.mulf %gather3A_770, %gather3A_774 : vector<16xf32>
      %add3A_776 = arith.addf %add3A_746, %mul3A_775 : vector<16xf32>
      %add3A_777 = arith.constant 1 : i32
      %add3A_778 = vector.broadcast %add3A_777 : i32 to vector<16xi32>
      %add3A_779 = arith.addi %mul3A_257, %add3A_778 : vector<16xi32>
      %gather3A_780 = tpu.vector_load_idx %arg10[%add3A_779, %broadcast_in_dim3A_769] : memref<1024x64xf32, #tpu.memory_space<vmem>>[vector<16xi32>, vector<16xi32>], vector<16xf32>,
      %mul3A_781 = arith.mulf %gather3A_770, %gather3A_780 : vector<16xf32>
      %add3A_782 = arith.addf %add3A_752, %mul3A_781 : vector<16xf32>
      %broadcast_in_dim3A_783 = arith.constant 35 : i32
      %broadcast_in_dim3A_784 = vector.broadcast %broadcast_in_dim3A_783 : i32 to vector<16xi32>
      %gather3A_785 = tpu.vector_load_idx %arg9[%add3A_254, %broadcast_in_dim3A_784] : memref<512x64xf32, #tpu.memory_space<vmem>>[vector<16xi32>, vector<16xi32>], vector<16xf32>,
      %add3A_786 = arith.constant 0 : i32
      %add3A_787 = vector.broadcast %add3A_786 : i32 to vector<16xi32>
      %add3A_788 = arith.addi %mul3A_257, %add3A_787 : vector<16xi32>
      %gather3A_789 = tpu.vector_load_idx %arg10[%add3A_788, %broadcast_in_dim3A_784] : memref<1024x64xf32, #tpu.memory_space<vmem>>[vector<16xi32>, vector<16xi32>], vector<16xf32>,
      %mul3A_790 = arith.mulf %gather3A_785, %gather3A_789 : vector<16xf32>
      %add3A_791 = arith.addf %add3A_761, %mul3A_790 : vector<16xf32>
      %add3A_792 = arith.constant 1 : i32
      %add3A_793 = vector.broadcast %add3A_792 : i32 to vector<16xi32>
      %add3A_794 = arith.addi %mul3A_257, %add3A_793 : vector<16xi32>
      %gather3A_795 = tpu.vector_load_idx %arg10[%add3A_794, %broadcast_in_dim3A_784] : memref<1024x64xf32, #tpu.memory_space<vmem>>[vector<16xi32>, vector<16xi32>], vector<16xf32>,
      %mul3A_796 = arith.mulf %gather3A_785, %gather3A_795 : vector<16xf32>
      %add3A_797 = arith.addf %add3A_767, %mul3A_796 : vector<16xf32>
      %broadcast_in_dim3A_798 = arith.constant 36 : i32
      %broadcast_in_dim3A_799 = vector.broadcast %broadcast_in_dim3A_798 : i32 to vector<16xi32>
      %gather3A_800 = tpu.vector_load_idx %arg9[%add3A_254, %broadcast_in_dim3A_799] : memref<512x64xf32, #tpu.memory_space<vmem>>[vector<16xi32>, vector<16xi32>], vector<16xf32>,
      %add3A_801 = arith.constant 0 : i32
      %add3A_802 = vector.broadcast %add3A_801 : i32 to vector<16xi32>
      %add3A_803 = arith.addi %mul3A_257, %add3A_802 : vector<16xi32>
      %gather3A_804 = tpu.vector_load_idx %arg10[%add3A_803, %broadcast_in_dim3A_799] : memref<1024x64xf32, #tpu.memory_space<vmem>>[vector<16xi32>, vector<16xi32>], vector<16xf32>,
      %mul3A_805 = arith.mulf %gather3A_800, %gather3A_804 : vector<16xf32>
      %add3A_806 = arith.addf %add3A_776, %mul3A_805 : vector<16xf32>
      %add3A_807 = arith.constant 1 : i32
      %add3A_808 = vector.broadcast %add3A_807 : i32 to vector<16xi32>
      %add3A_809 = arith.addi %mul3A_257, %add3A_808 : vector<16xi32>
      %gather3A_810 = tpu.vector_load_idx %arg10[%add3A_809, %broadcast_in_dim3A_799] : memref<1024x64xf32, #tpu.memory_space<vmem>>[vector<16xi32>, vector<16xi32>], vector<16xf32>,
      %mul3A_811 = arith.mulf %gather3A_800, %gather3A_810 : vector<16xf32>
      %add3A_812 = arith.addf %add3A_782, %mul3A_811 : vector<16xf32>
      %broadcast_in_dim3A_813 = arith.constant 37 : i32
      %broadcast_in_dim3A_814 = vector.broadcast %broadcast_in_dim3A_813 : i32 to vector<16xi32>
      %gather3A_815 = tpu.vector_load_idx %arg9[%add3A_254, %broadcast_in_dim3A_814] : memref<512x64xf32, #tpu.memory_space<vmem>>[vector<16xi32>, vector<16xi32>], vector<16xf32>,
      %add3A_816 = arith.constant 0 : i32
      %add3A_817 = vector.broadcast %add3A_816 : i32 to vector<16xi32>
      %add3A_818 = arith.addi %mul3A_257, %add3A_817 : vector<16xi32>
      %gather3A_819 = tpu.vector_load_idx %arg10[%add3A_818, %broadcast_in_dim3A_814] : memref<1024x64xf32, #tpu.memory_space<vmem>>[vector<16xi32>, vector<16xi32>], vector<16xf32>,
      %mul3A_820 = arith.mulf %gather3A_815, %gather3A_819 : vector<16xf32>
      %add3A_821 = arith.addf %add3A_791, %mul3A_820 : vector<16xf32>
      %add3A_822 = arith.constant 1 : i32
      %add3A_823 = vector.broadcast %add3A_822 : i32 to vector<16xi32>
      %add3A_824 = arith.addi %mul3A_257, %add3A_823 : vector<16xi32>
      %gather3A_825 = tpu.vector_load_idx %arg10[%add3A_824, %broadcast_in_dim3A_814] : memref<1024x64xf32, #tpu.memory_space<vmem>>[vector<16xi32>, vector<16xi32>], vector<16xf32>,
      %mul3A_826 = arith.mulf %gather3A_815, %gather3A_825 : vector<16xf32>
      %add3A_827 = arith.addf %add3A_797, %mul3A_826 : vector<16xf32>
      %broadcast_in_dim3A_828 = arith.constant 38 : i32
      %broadcast_in_dim3A_829 = vector.broadcast %broadcast_in_dim3A_828 : i32 to vector<16xi32>
      %gather3A_830 = tpu.vector_load_idx %arg9[%add3A_254, %broadcast_in_dim3A_829] : memref<512x64xf32, #tpu.memory_space<vmem>>[vector<16xi32>, vector<16xi32>], vector<16xf32>,
      %add3A_831 = arith.constant 0 : i32
      %add3A_832 = vector.broadcast %add3A_831 : i32 to vector<16xi32>
      %add3A_833 = arith.addi %mul3A_257, %add3A_832 : vector<16xi32>
      %gather3A_834 = tpu.vector_load_idx %arg10[%add3A_833, %broadcast_in_dim3A_829] : memref<1024x64xf32, #tpu.memory_space<vmem>>[vector<16xi32>, vector<16xi32>], vector<16xf32>,
      %mul3A_835 = arith.mulf %gather3A_830, %gather3A_834 : vector<16xf32>
      %add3A_836 = arith.addf %add3A_806, %mul3A_835 : vector<16xf32>
      %add3A_837 = arith.constant 1 : i32
      %add3A_838 = vector.broadcast %add3A_837 : i32 to vector<16xi32>
      %add3A_839 = arith.addi %mul3A_257, %add3A_838 : vector<16xi32>
      %gather3A_840 = tpu.vector_load_idx %arg10[%add3A_839, %broadcast_in_dim3A_829] : memref<1024x64xf32, #tpu.memory_space<vmem>>[vector<16xi32>, vector<16xi32>], vector<16xf32>,
      %mul3A_841 = arith.mulf %gather3A_830, %gather3A_840 : vector<16xf32>
      %add3A_842 = arith.addf %add3A_812, %mul3A_841 : vector<16xf32>
      %broadcast_in_dim3A_843 = arith.constant 39 : i32
      %broadcast_in_dim3A_844 = vector.broadcast %broadcast_in_dim3A_843 : i32 to vector<16xi32>
      %gather3A_845 = tpu.vector_load_idx %arg9[%add3A_254, %broadcast_in_dim3A_844] : memref<512x64xf32, #tpu.memory_space<vmem>>[vector<16xi32>, vector<16xi32>], vector<16xf32>,
      %add3A_846 = arith.constant 0 : i32
      %add3A_847 = vector.broadcast %add3A_846 : i32 to vector<16xi32>
      %add3A_848 = arith.addi %mul3A_257, %add3A_847 : vector<16xi32>
      %gather3A_849 = tpu.vector_load_idx %arg10[%add3A_848, %broadcast_in_dim3A_844] : memref<1024x64xf32, #tpu.memory_space<vmem>>[vector<16xi32>, vector<16xi32>], vector<16xf32>,
      %mul3A_850 = arith.mulf %gather3A_845, %gather3A_849 : vector<16xf32>
      %add3A_851 = arith.addf %add3A_821, %mul3A_850 : vector<16xf32>
      %add3A_852 = arith.constant 1 : i32
      %add3A_853 = vector.broadcast %add3A_852 : i32 to vector<16xi32>
      %add3A_854 = arith.addi %mul3A_257, %add3A_853 : vector<16xi32>
      %gather3A_855 = tpu.vector_load_idx %arg10[%add3A_854, %broadcast_in_dim3A_844] : memref<1024x64xf32, #tpu.memory_space<vmem>>[vector<16xi32>, vector<16xi32>], vector<16xf32>,
      %mul3A_856 = arith.mulf %gather3A_845, %gather3A_855 : vector<16xf32>
      %add3A_857 = arith.addf %add3A_827, %mul3A_856 : vector<16xf32>
      %broadcast_in_dim3A_858 = arith.constant 40 : i32
      %broadcast_in_dim3A_859 = vector.broadcast %broadcast_in_dim3A_858 : i32 to vector<16xi32>
      %gather3A_860 = tpu.vector_load_idx %arg9[%add3A_254, %broadcast_in_dim3A_859] : memref<512x64xf32, #tpu.memory_space<vmem>>[vector<16xi32>, vector<16xi32>], vector<16xf32>,
      %add3A_861 = arith.constant 0 : i32
      %add3A_862 = vector.broadcast %add3A_861 : i32 to vector<16xi32>
      %add3A_863 = arith.addi %mul3A_257, %add3A_862 : vector<16xi32>
      %gather3A_864 = tpu.vector_load_idx %arg10[%add3A_863, %broadcast_in_dim3A_859] : memref<1024x64xf32, #tpu.memory_space<vmem>>[vector<16xi32>, vector<16xi32>], vector<16xf32>,
      %mul3A_865 = arith.mulf %gather3A_860, %gather3A_864 : vector<16xf32>
      %add3A_866 = arith.addf %add3A_836, %mul3A_865 : vector<16xf32>
      %add3A_867 = arith.constant 1 : i32
      %add3A_868 = vector.broadcast %add3A_867 : i32 to vector<16xi32>
      %add3A_869 = arith.addi %mul3A_257, %add3A_868 : vector<16xi32>
      %gather3A_870 = tpu.vector_load_idx %arg10[%add3A_869, %broadcast_in_dim3A_859] : memref<1024x64xf32, #tpu.memory_space<vmem>>[vector<16xi32>, vector<16xi32>], vector<16xf32>,
      %mul3A_871 = arith.mulf %gather3A_860, %gather3A_870 : vector<16xf32>
      %add3A_872 = arith.addf %add3A_842, %mul3A_871 : vector<16xf32>
      %broadcast_in_dim3A_873 = arith.constant 41 : i32
      %broadcast_in_dim3A_874 = vector.broadcast %broadcast_in_dim3A_873 : i32 to vector<16xi32>
      %gather3A_875 = tpu.vector_load_idx %arg9[%add3A_254, %broadcast_in_dim3A_874] : memref<512x64xf32, #tpu.memory_space<vmem>>[vector<16xi32>, vector<16xi32>], vector<16xf32>,
      %add3A_876 = arith.constant 0 : i32
      %add3A_877 = vector.broadcast %add3A_876 : i32 to vector<16xi32>
      %add3A_878 = arith.addi %mul3A_257, %add3A_877 : vector<16xi32>
      %gather3A_879 = tpu.vector_load_idx %arg10[%add3A_878, %broadcast_in_dim3A_874] : memref<1024x64xf32, #tpu.memory_space<vmem>>[vector<16xi32>, vector<16xi32>], vector<16xf32>,
      %mul3A_880 = arith.mulf %gather3A_875, %gather3A_879 : vector<16xf32>
      %add3A_881 = arith.addf %add3A_851, %mul3A_880 : vector<16xf32>
      %add3A_882 = arith.constant 1 : i32
      %add3A_883 = vector.broadcast %add3A_882 : i32 to vector<16xi32>
      %add3A_884 = arith.addi %mul3A_257, %add3A_883 : vector<16xi32>
      %gather3A_885 = tpu.vector_load_idx %arg10[%add3A_884, %broadcast_in_dim3A_874] : memref<1024x64xf32, #tpu.memory_space<vmem>>[vector<16xi32>, vector<16xi32>], vector<16xf32>,
      %mul3A_886 = arith.mulf %gather3A_875, %gather3A_885 : vector<16xf32>
      %add3A_887 = arith.addf %add3A_857, %mul3A_886 : vector<16xf32>
      %broadcast_in_dim3A_888 = arith.constant 42 : i32
      %broadcast_in_dim3A_889 = vector.broadcast %broadcast_in_dim3A_888 : i32 to vector<16xi32>
      %gather3A_890 = tpu.vector_load_idx %arg9[%add3A_254, %broadcast_in_dim3A_889] : memref<512x64xf32, #tpu.memory_space<vmem>>[vector<16xi32>, vector<16xi32>], vector<16xf32>,
      %add3A_891 = arith.constant 0 : i32
      %add3A_892 = vector.broadcast %add3A_891 : i32 to vector<16xi32>
      %add3A_893 = arith.addi %mul3A_257, %add3A_892 : vector<16xi32>
      %gather3A_894 = tpu.vector_load_idx %arg10[%add3A_893, %broadcast_in_dim3A_889] : memref<1024x64xf32, #tpu.memory_space<vmem>>[vector<16xi32>, vector<16xi32>], vector<16xf32>,
      %mul3A_895 = arith.mulf %gather3A_890, %gather3A_894 : vector<16xf32>
      %add3A_896 = arith.addf %add3A_866, %mul3A_895 : vector<16xf32>
      %add3A_897 = arith.constant 1 : i32
      %add3A_898 = vector.broadcast %add3A_897 : i32 to vector<16xi32>
      %add3A_899 = arith.addi %mul3A_257, %add3A_898 : vector<16xi32>
      %gather3A_900 = tpu.vector_load_idx %arg10[%add3A_899, %broadcast_in_dim3A_889] : memref<1024x64xf32, #tpu.memory_space<vmem>>[vector<16xi32>, vector<16xi32>], vector<16xf32>,
      %mul3A_901 = arith.mulf %gather3A_890, %gather3A_900 : vector<16xf32>
      %add3A_902 = arith.addf %add3A_872, %mul3A_901 : vector<16xf32>
      %broadcast_in_dim3A_903 = arith.constant 43 : i32
      %broadcast_in_dim3A_904 = vector.broadcast %broadcast_in_dim3A_903 : i32 to vector<16xi32>
      %gather3A_905 = tpu.vector_load_idx %arg9[%add3A_254, %broadcast_in_dim3A_904] : memref<512x64xf32, #tpu.memory_space<vmem>>[vector<16xi32>, vector<16xi32>], vector<16xf32>,
      %add3A_906 = arith.constant 0 : i32
      %add3A_907 = vector.broadcast %add3A_906 : i32 to vector<16xi32>
      %add3A_908 = arith.addi %mul3A_257, %add3A_907 : vector<16xi32>
      %gather3A_909 = tpu.vector_load_idx %arg10[%add3A_908, %broadcast_in_dim3A_904] : memref<1024x64xf32, #tpu.memory_space<vmem>>[vector<16xi32>, vector<16xi32>], vector<16xf32>,
      %mul3A_910 = arith.mulf %gather3A_905, %gather3A_909 : vector<16xf32>
      %add3A_911 = arith.addf %add3A_881, %mul3A_910 : vector<16xf32>
      %add3A_912 = arith.constant 1 : i32
      %add3A_913 = vector.broadcast %add3A_912 : i32 to vector<16xi32>
      %add3A_914 = arith.addi %mul3A_257, %add3A_913 : vector<16xi32>
      %gather3A_915 = tpu.vector_load_idx %arg10[%add3A_914, %broadcast_in_dim3A_904] : memref<1024x64xf32, #tpu.memory_space<vmem>>[vector<16xi32>, vector<16xi32>], vector<16xf32>,
      %mul3A_916 = arith.mulf %gather3A_905, %gather3A_915 : vector<16xf32>
      %add3A_917 = arith.addf %add3A_887, %mul3A_916 : vector<16xf32>
      %broadcast_in_dim3A_918 = arith.constant 44 : i32
      %broadcast_in_dim3A_919 = vector.broadcast %broadcast_in_dim3A_918 : i32 to vector<16xi32>
      %gather3A_920 = tpu.vector_load_idx %arg9[%add3A_254, %broadcast_in_dim3A_919] : memref<512x64xf32, #tpu.memory_space<vmem>>[vector<16xi32>, vector<16xi32>], vector<16xf32>,
      %add3A_921 = arith.constant 0 : i32
      %add3A_922 = vector.broadcast %add3A_921 : i32 to vector<16xi32>
      %add3A_923 = arith.addi %mul3A_257, %add3A_922 : vector<16xi32>
      %gather3A_924 = tpu.vector_load_idx %arg10[%add3A_923, %broadcast_in_dim3A_919] : memref<1024x64xf32, #tpu.memory_space<vmem>>[vector<16xi32>, vector<16xi32>], vector<16xf32>,
      %mul3A_925 = arith.mulf %gather3A_920, %gather3A_924 : vector<16xf32>
      %add3A_926 = arith.addf %add3A_896, %mul3A_925 : vector<16xf32>
      %add3A_927 = arith.constant 1 : i32
      %add3A_928 = vector.broadcast %add3A_927 : i32 to vector<16xi32>
      %add3A_929 = arith.addi %mul3A_257, %add3A_928 : vector<16xi32>
      %gather3A_930 = tpu.vector_load_idx %arg10[%add3A_929, %broadcast_in_dim3A_919] : memref<1024x64xf32, #tpu.memory_space<vmem>>[vector<16xi32>, vector<16xi32>], vector<16xf32>,
      %mul3A_931 = arith.mulf %gather3A_920, %gather3A_930 : vector<16xf32>
      %add3A_932 = arith.addf %add3A_902, %mul3A_931 : vector<16xf32>
      %broadcast_in_dim3A_933 = arith.constant 45 : i32
      %broadcast_in_dim3A_934 = vector.broadcast %broadcast_in_dim3A_933 : i32 to vector<16xi32>
      %gather3A_935 = tpu.vector_load_idx %arg9[%add3A_254, %broadcast_in_dim3A_934] : memref<512x64xf32, #tpu.memory_space<vmem>>[vector<16xi32>, vector<16xi32>], vector<16xf32>,
      %add3A_936 = arith.constant 0 : i32
      %add3A_937 = vector.broadcast %add3A_936 : i32 to vector<16xi32>
      %add3A_938 = arith.addi %mul3A_257, %add3A_937 : vector<16xi32>
      %gather3A_939 = tpu.vector_load_idx %arg10[%add3A_938, %broadcast_in_dim3A_934] : memref<1024x64xf32, #tpu.memory_space<vmem>>[vector<16xi32>, vector<16xi32>], vector<16xf32>,
      %mul3A_940 = arith.mulf %gather3A_935, %gather3A_939 : vector<16xf32>
      %add3A_941 = arith.addf %add3A_911, %mul3A_940 : vector<16xf32>
      %add3A_942 = arith.constant 1 : i32
      %add3A_943 = vector.broadcast %add3A_942 : i32 to vector<16xi32>
      %add3A_944 = arith.addi %mul3A_257, %add3A_943 : vector<16xi32>
      %gather3A_945 = tpu.vector_load_idx %arg10[%add3A_944, %broadcast_in_dim3A_934] : memref<1024x64xf32, #tpu.memory_space<vmem>>[vector<16xi32>, vector<16xi32>], vector<16xf32>,
      %mul3A_946 = arith.mulf %gather3A_935, %gather3A_945 : vector<16xf32>
      %add3A_947 = arith.addf %add3A_917, %mul3A_946 : vector<16xf32>
      %broadcast_in_dim3A_948 = arith.constant 46 : i32
      %broadcast_in_dim3A_949 = vector.broadcast %broadcast_in_dim3A_948 : i32 to vector<16xi32>
      %gather3A_950 = tpu.vector_load_idx %arg9[%add3A_254, %broadcast_in_dim3A_949] : memref<512x64xf32, #tpu.memory_space<vmem>>[vector<16xi32>, vector<16xi32>], vector<16xf32>,
      %add3A_951 = arith.constant 0 : i32
      %add3A_952 = vector.broadcast %add3A_951 : i32 to vector<16xi32>
      %add3A_953 = arith.addi %mul3A_257, %add3A_952 : vector<16xi32>
      %gather3A_954 = tpu.vector_load_idx %arg10[%add3A_953, %broadcast_in_dim3A_949] : memref<1024x64xf32, #tpu.memory_space<vmem>>[vector<16xi32>, vector<16xi32>], vector<16xf32>,
      %mul3A_955 = arith.mulf %gather3A_950, %gather3A_954 : vector<16xf32>
      %add3A_956 = arith.addf %add3A_926, %mul3A_955 : vector<16xf32>
      %add3A_957 = arith.constant 1 : i32
      %add3A_958 = vector.broadcast %add3A_957 : i32 to vector<16xi32>
      %add3A_959 = arith.addi %mul3A_257, %add3A_958 : vector<16xi32>
      %gather3A_960 = tpu.vector_load_idx %arg10[%add3A_959, %broadcast_in_dim3A_949] : memref<1024x64xf32, #tpu.memory_space<vmem>>[vector<16xi32>, vector<16xi32>], vector<16xf32>,
      %mul3A_961 = arith.mulf %gather3A_950, %gather3A_960 : vector<16xf32>
      %add3A_962 = arith.addf %add3A_932, %mul3A_961 : vector<16xf32>
      %broadcast_in_dim3A_963 = arith.constant 47 : i32
      %broadcast_in_dim3A_964 = vector.broadcast %broadcast_in_dim3A_963 : i32 to vector<16xi32>
      %gather3A_965 = tpu.vector_load_idx %arg9[%add3A_254, %broadcast_in_dim3A_964] : memref<512x64xf32, #tpu.memory_space<vmem>>[vector<16xi32>, vector<16xi32>], vector<16xf32>,
      %add3A_966 = arith.constant 0 : i32
      %add3A_967 = vector.broadcast %add3A_966 : i32 to vector<16xi32>
      %add3A_968 = arith.addi %mul3A_257, %add3A_967 : vector<16xi32>
      %gather3A_969 = tpu.vector_load_idx %arg10[%add3A_968, %broadcast_in_dim3A_964] : memref<1024x64xf32, #tpu.memory_space<vmem>>[vector<16xi32>, vector<16xi32>], vector<16xf32>,
      %mul3A_970 = arith.mulf %gather3A_965, %gather3A_969 : vector<16xf32>
      %add3A_971 = arith.addf %add3A_941, %mul3A_970 : vector<16xf32>
      %add3A_972 = arith.constant 1 : i32
      %add3A_973 = vector.broadcast %add3A_972 : i32 to vector<16xi32>
      %add3A_974 = arith.addi %mul3A_257, %add3A_973 : vector<16xi32>
      %gather3A_975 = tpu.vector_load_idx %arg10[%add3A_974, %broadcast_in_dim3A_964] : memref<1024x64xf32, #tpu.memory_space<vmem>>[vector<16xi32>, vector<16xi32>], vector<16xf32>,
      %mul3A_976 = arith.mulf %gather3A_965, %gather3A_975 : vector<16xf32>
      %add3A_977 = arith.addf %add3A_947, %mul3A_976 : vector<16xf32>
      %broadcast_in_dim3A_978 = arith.constant 48 : i32
      %broadcast_in_dim3A_979 = vector.broadcast %broadcast_in_dim3A_978 : i32 to vector<16xi32>
      %gather3A_980 = tpu.vector_load_idx %arg9[%add3A_254, %broadcast_in_dim3A_979] : memref<512x64xf32, #tpu.memory_space<vmem>>[vector<16xi32>, vector<16xi32>], vector<16xf32>,
      %add3A_981 = arith.constant 0 : i32
      %add3A_982 = vector.broadcast %add3A_981 : i32 to vector<16xi32>
      %add3A_983 = arith.addi %mul3A_257, %add3A_982 : vector<16xi32>
      %gather3A_984 = tpu.vector_load_idx %arg10[%add3A_983, %broadcast_in_dim3A_979] : memref<1024x64xf32, #tpu.memory_space<vmem>>[vector<16xi32>, vector<16xi32>], vector<16xf32>,
      %mul3A_985 = arith.mulf %gather3A_980, %gather3A_984 : vector<16xf32>
      %add3A_986 = arith.addf %add3A_956, %mul3A_985 : vector<16xf32>
      %add3A_987 = arith.constant 1 : i32
      %add3A_988 = vector.broadcast %add3A_987 : i32 to vector<16xi32>
      %add3A_989 = arith.addi %mul3A_257, %add3A_988 : vector<16xi32>
      %gather3A_990 = tpu.vector_load_idx %arg10[%add3A_989, %broadcast_in_dim3A_979] : memref<1024x64xf32, #tpu.memory_space<vmem>>[vector<16xi32>, vector<16xi32>], vector<16xf32>,
      %mul3A_991 = arith.mulf %gather3A_980, %gather3A_990 : vector<16xf32>
      %add3A_992 = arith.addf %add3A_962, %mul3A_991 : vector<16xf32>
      %broadcast_in_dim3A_993 = arith.constant 49 : i32
      %broadcast_in_dim3A_994 = vector.broadcast %broadcast_in_dim3A_993 : i32 to vector<16xi32>
      %gather3A_995 = tpu.vector_load_idx %arg9[%add3A_254, %broadcast_in_dim3A_994] : memref<512x64xf32, #tpu.memory_space<vmem>>[vector<16xi32>, vector<16xi32>], vector<16xf32>,
      %add3A_996 = arith.constant 0 : i32
      %add3A_997 = vector.broadcast %add3A_996 : i32 to vector<16xi32>
      %add3A_998 = arith.addi %mul3A_257, %add3A_997 : vector<16xi32>
      %gather3A_999 = tpu.vector_load_idx %arg10[%add3A_998, %broadcast_in_dim3A_994] : memref<1024x64xf32, #tpu.memory_space<vmem>>[vector<16xi32>, vector<16xi32>], vector<16xf32>,
      %mul3A_1000 = arith.mulf %gather3A_995, %gather3A_999 : vector<16xf32>
      %add3A_1001 = arith.addf %add3A_971, %mul3A_1000 : vector<16xf32>
      %add3A_1002 = arith.constant 1 : i32
      %add3A_1003 = vector.broadcast %add3A_1002 : i32 to vector<16xi32>
      %add3A_1004 = arith.addi %mul3A_257, %add3A_1003 : vector<16xi32>
      %gather3A_1005 = tpu.vector_load_idx %arg10[%add3A_1004, %broadcast_in_dim3A_994] : memref<1024x64xf32, #tpu.memory_space<vmem>>[vector<16xi32>, vector<16xi32>], vector<16xf32>,
      %mul3A_1006 = arith.mulf %gather3A_995, %gather3A_1005 : vector<16xf32>
      %add3A_1007 = arith.addf %add3A_977, %mul3A_1006 : vector<16xf32>
      %broadcast_in_dim3A_1008 = arith.constant 50 : i32
      %broadcast_in_dim3A_1009 = vector.broadcast %broadcast_in_dim3A_1008 : i32 to vector<16xi32>
      %gather3A_1010 = tpu.vector_load_idx %arg9[%add3A_254, %broadcast_in_dim3A_1009] : memref<512x64xf32, #tpu.memory_space<vmem>>[vector<16xi32>, vector<16xi32>], vector<16xf32>,
      %add3A_1011 = arith.constant 0 : i32
      %add3A_1012 = vector.broadcast %add3A_1011 : i32 to vector<16xi32>
      %add3A_1013 = arith.addi %mul3A_257, %add3A_1012 : vector<16xi32>
      %gather3A_1014 = tpu.vector_load_idx %arg10[%add3A_1013, %broadcast_in_dim3A_1009] : memref<1024x64xf32, #tpu.memory_space<vmem>>[vector<16xi32>, vector<16xi32>], vector<16xf32>,
      %mul3A_1015 = arith.mulf %gather3A_1010, %gather3A_1014 : vector<16xf32>
      %add3A_1016 = arith.addf %add3A_986, %mul3A_1015 : vector<16xf32>
      %add3A_1017 = arith.constant 1 : i32
      %add3A_1018 = vector.broadcast %add3A_1017 : i32 to vector<16xi32>
      %add3A_1019 = arith.addi %mul3A_257, %add3A_1018 : vector<16xi32>
      %gather3A_1020 = tpu.vector_load_idx %arg10[%add3A_1019, %broadcast_in_dim3A_1009] : memref<1024x64xf32, #tpu.memory_space<vmem>>[vector<16xi32>, vector<16xi32>], vector<16xf32>,
      %mul3A_1021 = arith.mulf %gather3A_1010, %gather3A_1020 : vector<16xf32>
      %add3A_1022 = arith.addf %add3A_992, %mul3A_1021 : vector<16xf32>
      %broadcast_in_dim3A_1023 = arith.constant 51 : i32
      %broadcast_in_dim3A_1024 = vector.broadcast %broadcast_in_dim3A_1023 : i32 to vector<16xi32>
      %gather3A_1025 = tpu.vector_load_idx %arg9[%add3A_254, %broadcast_in_dim3A_1024] : memref<512x64xf32, #tpu.memory_space<vmem>>[vector<16xi32>, vector<16xi32>], vector<16xf32>,
      %add3A_1026 = arith.constant 0 : i32
      %add3A_1027 = vector.broadcast %add3A_1026 : i32 to vector<16xi32>
      %add3A_1028 = arith.addi %mul3A_257, %add3A_1027 : vector<16xi32>
      %gather3A_1029 = tpu.vector_load_idx %arg10[%add3A_1028, %broadcast_in_dim3A_1024] : memref<1024x64xf32, #tpu.memory_space<vmem>>[vector<16xi32>, vector<16xi32>], vector<16xf32>,
      %mul3A_1030 = arith.mulf %gather3A_1025, %gather3A_1029 : vector<16xf32>
      %add3A_1031 = arith.addf %add3A_1001, %mul3A_1030 : vector<16xf32>
      %add3A_1032 = arith.constant 1 : i32
      %add3A_1033 = vector.broadcast %add3A_1032 : i32 to vector<16xi32>
      %add3A_1034 = arith.addi %mul3A_257, %add3A_1033 : vector<16xi32>
      %gather3A_1035 = tpu.vector_load_idx %arg10[%add3A_1034, %broadcast_in_dim3A_1024] : memref<1024x64xf32, #tpu.memory_space<vmem>>[vector<16xi32>, vector<16xi32>], vector<16xf32>,
      %mul3A_1036 = arith.mulf %gather3A_1025, %gather3A_1035 : vector<16xf32>
      %add3A_1037 = arith.addf %add3A_1007, %mul3A_1036 : vector<16xf32>
      %broadcast_in_dim3A_1038 = arith.constant 52 : i32
      %broadcast_in_dim3A_1039 = vector.broadcast %broadcast_in_dim3A_1038 : i32 to vector<16xi32>
      %gather3A_1040 = tpu.vector_load_idx %arg9[%add3A_254, %broadcast_in_dim3A_1039] : memref<512x64xf32, #tpu.memory_space<vmem>>[vector<16xi32>, vector<16xi32>], vector<16xf32>,
      %add3A_1041 = arith.constant 0 : i32
      %add3A_1042 = vector.broadcast %add3A_1041 : i32 to vector<16xi32>
      %add3A_1043 = arith.addi %mul3A_257, %add3A_1042 : vector<16xi32>
      %gather3A_1044 = tpu.vector_load_idx %arg10[%add3A_1043, %broadcast_in_dim3A_1039] : memref<1024x64xf32, #tpu.memory_space<vmem>>[vector<16xi32>, vector<16xi32>], vector<16xf32>,
      %mul3A_1045 = arith.mulf %gather3A_1040, %gather3A_1044 : vector<16xf32>
      %add3A_1046 = arith.addf %add3A_1016, %mul3A_1045 : vector<16xf32>
      %add3A_1047 = arith.constant 1 : i32
      %add3A_1048 = vector.broadcast %add3A_1047 : i32 to vector<16xi32>
      %add3A_1049 = arith.addi %mul3A_257, %add3A_1048 : vector<16xi32>
      %gather3A_1050 = tpu.vector_load_idx %arg10[%add3A_1049, %broadcast_in_dim3A_1039] : memref<1024x64xf32, #tpu.memory_space<vmem>>[vector<16xi32>, vector<16xi32>], vector<16xf32>,
      %mul3A_1051 = arith.mulf %gather3A_1040, %gather3A_1050 : vector<16xf32>
      %add3A_1052 = arith.addf %add3A_1022, %mul3A_1051 : vector<16xf32>
      %broadcast_in_dim3A_1053 = arith.constant 53 : i32
      %broadcast_in_dim3A_1054 = vector.broadcast %broadcast_in_dim3A_1053 : i32 to vector<16xi32>
      %gather3A_1055 = tpu.vector_load_idx %arg9[%add3A_254, %broadcast_in_dim3A_1054] : memref<512x64xf32, #tpu.memory_space<vmem>>[vector<16xi32>, vector<16xi32>], vector<16xf32>,
      %add3A_1056 = arith.constant 0 : i32
      %add3A_1057 = vector.broadcast %add3A_1056 : i32 to vector<16xi32>
      %add3A_1058 = arith.addi %mul3A_257, %add3A_1057 : vector<16xi32>
      %gather3A_1059 = tpu.vector_load_idx %arg10[%add3A_1058, %broadcast_in_dim3A_1054] : memref<1024x64xf32, #tpu.memory_space<vmem>>[vector<16xi32>, vector<16xi32>], vector<16xf32>,
      %mul3A_1060 = arith.mulf %gather3A_1055, %gather3A_1059 : vector<16xf32>
      %add3A_1061 = arith.addf %add3A_1031, %mul3A_1060 : vector<16xf32>
      %add3A_1062 = arith.constant 1 : i32
      %add3A_1063 = vector.broadcast %add3A_1062 : i32 to vector<16xi32>
      %add3A_1064 = arith.addi %mul3A_257, %add3A_1063 : vector<16xi32>
      %gather3A_1065 = tpu.vector_load_idx %arg10[%add3A_1064, %broadcast_in_dim3A_1054] : memref<1024x64xf32, #tpu.memory_space<vmem>>[vector<16xi32>, vector<16xi32>], vector<16xf32>,
      %mul3A_1066 = arith.mulf %gather3A_1055, %gather3A_1065 : vector<16xf32>
      %add3A_1067 = arith.addf %add3A_1037, %mul3A_1066 : vector<16xf32>
      %broadcast_in_dim3A_1068 = arith.constant 54 : i32
      %broadcast_in_dim3A_1069 = vector.broadcast %broadcast_in_dim3A_1068 : i32 to vector<16xi32>
      %gather3A_1070 = tpu.vector_load_idx %arg9[%add3A_254, %broadcast_in_dim3A_1069] : memref<512x64xf32, #tpu.memory_space<vmem>>[vector<16xi32>, vector<16xi32>], vector<16xf32>,
      %add3A_1071 = arith.constant 0 : i32
      %add3A_1072 = vector.broadcast %add3A_1071 : i32 to vector<16xi32>
      %add3A_1073 = arith.addi %mul3A_257, %add3A_1072 : vector<16xi32>
      %gather3A_1074 = tpu.vector_load_idx %arg10[%add3A_1073, %broadcast_in_dim3A_1069] : memref<1024x64xf32, #tpu.memory_space<vmem>>[vector<16xi32>, vector<16xi32>], vector<16xf32>,
      %mul3A_1075 = arith.mulf %gather3A_1070, %gather3A_1074 : vector<16xf32>
      %add3A_1076 = arith.addf %add3A_1046, %mul3A_1075 : vector<16xf32>
      %add3A_1077 = arith.constant 1 : i32
      %add3A_1078 = vector.broadcast %add3A_1077 : i32 to vector<16xi32>
      %add3A_1079 = arith.addi %mul3A_257, %add3A_1078 : vector<16xi32>
      %gather3A_1080 = tpu.vector_load_idx %arg10[%add3A_1079, %broadcast_in_dim3A_1069] : memref<1024x64xf32, #tpu.memory_space<vmem>>[vector<16xi32>, vector<16xi32>], vector<16xf32>,
      %mul3A_1081 = arith.mulf %gather3A_1070, %gather3A_1080 : vector<16xf32>
      %add3A_1082 = arith.addf %add3A_1052, %mul3A_1081 : vector<16xf32>
      %broadcast_in_dim3A_1083 = arith.constant 55 : i32
      %broadcast_in_dim3A_1084 = vector.broadcast %broadcast_in_dim3A_1083 : i32 to vector<16xi32>
      %gather3A_1085 = tpu.vector_load_idx %arg9[%add3A_254, %broadcast_in_dim3A_1084] : memref<512x64xf32, #tpu.memory_space<vmem>>[vector<16xi32>, vector<16xi32>], vector<16xf32>,
      %add3A_1086 = arith.constant 0 : i32
      %add3A_1087 = vector.broadcast %add3A_1086 : i32 to vector<16xi32>
      %add3A_1088 = arith.addi %mul3A_257, %add3A_1087 : vector<16xi32>
      %gather3A_1089 = tpu.vector_load_idx %arg10[%add3A_1088, %broadcast_in_dim3A_1084] : memref<1024x64xf32, #tpu.memory_space<vmem>>[vector<16xi32>, vector<16xi32>], vector<16xf32>,
      %mul3A_1090 = arith.mulf %gather3A_1085, %gather3A_1089 : vector<16xf32>
      %add3A_1091 = arith.addf %add3A_1061, %mul3A_1090 : vector<16xf32>
      %add3A_1092 = arith.constant 1 : i32
      %add3A_1093 = vector.broadcast %add3A_1092 : i32 to vector<16xi32>
      %add3A_1094 = arith.addi %mul3A_257, %add3A_1093 : vector<16xi32>
      %gather3A_1095 = tpu.vector_load_idx %arg10[%add3A_1094, %broadcast_in_dim3A_1084] : memref<1024x64xf32, #tpu.memory_space<vmem>>[vector<16xi32>, vector<16xi32>], vector<16xf32>,
      %mul3A_1096 = arith.mulf %gather3A_1085, %gather3A_1095 : vector<16xf32>
      %add3A_1097 = arith.addf %add3A_1067, %mul3A_1096 : vector<16xf32>
      %broadcast_in_dim3A_1098 = arith.constant 56 : i32
      %broadcast_in_dim3A_1099 = vector.broadcast %broadcast_in_dim3A_1098 : i32 to vector<16xi32>
      %gather3A_1100 = tpu.vector_load_idx %arg9[%add3A_254, %broadcast_in_dim3A_1099] : memref<512x64xf32, #tpu.memory_space<vmem>>[vector<16xi32>, vector<16xi32>], vector<16xf32>,
      %add3A_1101 = arith.constant 0 : i32
      %add3A_1102 = vector.broadcast %add3A_1101 : i32 to vector<16xi32>
      %add3A_1103 = arith.addi %mul3A_257, %add3A_1102 : vector<16xi32>
      %gather3A_1104 = tpu.vector_load_idx %arg10[%add3A_1103, %broadcast_in_dim3A_1099] : memref<1024x64xf32, #tpu.memory_space<vmem>>[vector<16xi32>, vector<16xi32>], vector<16xf32>,
      %mul3A_1105 = arith.mulf %gather3A_1100, %gather3A_1104 : vector<16xf32>
      %add3A_1106 = arith.addf %add3A_1076, %mul3A_1105 : vector<16xf32>
      %add3A_1107 = arith.constant 1 : i32
      %add3A_1108 = vector.broadcast %add3A_1107 : i32 to vector<16xi32>
      %add3A_1109 = arith.addi %mul3A_257, %add3A_1108 : vector<16xi32>
      %gather3A_1110 = tpu.vector_load_idx %arg10[%add3A_1109, %broadcast_in_dim3A_1099] : memref<1024x64xf32, #tpu.memory_space<vmem>>[vector<16xi32>, vector<16xi32>], vector<16xf32>,
      %mul3A_1111 = arith.mulf %gather3A_1100, %gather3A_1110 : vector<16xf32>
      %add3A_1112 = arith.addf %add3A_1082, %mul3A_1111 : vector<16xf32>
      %broadcast_in_dim3A_1113 = arith.constant 57 : i32
      %broadcast_in_dim3A_1114 = vector.broadcast %broadcast_in_dim3A_1113 : i32 to vector<16xi32>
      %gather3A_1115 = tpu.vector_load_idx %arg9[%add3A_254, %broadcast_in_dim3A_1114] : memref<512x64xf32, #tpu.memory_space<vmem>>[vector<16xi32>, vector<16xi32>], vector<16xf32>,
      %add3A_1116 = arith.constant 0 : i32
      %add3A_1117 = vector.broadcast %add3A_1116 : i32 to vector<16xi32>
      %add3A_1118 = arith.addi %mul3A_257, %add3A_1117 : vector<16xi32>
      %gather3A_1119 = tpu.vector_load_idx %arg10[%add3A_1118, %broadcast_in_dim3A_1114] : memref<1024x64xf32, #tpu.memory_space<vmem>>[vector<16xi32>, vector<16xi32>], vector<16xf32>,
      %mul3A_1120 = arith.mulf %gather3A_1115, %gather3A_1119 : vector<16xf32>
      %add3A_1121 = arith.addf %add3A_1091, %mul3A_1120 : vector<16xf32>
      %add3A_1122 = arith.constant 1 : i32
      %add3A_1123 = vector.broadcast %add3A_1122 : i32 to vector<16xi32>
      %add3A_1124 = arith.addi %mul3A_257, %add3A_1123 : vector<16xi32>
      %gather3A_1125 = tpu.vector_load_idx %arg10[%add3A_1124, %broadcast_in_dim3A_1114] : memref<1024x64xf32, #tpu.memory_space<vmem>>[vector<16xi32>, vector<16xi32>], vector<16xf32>,
      %mul3A_1126 = arith.mulf %gather3A_1115, %gather3A_1125 : vector<16xf32>
      %add3A_1127 = arith.addf %add3A_1097, %mul3A_1126 : vector<16xf32>
      %broadcast_in_dim3A_1128 = arith.constant 58 : i32
      %broadcast_in_dim3A_1129 = vector.broadcast %broadcast_in_dim3A_1128 : i32 to vector<16xi32>
      %gather3A_1130 = tpu.vector_load_idx %arg9[%add3A_254, %broadcast_in_dim3A_1129] : memref<512x64xf32, #tpu.memory_space<vmem>>[vector<16xi32>, vector<16xi32>], vector<16xf32>,
      %add3A_1131 = arith.constant 0 : i32
      %add3A_1132 = vector.broadcast %add3A_1131 : i32 to vector<16xi32>
      %add3A_1133 = arith.addi %mul3A_257, %add3A_1132 : vector<16xi32>
      %gather3A_1134 = tpu.vector_load_idx %arg10[%add3A_1133, %broadcast_in_dim3A_1129] : memref<1024x64xf32, #tpu.memory_space<vmem>>[vector<16xi32>, vector<16xi32>], vector<16xf32>,
      %mul3A_1135 = arith.mulf %gather3A_1130, %gather3A_1134 : vector<16xf32>
      %add3A_1136 = arith.addf %add3A_1106, %mul3A_1135 : vector<16xf32>
      %add3A_1137 = arith.constant 1 : i32
      %add3A_1138 = vector.broadcast %add3A_1137 : i32 to vector<16xi32>
      %add3A_1139 = arith.addi %mul3A_257, %add3A_1138 : vector<16xi32>
      %gather3A_1140 = tpu.vector_load_idx %arg10[%add3A_1139, %broadcast_in_dim3A_1129] : memref<1024x64xf32, #tpu.memory_space<vmem>>[vector<16xi32>, vector<16xi32>], vector<16xf32>,
      %mul3A_1141 = arith.mulf %gather3A_1130, %gather3A_1140 : vector<16xf32>
      %add3A_1142 = arith.addf %add3A_1112, %mul3A_1141 : vector<16xf32>
      %broadcast_in_dim3A_1143 = arith.constant 59 : i32
      %broadcast_in_dim3A_1144 = vector.broadcast %broadcast_in_dim3A_1143 : i32 to vector<16xi32>
      %gather3A_1145 = tpu.vector_load_idx %arg9[%add3A_254, %broadcast_in_dim3A_1144] : memref<512x64xf32, #tpu.memory_space<vmem>>[vector<16xi32>, vector<16xi32>], vector<16xf32>,
      %add3A_1146 = arith.constant 0 : i32
      %add3A_1147 = vector.broadcast %add3A_1146 : i32 to vector<16xi32>
      %add3A_1148 = arith.addi %mul3A_257, %add3A_1147 : vector<16xi32>
      %gather3A_1149 = tpu.vector_load_idx %arg10[%add3A_1148, %broadcast_in_dim3A_1144] : memref<1024x64xf32, #tpu.memory_space<vmem>>[vector<16xi32>, vector<16xi32>], vector<16xf32>,
      %mul3A_1150 = arith.mulf %gather3A_1145, %gather3A_1149 : vector<16xf32>
      %add3A_1151 = arith.addf %add3A_1121, %mul3A_1150 : vector<16xf32>
      %add3A_1152 = arith.constant 1 : i32
      %add3A_1153 = vector.broadcast %add3A_1152 : i32 to vector<16xi32>
      %add3A_1154 = arith.addi %mul3A_257, %add3A_1153 : vector<16xi32>
      %gather3A_1155 = tpu.vector_load_idx %arg10[%add3A_1154, %broadcast_in_dim3A_1144] : memref<1024x64xf32, #tpu.memory_space<vmem>>[vector<16xi32>, vector<16xi32>], vector<16xf32>,
      %mul3A_1156 = arith.mulf %gather3A_1145, %gather3A_1155 : vector<16xf32>
      %add3A_1157 = arith.addf %add3A_1127, %mul3A_1156 : vector<16xf32>
      %broadcast_in_dim3A_1158 = arith.constant 60 : i32
      %broadcast_in_dim3A_1159 = vector.broadcast %broadcast_in_dim3A_1158 : i32 to vector<16xi32>
      %gather3A_1160 = tpu.vector_load_idx %arg9[%add3A_254, %broadcast_in_dim3A_1159] : memref<512x64xf32, #tpu.memory_space<vmem>>[vector<16xi32>, vector<16xi32>], vector<16xf32>,
      %add3A_1161 = arith.constant 0 : i32
      %add3A_1162 = vector.broadcast %add3A_1161 : i32 to vector<16xi32>
      %add3A_1163 = arith.addi %mul3A_257, %add3A_1162 : vector<16xi32>
      %gather3A_1164 = tpu.vector_load_idx %arg10[%add3A_1163, %broadcast_in_dim3A_1159] : memref<1024x64xf32, #tpu.memory_space<vmem>>[vector<16xi32>, vector<16xi32>], vector<16xf32>,
      %mul3A_1165 = arith.mulf %gather3A_1160, %gather3A_1164 : vector<16xf32>
      %add3A_1166 = arith.addf %add3A_1136, %mul3A_1165 : vector<16xf32>
      %add3A_1167 = arith.constant 1 : i32
      %add3A_1168 = vector.broadcast %add3A_1167 : i32 to vector<16xi32>
      %add3A_1169 = arith.addi %mul3A_257, %add3A_1168 : vector<16xi32>
      %gather3A_1170 = tpu.vector_load_idx %arg10[%add3A_1169, %broadcast_in_dim3A_1159] : memref<1024x64xf32, #tpu.memory_space<vmem>>[vector<16xi32>, vector<16xi32>], vector<16xf32>,
      %mul3A_1171 = arith.mulf %gather3A_1160, %gather3A_1170 : vector<16xf32>
      %add3A_1172 = arith.addf %add3A_1142, %mul3A_1171 : vector<16xf32>
      %broadcast_in_dim3A_1173 = arith.constant 61 : i32
      %broadcast_in_dim3A_1174 = vector.broadcast %broadcast_in_dim3A_1173 : i32 to vector<16xi32>
      %gather3A_1175 = tpu.vector_load_idx %arg9[%add3A_254, %broadcast_in_dim3A_1174] : memref<512x64xf32, #tpu.memory_space<vmem>>[vector<16xi32>, vector<16xi32>], vector<16xf32>,
      %add3A_1176 = arith.constant 0 : i32
      %add3A_1177 = vector.broadcast %add3A_1176 : i32 to vector<16xi32>
      %add3A_1178 = arith.addi %mul3A_257, %add3A_1177 : vector<16xi32>
      %gather3A_1179 = tpu.vector_load_idx %arg10[%add3A_1178, %broadcast_in_dim3A_1174] : memref<1024x64xf32, #tpu.memory_space<vmem>>[vector<16xi32>, vector<16xi32>], vector<16xf32>,
      %mul3A_1180 = arith.mulf %gather3A_1175, %gather3A_1179 : vector<16xf32>
      %add3A_1181 = arith.addf %add3A_1151, %mul3A_1180 : vector<16xf32>
      %add3A_1182 = arith.constant 1 : i32
      %add3A_1183 = vector.broadcast %add3A_1182 : i32 to vector<16xi32>
      %add3A_1184 = arith.addi %mul3A_257, %add3A_1183 : vector<16xi32>
      %gather3A_1185 = tpu.vector_load_idx %arg10[%add3A_1184, %broadcast_in_dim3A_1174] : memref<1024x64xf32, #tpu.memory_space<vmem>>[vector<16xi32>, vector<16xi32>], vector<16xf32>,
      %mul3A_1186 = arith.mulf %gather3A_1175, %gather3A_1185 : vector<16xf32>
      %add3A_1187 = arith.addf %add3A_1157, %mul3A_1186 : vector<16xf32>
      %broadcast_in_dim3A_1188 = arith.constant 62 : i32
      %broadcast_in_dim3A_1189 = vector.broadcast %broadcast_in_dim3A_1188 : i32 to vector<16xi32>
      %gather3A_1190 = tpu.vector_load_idx %arg9[%add3A_254, %broadcast_in_dim3A_1189] : memref<512x64xf32, #tpu.memory_space<vmem>>[vector<16xi32>, vector<16xi32>], vector<16xf32>,
      %add3A_1191 = arith.constant 0 : i32
      %add3A_1192 = vector.broadcast %add3A_1191 : i32 to vector<16xi32>
      %add3A_1193 = arith.addi %mul3A_257, %add3A_1192 : vector<16xi32>
      %gather3A_1194 = tpu.vector_load_idx %arg10[%add3A_1193, %broadcast_in_dim3A_1189] : memref<1024x64xf32, #tpu.memory_space<vmem>>[vector<16xi32>, vector<16xi32>], vector<16xf32>,
      %mul3A_1195 = arith.mulf %gather3A_1190, %gather3A_1194 : vector<16xf32>
      %add3A_1196 = arith.addf %add3A_1166, %mul3A_1195 : vector<16xf32>
      %add3A_1197 = arith.constant 1 : i32
      %add3A_1198 = vector.broadcast %add3A_1197 : i32 to vector<16xi32>
      %add3A_1199 = arith.addi %mul3A_257, %add3A_1198 : vector<16xi32>
      %gather3A_1200 = tpu.vector_load_idx %arg10[%add3A_1199, %broadcast_in_dim3A_1189] : memref<1024x64xf32, #tpu.memory_space<vmem>>[vector<16xi32>, vector<16xi32>], vector<16xf32>,
      %mul3A_1201 = arith.mulf %gather3A_1190, %gather3A_1200 : vector<16xf32>
      %add3A_1202 = arith.addf %add3A_1172, %mul3A_1201 : vector<16xf32>
      %broadcast_in_dim3A_1203 = arith.constant 63 : i32
      %broadcast_in_dim3A_1204 = vector.broadcast %broadcast_in_dim3A_1203 : i32 to vector<16xi32>
      %gather3A_1205 = tpu.vector_load_idx %arg9[%add3A_254, %broadcast_in_dim3A_1204] : memref<512x64xf32, #tpu.memory_space<vmem>>[vector<16xi32>, vector<16xi32>], vector<16xf32>,
      %add3A_1206 = arith.constant 0 : i32
      %add3A_1207 = vector.broadcast %add3A_1206 : i32 to vector<16xi32>
      %add3A_1208 = arith.addi %mul3A_257, %add3A_1207 : vector<16xi32>
      %gather3A_1209 = tpu.vector_load_idx %arg10[%add3A_1208, %broadcast_in_dim3A_1204] : memref<1024x64xf32, #tpu.memory_space<vmem>>[vector<16xi32>, vector<16xi32>], vector<16xf32>,
      %mul3A_1210 = arith.mulf %gather3A_1205, %gather3A_1209 : vector<16xf32>
      %add3A_1211 = arith.addf %add3A_1181, %mul3A_1210 : vector<16xf32>
      %add3A_1212 = arith.constant 1 : i32
      %add3A_1213 = vector.broadcast %add3A_1212 : i32 to vector<16xi32>
      %add3A_1214 = arith.addi %mul3A_257, %add3A_1213 : vector<16xi32>
      %gather3A_1215 = tpu.vector_load_idx %arg10[%add3A_1214, %broadcast_in_dim3A_1204] : memref<1024x64xf32, #tpu.memory_space<vmem>>[vector<16xi32>, vector<16xi32>], vector<16xf32>,
      %mul3A_1216 = arith.mulf %gather3A_1205, %gather3A_1215 : vector<16xf32>
      %add3A_1217 = arith.addf %add3A_1187, %mul3A_1216 : vector<16xf32>
      %add3A_1218 = arith.addf %add3A_1196, %add3A_1211 : vector<16xf32>
      %add3A_1219 = arith.constant 0 : i32
      %add3A_1220 = vector.broadcast %add3A_1219 : i32 to vector<16xi32>
      %add3A_1221 = arith.addi %mul3A_257, %add3A_1220 : vector<16xi32>
      tpu.vector_store_idx %arg11[%add3A_1221], %add3A_1218 : memref<1024xf32, #tpu.memory_space<vmem>>[vector<16xi32>], vector<16xf32>,
      %add3A_1222 = arith.addf %add3A_1202, %add3A_1217 : vector<16xf32>
      %add3A_1223 = arith.constant 1 : i32
      %add3A_1224 = vector.broadcast %add3A_1223 : i32 to vector<16xi32>
      %add3A_1225 = arith.addi %mul3A_257, %add3A_1224 : vector<16xi32>
      tpu.vector_store_idx %arg11[%add3A_1225], %add3A_1222 : memref<1024xf32, #tpu.memory_space<vmem>>[vector<16xi32>], vector<16xf32>,
    }
    %scan3A_247 = arith.constant 32 : i32
    %mul3A_248 = arith.constant 1024 : i32
    %mul3A_249 = arith.muli %add3A, %mul3A_248 : i32
    "tpu.region"() ({
      %run_scoped3A = tpu.sem_alloc : memref<!tpu.dma_semaphore, #tpu.memory_space<semaphore_mem>>
      %dma_start3A_250 = tpu.memref_slice %arg6[%mul3A_249] : memref<32768xf32, #tpu.memory_space<hbm>> -> memref<1024xf32, #tpu.memory_space<hbm>>
      %dma_start3A_251 = tpu.memref_slice %arg6[%mul3A_249] : memref<32768xf32, #tpu.memory_space<hbm>> -> memref<1024xf32, #tpu.memory_space<hbm>>
      tpu.enqueue_dma source(%arg11 : memref<1024xf32, #tpu.memory_space<vmem>>) target(%dma_start3A_251 : memref<1024xf32, #tpu.memory_space<hbm>>) target_semaphore(%run_scoped3A : memref<!tpu.dma_semaphore, #tpu.memory_space<semaphore_mem>>)
      %dma_wait3A_252 = tpu.memref_slice %arg6[%mul3A_249] : memref<32768xf32, #tpu.memory_space<hbm>> -> memref<1024xf32, #tpu.memory_space<hbm>>
      %dma_wait3A_253 = tpu.memref_slice %arg6[%mul3A_249] : memref<32768xf32, #tpu.memory_space<hbm>> -> memref<1024xf32, #tpu.memory_space<hbm>>
      tpu.wait_dma2 semaphore(%run_scoped3A : memref<!tpu.dma_semaphore, #tpu.memory_space<semaphore_mem>>) src(%arg11 : memref<1024xf32, #tpu.memory_space<vmem>>) dst(%dma_wait3A_253 : memref<1024xf32, #tpu.memory_space<hbm>>)
      tpu.yield
    }) : () -> ()
    return
  }
}

module attributes {stable_mosaic.version = 14 : i64} {
  func.func @_bce_mean_body(%arg0: memref<256x128xf32, #tpu.memory_space<vmem>>, %arg1: memref<256x128xf32, #tpu.memory_space<vmem>>, %arg2: memref<1x1xf32, #tpu.memory_space<smem>>) attributes {dimension_semantics = [], scalar_prefetch = 0 : i64, scratch_operands = 0 : i64, tpu.core_type = #tpu.core_type<tc>} {
    %get3A = arith.constant 0 : index
    %get3A_0 = arith.constant 0 : index
    %get3A_1 = vector.load %arg0[%get3A, %get3A_0] : memref<256x128xf32, #tpu.memory_space<vmem>>, vector<256x128xf32>
    %get3A_2 = arith.constant 0 : index
    %get3A_3 = arith.constant 0 : index
    %get3A_4 = vector.load %arg1[%get3A_2, %get3A_3] : memref<256x128xf32, #tpu.memory_space<vmem>>, vector<256x128xf32>
    %max3A = arith.constant 0.000000e+00 : f32
    %max3A_5 = vector.broadcast %max3A : f32 to vector<256x128xf32>
    %max3A_6 = arith.maximumf %get3A_1, %max3A_5 : vector<256x128xf32>
    %mul3A = arith.mulf %get3A_1, %get3A_4 : vector<256x128xf32>
    %sub3A = arith.subf %max3A_6, %mul3A : vector<256x128xf32>
    %abs3A = math.absf %get3A_1 : vector<256x128xf32>
    %neg3A = arith.constant 0.000000e+00 : f32
    %neg3A_7 = vector.broadcast %neg3A : f32 to vector<256x128xf32>
    %neg3A_8 = arith.subf %neg3A_7, %abs3A : vector<256x128xf32>
    %exp3A = math.exp %neg3A_8 : vector<256x128xf32>
    %log1p3A = math.log1p %exp3A : vector<256x128xf32>
    %add3A = arith.addf %sub3A, %log1p3A : vector<256x128xf32>
    %reduce_sum3A = vector.shape_cast %add3A : vector<256x128xf32> to vector<1x256x128xf32>
    %reduce_sum3A_9 = arith.constant dense<0.000000e+00> : vector<1xf32>
    %reduce_sum3A_10 = vector.multi_reduction <add>, %reduce_sum3A, %reduce_sum3A_9 [1, 2] : vector<1x256x128xf32> to vector<1xf32>
    %reduce_sum3A_11 = vector.shape_cast %reduce_sum3A_10 : vector<1xf32> to vector<1x1x1xf32>
    %reduce_sum3A_12 = vector.extract %reduce_sum3A_11[0, 0, 0] : f32 from vector<1x1x1xf32>
    %mul3A_13 = arith.constant 3.05175781E-5 : f32
    %mul3A_14 = arith.mulf %reduce_sum3A_12, %mul3A_13 : f32
    %swap3A = arith.constant 0 : index
    %swap3A_15 = arith.constant 0 : index
    %swap3A_16 = memref.load %arg2[%swap3A, %swap3A_15] : memref<1x1xf32, #tpu.memory_space<smem>>
    memref.store %mul3A_14, %arg2[%swap3A, %swap3A_15] : memref<1x1xf32, #tpu.memory_space<smem>>
    return
  }
}

</mosaic_0001>

<sc_bundles>
// kernel: kernel.4.cloned.1.call-start
scs
__scs_entry_jumppad:
0x0: {  	(pc) =	sbr.rel $0x88, $3  }
0x1: {  	(tag) =	ssettag $0x0;
	lr =	simm.s32 $0x1  }
0x2: {  	[smem:$0x3F9C] =	sst lr;
	_ =	strace $0xD0000000  }
0x3: {  	_ = 	snop  }
0x4: {  	_ = 	snop  }
0x5: {  	_ = 	snop  }
0x6: {  	_ = 	snop  }
0x7: {  	_ = 	snop  }
__scs_overlays_trampoline_lowered:
0x8: {  	[smem:$0x3FAB] =	sst s0  }
0x9: {  	[smem:$0x3FAC] =	sst s1  }
0xa: {  	[smem:$0x3FAD] =	sst s2  }
0xb: {  	[smem:$0x3FAE] =	sst s3  }
0xc: {  	[smem:$0x3FAF] =	sst s4  }
0xd: {  	[smem:$0x3FB0] =	sst s5  }
0xe: {  	[smem:$0x3FB1] =	sst s6  }
0xf: {  	[smem:$0x3FB2] =	sst s7  }
0x10: {  	[smem:$0x3FB3] =	sst s8  }
0x11: {  	[smem:$0x3FB4] =	sst s9;
	s0 =	simm.s32 @!p0 $0x0  }
0x12: {  	s1 =	sld [smem:$0x3F9A];
	s0 =	simm.s32 @p0 $0x1  }
0x13: {  	[smem:$0x3FB5] =	sst s0;
	s0 =	simm.s32 @!p1 $0x0  }
0x14: {  	s2 =	sld [smem:$0x3F99];
	s0 =	simm.s32 @p1 $0x1  }
0x15: {  	[smem:$0x3FB6] =	sst s0;
	s0 =	simm.s32 @!p2 $0x0  }
0x16: {  	s3 =	sld [smem:$0x3FDB];
	s0 =	simm.s32 @p2 $0x1  }
0x17: {  	s4 =	simm.s32 $0x1BF5;
	[smem:$0x3FB8] =	sst s0  }
0x18: {  	s0 =	sld [smem:$0x3F9B];
	_ =	swait.ge [sflag:s4], $0x0  }
0x19: {  	s7 =	sld [smem:$0x3F9C]  }
0x1a: {  	s8 =	sadd.s32 $0xFFFFE003, lr  }
0x1b: {  	s9 =	sadd.s32 $0xFFFFFEF7, lr;
	s5 =	simm.s32 $0xFFFFFFFF;
	p2 =	slt.u32 s8, $0xFFFFF086  }
0x1c: {  	p1 =	slt.u32 s9, $0xF7A;
	s5 =	simm.s32 @!p2 $0x0  }
0x1d: {  	s5 =	simm.s32 @p1 $0x1;
	p0 =	seq.s32 s7, s2  }
0x1e: {  	s7 =	smul.u32 @!p0 $0xF7A, s2;
	p2 =	seq.s32 @!p0 s5, $0x0  }
0x1f: {  	s9 =	smul.u32 $0xF7A, s1;
	s8 =	simm.s32 @!p0 $0x1BF5;
	p2 =	por !p2, p0  }
0x20: {  	[sflag:s8] =	ssyncset.s32 @!p0 $0xFFFFF086;
	s6 =	sadd.s32 @!p0 s3, s7;
	s7 =	simm.s32 @!p0 $0x108  }
0x21: {  	s3 =	sadd.s32 s3, s9;
	s6 =	sadd.s32 @!p0 $0x88, s6;
	s7 =	simm.s32 @p2 $0x1082  }
0x22: {  	[simem:s7], [sflag:s8] =	dma.local @!p0 [hbm:s6], $0xF7A  }
0x23: {  	s9 =	sor.u32 $0xD0000000, s2;
	s6 =	simm.s32 $0x108;
	_ =	swait.ge @!p0 [sflag:s8], $0x0  }
0x24: {  	s3 =	sadd.s32 $0x88, s3;
	s6 =	simm.s32 @!p1 $0x1082;
	[sflag:s4] =	ssyncset.s32 $0xFFFFF086  }
0x25: {  	[simem:s6], [sflag:s4] =	dma.local [hbm:s3], $0xF7A  }
0x26: {  	[smem:$0x3F9C] =	sst s1;
	(tag) =	ssettag s2;
	_ =	strace s9  }
0x27: {  	s1 =	sld [smem:$0x3FAC]  }
0x28: {  	s2 =	sld [smem:$0x3FAD]  }
0x29: {  	s4 =	sld [smem:$0x3FAF]  }
0x2a: {  	p0 =	seq.s32 s5, $0x0;
	s5 =	sld [smem:$0x3FB0]  }
0x2b: {  	s6 =	sld [smem:$0x3FB1]  }
0x2c: {  	s7 =	sld [smem:$0x3FB2]  }
0x2d: {  	s3 =	simm.s32 $0x108;
	s8 =	sld [smem:$0x3FB3]  }
0x2e: {  	s3 =	simm.s32 @!p0 $0x1082;
	s9 =	sld [smem:$0x3FB4]  }
0x2f: {  	lr =	sadd.s32 s0, s3;
	s0 =	sld [smem:$0x3FAB]  }
0x30: {  	s3 =	sld [smem:$0x3FAE]  }
0x31: {  	[smem:$0x3FB7] =	sst s10  }
0x32: {  	s10 =	sld [smem:$0x3FB5];
	_ =	sdelay $0x3  }
0x33: {  	p0 =	seq.s32 s10, $0x1;
	s10 =	sld [smem:$0x3FB7];
	_ =	sdelay $0x3  }
0x34: {  	[smem:$0x3FB7] =	sst s10  }
0x35: {  	s10 =	sld [smem:$0x3FB6];
	_ =	sdelay $0x3  }
0x36: {  	p1 =	seq.s32 s10, $0x1;
	s10 =	sld [smem:$0x3FB7];
	_ =	sdelay $0x3  }
0x37: {  	[smem:$0x3FB7] =	sst s10  }
0x38: {  	s10 =	sld [smem:$0x3FB8]  }
0x39: {  	_ = 	snop;
	(pc) =	sbr.ind lr, $3  }
0x3a: {  	_ = 	snop  }
0x3b: {  	_ = 	snop  }
0x3c: {  	p2 =	seq.s32 s10, $0x1;
	s10 =	sld [smem:$0x3FB7]  }
0x3d: {  	_ =	shalt  }
0x3e: {  	_ =	shalt  }
0x3f: {  	_ =	shalt  }
0x40: {  	_ =	shalt  }
0x41: {  	_ =	shalt  }
0x42: {  	_ =	shalt  }
0x43: {  	_ =	shalt  }
0x44: {  	_ =	shalt  }
0x45: {  	_ =	shalt  }
0x46: {  	_ =	shalt  }
0x47: {  	_ =	shalt  }
0x48: {  	_ =	shalt  }
0x49: {  	_ =	shalt  }
0x4a: {  	_ =	shalt  }
0x4b: {  	_ =	shalt  }
0x4c: {  	_ =	shalt  }
0x4d: {  	_ =	shalt  }
0x4e: {  	_ =	shalt  }
0x4f: {  	_ =	shalt  }
0x50: {  	_ =	shalt  }
0x51: {  	_ =	shalt  }
0x52: {  	_ =	shalt  }
0x53: {  	_ =	shalt  }
0x54: {  	_ =	shalt  }
0x55: {  	_ =	shalt  }
0x56: {  	_ =	shalt  }
0x57: {  	_ =	shalt  }
0x58: {  	_ =	shalt  }
0x59: {  	_ =	shalt  }
0x5a: {  	_ =	shalt  }
0x5b: {  	_ =	shalt  }
0x5c: {  	_ =	shalt  }
0x5d: {  	_ =	shalt  }
0x5e: {  	_ =	shalt  }
0x5f: {  	_ =	shalt  }
0x60: {  	_ =	shalt  }
0x61: {  	_ =	shalt  }
0x62: {  	_ =	shalt  }
0x63: {  	_ =	shalt  }
0x64: {  	_ =	shalt  }
0x65: {  	_ =	shalt  }
0x66: {  	_ =	shalt  }
0x67: {  	_ =	shalt  }
0x68: {  	_ =	shalt  }
0x69: {  	_ =	shalt  }
0x6a: {  	_ =	shalt  }
0x6b: {  	_ =	shalt  }
0x6c: {  	_ =	shalt  }
0x6d: {  	_ =	shalt  }
0x6e: {  	_ =	shalt  }
0x6f: {  	_ =	shalt  }
0x70: {  	_ =	shalt  }
0x71: {  	_ =	shalt  }
0x72: {  	_ =	shalt  }
0x73: {  	_ =	shalt  }
0x74: {  	_ =	shalt  }
0x75: {  	_ =	shalt  }
0x76: {  	_ =	shalt  }
0x77: {  	_ =	shalt  }
0x78: {  	_ =	shalt  }
0x79: {  	_ =	shalt  }
0x7a: {  	_ =	shalt  }
0x7b: {  	_ =	shalt  }
0x7c: {  	_ =	shalt  }
0x7d: {  	_ =	shalt  }
0x7e: {  	_ =	shalt  }
0x7f: {  	_ =	shalt  }
0x80: {  	_ =	shalt  }
0x81: {  	_ =	shalt  }
0x82: {  	_ =	shalt  }
0x83: {  	_ =	shalt  }
0x84: {  	_ =	shalt  }
0x85: {  	_ =	shalt  }
0x86: {  	_ =	shalt  }
0x87: {  	_ =	shalt  }
.Lfunc_end0:
.L_simem_size_0:
called_computation_lowered:
.L_overlay_start_0:
0x88: {  	s2 =	sld [smem:$0x3FD9]  }
0x89: {  	s3 =	sld [smem:$0x3FFE];
	_ =	sdelay $0x1  }
0x8a: {  	s1 =	srdreg.scid  }
0x8b: {  	s0 =	sand.u32 $0x1, s1  }
0x8c: {  	s17 =	sshll.u32 s0, $0xA;
	s2 =	sadd.s32 s3, s2  }
0x8d: {  	s2 =	sadd.s32 s2, s17  }
0x8e: {  	[smem:$0x3FC3] =	sst s2  }
0x8f: {  	_ = 	snop  }
0x90: {  	s2 =	sld [smem:$0x3FC9];
	(tm) =	ssettm $0x1  }
0x91: {  	s18 =	sld [smem:$0x3FFB];
	_ =	sdelay $0x3  }
0x92: {  	_ =	strace s18  }
0x93: {  	s3 =	sld [smem:$0x3FFC];
	_ =	sdelay $0x3  }
0x94: {  	_ =	strace s3  }
0x95: {  	s3 =	sld [smem:$0x3FFD];
	_ =	sdelay $0x3  }
0x96: {  	_ =	strace s3  }
0x97: {  	_ =	strace $0x8FFFFFFF  }
0x98: {  	s19 =	sld [smem:$0x3FDB];
	_ =	sdelay $0x1  }
0x99: {  	s4 =	simm.s32 $_scs_section_size  }
0x9a: {  	s5 =	simm.s32 $_size__tile_overlayer_lowered;
	s6 =	simm.s32 $_tile_overlayer_lowered  }
0x9b: {  	s22 =	simm.s32 $0x1BFF;
	s21 =	sshll.u32 s6, $0x1;
	s3 =	sadd.s32 s4, s19  }
0x9c: {  	s7 =	simm.s32 $0x0;
	s20 =	sshll.u32 s5, $0x1;
	s5 =	sadd.s32 s21, s3  }
0x9d: {  	[timem:s7], [sflag:s22] =	dma.local [hbm:s5], s20  }
0x9e: {  	_ =	swait.ge [sflag:s22], s20  }
0x9f: {  	s4 =	ssub.s32 $0x0, s20;
	[sflag:s22] =	ssyncset.done $0x0  }
0xa0: {  	[sflag:s22] =	ssyncadd.s32 s4;
	_ =	sdelay $0x1  }
0xa1: {  	s23 =	simm.s32 $0x1B8B  }
0xa2: {  	_ =	swait.ge [sflag:s23], $0x1  }
0xa3: {  	[sflag:s23] =	ssyncset.done $0x0  }
0xa4: {  	s25 =	simm.s32 $0x1B8E;
	s24 =	sld [smem:$0x3FFE];
	[sflag:s23] =	ssyncadd.s32 $0xFFFFFFFF  }
0xa5: {  	s26 =	simm.s32 $execute0_lowered;
	[smem:$0x3FD2] =	sst s25  }
0xa6: {  	s5 =	sshll.u32 s26, $0x1;
	_ =	strace $0x80000046;
	[dreg:$0x1] =	wrdreg $0xFFFFFFFF  }
0xa7: {  	s28 =	simm.s32 $_size_execute0_lowered;
	s3 =	sadd.s32 s3, s5;
	[dreg:$0x0] =	wrdreg $0x0  }
0xa8: {  	s5 =	sshll.u32 s28, $0x1;
	[dreg:$0x2] =	wrdreg s3  }
0xa9: {  	[dreg:$0x3] =	wrdreg s5  }
0xaa: {  	[dreg:$0x4] =	wrdreg $0xC0  }
0xab: {  	_ =	task [dreg:s7], $0x5FFFF  }
0xac: {  	[dreg:$0x1] =	wrdreg $0xFFFFFFFF  }
0xad: {  	[dreg:$0x0] =	wrdreg $0x60  }
0xae: {  	[dreg:$0x2] =	wrdreg s2  }
0xaf: {  	[dreg:$0x3] =	wrdreg s24  }
0xb0: {  	[dreg:$0x4] =	wrdreg $0x9  }
0xb1: {  	_ =	task.clear_ibuf [dreg:s7], $0x5FFFF;
	_ =	strace $0x90000046  }
0xb2: {  	s29 =	simm.s32 $0x9;
	_ =	strace $0x80000048  }
0xb3: {  	_ =	swait.ge [sflag:s29], $0x1  }
0xb4: {  	[sflag:s29] =	ssyncadd.s32 $0xFFFFFFFF  }
0xb5: {  	_ =	strace $0x90000048  }
0xb6: {  	_ =	sfence  }
0xb7: {  	s30 =	sld [smem:$0x0];
	_ =	sdelay $0x2  }
0xb8: {  	s31 =	sshll.u32 s1, $0xD;
	s1 =	sshrl.u32 s1, $0x2  }
0xb9: {  	s3 =	sand.u32 $0x4000, s31;
	s1 =	sadd.s32 s1, s30  }
0xba: {  	s0 =	sor.u32 s3, s0;
	s1 =	sshll.u32 s1, $0x11  }
0xbb: {  	s0 =	sor.u32 s1, s0  }
0xbc: {  	s0 =	sadd.s32 $0x8F2B, s0  }
0xbd: {  	[sflag:s0] =	ssyncadd.remote.s32 $0x1  }
0xbe: {  	_ =	sfence.sel $0xFFFF  }
0xbf: {  	[dreg:$0x0] =	wrdreg $0xFFFFFFFF;
	(pc) =	sbr.abs _section_cstart, $3  }
0xc0: {  	[dreg:$0x1] =	wrdreg $0xFFFFFFFF  }
0xc1: {  	_ =	task.clear_ibuf [dreg:s7], $0x2FFFF;
	_ =	strace $0x9FFFFFFF  }
0xc2: {  	(tm) =	ssettm $0x7FFFFFFF  }
0xc3: {  	_ =	shalt  }
tec
execute0_lowered:
.L_overlay_start_1:
0x0: {  	(tag) =	ssettag $0x1  }
0x1: {  	s0 =	rddreg [dreg:$0x0]  }
0x2: {  	s1 =	rddreg [dreg:$0x1]  }
0x3: {  	s2 =	simm.s32 $0x0;
	s4 =	srdreg.scid;
	s6 =	stileid.u32  }
0x4: {  	s9 =	simm.s32 $0x2;
	s10 =	simm.s32 $0x200;
	s11 =	simm.s32 $0x80  }
0x5: {  	s12 =	simm.s32 $0x600;
	s18 =	simm.s32 $0x8600;
	s19 =	simm.s32 $0x280  }
0x6: {  	s20 =	simm.s32 $0xA600;
	s21 =	simm.s32 $0x300;
	s22 =	simm.s32 $0xC600  }
0x7: {  	s23 =	simm.s32 $0x380;
	s24 =	simm.s32 $0xE600;
	s25 =	simm.s32 $0x400  }
0x8: {  	s26 =	simm.s32 $0x10600;
	s28 =	simm.s32 $0x480;
	s29 =	simm.s32 $0x12600  }
0x9: {  	s30 =	simm.s32 $0x500;
	s31 =	simm.s32 $0x14600;
	s13 =	simm.s32 $0x1  }
0xa: {  	s14 =	simm.s32 $0x18600;
	s15 =	simm.s32 $0x0;
	[smem:$0x7FF] =	sst s2  }
0xb: {  	s3 =	sadd.s32 $0x16E4400, s1;
	s5 =	sand.u32 $0x1, s4;
	s6 =	sshll.u32 s6, $0x1  }
0xc: {  	s4 =	sadd.s32 $0xF43000, s1;
	s6 =	sor.u32 s5, s6;
	s5 =	ssub.s32 $0x2, s5  }
0xd: {  	_ =	strace $0x80000047;
	s7 =	sshll.u32 s6, $0x7;
	s8 =	sshrl.u32 s5, $0x1  }
0xe: {  	s6 =	sshll.u32 s6, $0x6;
	s1 =	sadd.s32 s7, s1;
	s8 =	ssub.s32 s5, s8  }
0xf: {  	s5 =	sadd.s32 s0, s6;
	s0 =	simm.s32 $0x580;
	s6 =	sadd.s32 $0xA00, s1  }
0x10: {  	s7 =	sadd.s32 $0x1A00, s1;
	s8 =	smax.u32 s8, $0x1;
	s1 =	simm.s32 $0x16600  }
.LBB2_1:
0x11: {  	[tilespmem:s2], [sflag:$0x2] =	stream.linear.gather [hbm4b:s5+s2], $0x200, $0x38;
	[tilespmem:$0x18A00] =	vst v63  }
0x12: {  	_ =	swait.ge [sflag:s9], $0x200  }
0x13: {  	[sflag:s9] =	ssyncset.done $0x0  }
0x14: {  	[sflag:s9] =	ssyncadd.s32 $0xFFFFFE00  }
0x15: {  	[tilespmem:s10], [sflag:$0x2] =	stream.linear.gather [hbm4b:s6+s2], $0x400, $0x38;
	[tilespmem:$0x18A00] =	vst v63  }
0x16: {  	_ =	swait.ge [sflag:s9], $0x400  }
0x17: {  	[sflag:s9] =	ssyncset.done $0x0  }
0x18: {  	[sflag:s9] =	ssyncadd.s32 $0xFFFFFC00  }
0x19: {  	[tilespmem:s12], [sflag:$0x1] =	stream.indirect.gather [hbm4b:s3+s11], $0x40, s2, s11, $0xb8;
	[tilespmem:$0x18A00] =	vst v63  }
0x1a: {  	s16 =	simm.s32 $0x2600  }
0x1b: {  	[tilespmem:s16], [sflag:$0x1] =	stream.indirect.gather [hbm4b:s3+s11], $0x40, s11, s11, $0xb8;
	[tilespmem:$0x18A00] =	vst v63  }
0x1c: {  	s17 =	simm.s32 $0x4600;
	s16 =	simm.s32 $0x100  }
0x1d: {  	[tilespmem:s17], [sflag:$0x1] =	stream.indirect.gather [hbm4b:s3+s11], $0x40, s16, s11, $0xb8;
	[tilespmem:$0x18A00] =	vst v63  }
0x1e: {  	s16 =	simm.s32 $0x180;
	s17 =	simm.s32 $0x6600  }
0x1f: {  	[tilespmem:s17], [sflag:$0x1] =	stream.indirect.gather [hbm4b:s3+s11], $0x40, s16, s11, $0xb8;
	[tilespmem:$0x18A00] =	vst v63  }
0x20: {  	_ = 	snop  }
0x21: {  	[tilespmem:s18], [sflag:$0x1] =	stream.indirect.gather [hbm4b:s4+s11], $0x40, s10, s11, $0xb8;
	[tilespmem:$0x18A00] =	vst v63  }
0x22: {  	_ = 	snop  }
0x23: {  	[tilespmem:s20], [sflag:$0x1] =	stream.indirect.gather [hbm4b:s4+s11], $0x40, s19, s11, $0xb8;
	[tilespmem:$0x18A00] =	vst v63  }
0x24: {  	_ = 	snop  }
0x25: {  	[tilespmem:s22], [sflag:$0x1] =	stream.indirect.gather [hbm4b:s4+s11], $0x40, s21, s11, $0xb8;
	[tilespmem:$0x18A00] =	vst v63  }
0x26: {  	_ = 	snop  }
0x27: {  	[tilespmem:s24], [sflag:$0x1] =	stream.indirect.gather [hbm4b:s4+s11], $0x40, s23, s11, $0xb8;
	[tilespmem:$0x18A00] =	vst v63  }
0x28: {  	_ = 	snop  }
0x29: {  	[tilespmem:s26], [sflag:$0x1] =	stream.indirect.gather [hbm4b:s4+s11], $0x40, s25, s11, $0xb8;
	[tilespmem:$0x18A00] =	vst v63  }
0x2a: {  	_ = 	snop  }
0x2b: {  	[tilespmem:s29], [sflag:$0x1] =	stream.indirect.gather [hbm4b:s4+s11], $0x40, s28, s11, $0xb8;
	[tilespmem:$0x18A00] =	vst v63  }
0x2c: {  	_ = 	snop  }
0x2d: {  	[tilespmem:s31], [sflag:$0x1] =	stream.indirect.gather [hbm4b:s4+s11], $0x40, s30, s11, $0xb8;
	[tilespmem:$0x18A00] =	vst v63  }
0x2e: {  	_ = 	snop  }
0x2f: {  	[tilespmem:s1], [sflag:$0x1] =	stream.indirect.gather [hbm4b:s4+s11], $0x40, s0, s11, $0xb8;
	[tilespmem:$0x18A00] =	vst v63  }
0x30: {  	_ =	swait.ge [sflag:s13], $0x2000  }
0x31: {  	[sflag:s13] =	ssyncset.done $0x0  }
0x32: {  	[sflag:s13] =	ssyncadd.s32 $0xFFFFE000  }
0x33: {  	_ =	swait.ge [sflag:s13], $0x2000  }
0x34: {  	[sflag:s13] =	ssyncset.done $0x0  }
0x35: {  	[sflag:s13] =	ssyncadd.s32 $0xFFFFE000  }
0x36: {  	_ =	swait.ge [sflag:s13], $0x2000  }
0x37: {  	[sflag:s13] =	ssyncset.done $0x0  }
0x38: {  	[sflag:s13] =	ssyncadd.s32 $0xFFFFE000  }
0x39: {  	_ =	swait.ge [sflag:s13], $0x2000  }
0x3a: {  	[sflag:s13] =	ssyncset.done $0x0  }
0x3b: {  	[sflag:s13] =	ssyncadd.s32 $0xFFFFE000  }
0x3c: {  	_ =	swait.ge [sflag:s13], $0x2000  }
0x3d: {  	[sflag:s13] =	ssyncset.done $0x0  }
0x3e: {  	[sflag:s13] =	ssyncadd.s32 $0xFFFFE000  }
0x3f: {  	_ =	swait.ge [sflag:s13], $0x2000  }
0x40: {  	[sflag:s13] =	ssyncset.done $0x0  }
0x41: {  	[sflag:s13] =	ssyncadd.s32 $0xFFFFE000  }
0x42: {  	_ =	swait.ge [sflag:s13], $0x2000  }
0x43: {  	[sflag:s13] =	ssyncset.done $0x0  }
0x44: {  	[sflag:s13] =	ssyncadd.s32 $0xFFFFE000  }
0x45: {  	_ =	swait.ge [sflag:s13], $0x2000  }
0x46: {  	[sflag:s13] =	ssyncset.done $0x0  }
0x47: {  	[sflag:s13] =	ssyncadd.s32 $0xFFFFE000  }
0x48: {  	_ =	swait.ge [sflag:s13], $0x2000  }
0x49: {  	[sflag:s13] =	ssyncset.done $0x0  }
0x4a: {  	[sflag:s13] =	ssyncadd.s32 $0xFFFFE000  }
0x4b: {  	_ =	swait.ge [sflag:s13], $0x2000  }
0x4c: {  	v0 =	vlaneseq.u32;
	[sflag:s13] =	ssyncset.done $0x0  }
0x4d: {  	v0 =	vor.u32 s2, v0;
	[sflag:s13] =	ssyncadd.s32 $0xFFFFE000  }
0x4e: {  	v18 =	vshll.u32 v0, $0x7;
	_ =	swait.ge [sflag:s13], $0x2000  }
0x4f: {  	v2 =	vor.u32 $0x3F, v18;
	[sflag:s13] =	ssyncset.done $0x0  }
0x50: {  	[sflag:s13] =	ssyncadd.s32 $0xFFFFE000  }
0x51: {  	_ =	swait.ge [sflag:s13], $0x2000  }
0x52: {  	[sflag:s13] =	ssyncset.done $0x0  }
0x53: {  	[sflag:s13] =	ssyncadd.s32 $0xFFFFE000  }
0x54: {  	v4 =	vor.u32 $0x3C, v18;
	v2 =	vld.idx.msk [tilespmem:v2+s18+$0x0], $0xffff  }
0x55: {  	v5 =	vor.u32 $0x3D, v18;
	_ =	sdelay $0x3  }
0x56: {  	[tilespmem:$0x1F9B0] =	vst v2;
	v2 =	vld.idx.msk [tilespmem:v4+s18+$0x0], $0xffff  }
0x57: {  	v6 =	vor.u32 $0x7C, v18;
	v4 =	vld.idx.msk [tilespmem:v5+s18+$0x0], $0xffff  }
0x58: {  	v8 =	vor.u32 $0x3B, v18  }
0x59: {  	v12 =	vor.u32 $0x39, v18  }
0x5a: {  	v33 =	vshll.u32 v0, $0x6  }
0x5b: {  	v11 =	vor.u32 $0x3E, v33  }
0x5c: {  	v16 =	vor.u32 $0x37, v18;
	[tilespmem:$0x1F9C0] =	vst v4;
	v4 =	vld.idx.msk [tilespmem:v6+s18+$0x0], $0xffff  }
0x5d: {  	v7 =	vor.u32 $0x3A, v18;
	v6 =	vld.idx.msk [tilespmem:v8+s18+$0x0], $0xffff  }
0x5e: {  	v13 =	vor.u32 $0x78, v18;
	v8 =	vld.idx.msk [tilespmem:v12+s18+$0x0], $0xffff  }
0x5f: {  	v9 =	vor.u32 $0x7A, v18  }
0x60: {  	v14 =	vor.u32 $0x36, v18;
	v15 =	vld.idx.msk [tilespmem:v11+s12+$0x0], $0xffff  }
0x61: {  	v10 =	vor.u32 $0x38, v18;
	v11 =	vld.idx.msk [tilespmem:v16+s18+$0x0], $0xffff  }
0x62: {  	v5 =	vld.idx.msk [tilespmem:v7+s18+$0x0], $0xffff;
	v12 =	vor.u32 $0x3C, v33  }
0x63: {  	[tilespmem:$0x1F9E0] =	vst v8;
	v8 =	vld.idx.msk [tilespmem:v13+s18+$0x0], $0xffff;
	v13 =	vor.u32 $0x35, v18  }
0x64: {  	v7 =	vld.idx.msk [tilespmem:v9+s18+$0x0], $0xffff  }
0x65: {  	v9 =	vld.idx.msk [tilespmem:v14+s18+$0x0], $0xffff  }
0x66: {  	[tilespmem:$0x1F9D0] =	vst v6;
	v6 =	vld.idx.msk [tilespmem:v10+s18+$0x0], $0xffff;
	v10 =	vor.u32 $0x76, v18  }
0x67: {  	v17 =	vor.u32 $0x34, v18;
	v22 =	vld.idx.msk [tilespmem:v12+s12+$0x0], $0xffff  }
0x68: {  	v14 =	vor.u32 $0x74, v18;
	v12 =	vld.idx.msk [tilespmem:v13+s18+$0x0], $0xffff  }
0x69: {  	v23 =	vor.u32 $0x31, v18;
	_ =	sdelay $0x1  }
0x6a: {  	v16 =	vor.u32 $0x32, v18;
	[tilespmem:$0x1F9F0] =	vst v11;
	v11 =	vld.idx.msk [tilespmem:v10+s18+$0x0], $0xffff  }
0x6b: {  	v10 =	vld.idx.msk [tilespmem:v17+s18+$0x0], $0xffff;
	v17 =	vor.u32 $0x72, v18  }
0x6c: {  	v24 =	vor.u32 $0x70, v18;
	[tilespmem:$0x1FA00] =	vst v12;
	v12 =	vld.idx.msk [tilespmem:v14+s18+$0x0], $0xffff  }
0x6d: {  	v25 =	vor.u32 $0x2F, v18;
	v14 =	vld.idx.msk [tilespmem:v23+s18+$0x0], $0xffff;
	_ =	sdelay $0x1  }
0x6e: {  	v63 =	vld.idx.msk [tilespmem:v16+s18+$0x0], $0xffff  }
0x6f: {  	v16 =	vld.idx.msk [tilespmem:v17+s18+$0x0], $0xffff  }
0x70: {  	v17 =	vld.idx.msk [tilespmem:v24+s18+$0x0], $0xffff  }
0x71: {  	v24 =	vor.u32 $0x2D, v18;
	[tilespmem:$0x1FA20] =	vst v14;
	v14 =	vld.idx.msk [tilespmem:v25+s18+$0x0], $0xffff;
	_ =	sdelay $0x4  }
0x72: {  	v29 =	vor.u32 $0x2B, v18;
	[tilespmem:$0x1FA30] =	vst v14;
	v14 =	vld.idx.msk [tilespmem:v24+s18+$0x0], $0xffff;
	_ =	sdelay $0x4  }
0x73: {  	v31 =	vor.u32 $0x29, v18;
	[tilespmem:$0x1FA40] =	vst v14;
	v14 =	vld.idx.msk [tilespmem:v29+s18+$0x0], $0xffff;
	_ =	sdelay $0x4  }
0x74: {  	v34 =	vor.u32 $0x27, v18;
	[tilespmem:$0x1FA50] =	vst v14;
	v14 =	vld.idx.msk [tilespmem:v31+s18+$0x0], $0xffff;
	_ =	sdelay $0x4  }
0x75: {  	v37 =	vor.u32 $0x25, v18;
	[tilespmem:$0x1FA60] =	vst v14;
	v14 =	vld.idx.msk [tilespmem:v34+s18+$0x0], $0xffff;
	_ =	sdelay $0x2  }
0x76: {  	v1 =	vor.u32 $0x3E, v18  }
0x77: {  	v3 =	vor.u32 $0x7E, v18  }
0x78: {  	v39 =	vor.u32 $0x23, v18;
	[tilespmem:$0x1FA70] =	vst v14;
	v14 =	vld.idx.msk [tilespmem:v37+s18+$0x0], $0xffff  }
0x79: {  	v21 =	vor.u32 $0x3A, v33  }
0x7a: {  	v19 =	vor.u32 $0x33, v18  }
0x7b: {  	v30 =	vor.u32 $0x28, v18;
	v1 =	vld.idx.msk [tilespmem:v1+s18+$0x0], $0xffff  }
0x7c: {  	v35 =	vor.u32 $0x66, v18;
	v3 =	vld.idx.msk [tilespmem:v3+s18+$0x0], $0xffff  }
0x7d: {  	v42 =	vor.u32 $0x21, v18;
	[tilespmem:$0x1FA80] =	vst v14;
	v14 =	vld.idx.msk [tilespmem:v39+s18+$0x0], $0xffff  }
0x7e: {  	v36 =	vor.u32 $0x24, v18;
	v26 =	vld.idx.msk [tilespmem:v21+s12+$0x0], $0xffff  }
0x7f: {  	v20 =	vor.u32 $0x30, v18;
	v13 =	vld.idx.msk [tilespmem:v19+s18+$0x0], $0xffff;
	v2 =	vmul.f32 v2, v22  }
0x80: {  	v46 =	vor.u32 $0x1C, v18;
	v30 =	vld.idx.msk [tilespmem:v30+s18+$0x0], $0xffff  }
0x81: {  	v35 =	vld.idx.msk [tilespmem:v35+s18+$0x0], $0xffff;
	v19 =	vor.u32 $0x2E, v18;
	[tilespmem:$0x1FB40] =	vst v2;
	v2 =	vmul.f32 v4, v22  }
0x82: {  	v44 =	vor.u32 $0x1F, v18;
	[tilespmem:$0x1FA90] =	vst v14;
	v14 =	vld.idx.msk [tilespmem:v42+s18+$0x0], $0xffff  }
0x83: {  	v36 =	vld.idx.msk [tilespmem:v36+s18+$0x0], $0xffff;
	[tilespmem:$0x1FB50] =	vst v2;
	v2 =	vor.u32 $0x28, v33  }
0x84: {  	[tilespmem:$0x1FA10] =	vst v13;
	v13 =	vld.idx.msk [tilespmem:v20+s18+$0x0], $0xffff;
	v20 =	vor.u32 $0x6E, v18  }
0x85: {  	v27 =	vor.u32 $0x2C, v18;
	v51 =	vld.idx.msk [tilespmem:v46+s18+$0x0], $0xffff  }
0x86: {  	v23 =	vor.u32 $0x38, v33;
	v19 =	vld.idx.msk [tilespmem:v19+s18+$0x0], $0xffff  }
0x87: {  	v47 =	vor.u32 $0x1D, v18;
	[tilespmem:$0x1FAA0] =	vst v14;
	v14 =	vld.idx.msk [tilespmem:v44+s18+$0x0], $0xffff  }
0x88: {  	v28 =	vor.u32 $0x6C, v18;
	v2 =	vld.idx.msk [tilespmem:v2+s12+$0x0], $0xffff  }
0x89: {  	v25 =	vor.u32 $0x2A, v18;
	v21 =	vld.idx.msk [tilespmem:v20+s18+$0x0], $0xffff  }
0x8a: {  	v32 =	vor.u32 $0x68, v18;
	v20 =	vld.idx.msk [tilespmem:v27+s18+$0x0], $0xffff  }
0x8b: {  	v53 =	vor.u32 $0x34, v33;
	v23 =	vld.idx.msk [tilespmem:v23+s12+$0x0], $0xffff  }
0x8c: {  	v60 =	vor.u32 $0x1B, v18;
	[tilespmem:$0x1FAB0] =	vst v14;
	v14 =	vld.idx.msk [tilespmem:v47+s18+$0x0], $0xffff  }
0x8d: {  	v24 =	vld.idx.msk [tilespmem:v28+s18+$0x0], $0xffff;
	v28 =	vor.u32 $0x36, v33  }
0x8e: {  	v38 =	vor.u32 $0x64, v18;
	v25 =	vld.idx.msk [tilespmem:v25+s18+$0x0], $0xffff  }
0x8f: {  	v55 =	vor.u32 $0x32, v33;
	v31 =	vld.idx.msk [tilespmem:v32+s18+$0x0], $0xffff  }
0x90: {  	v62 =	vor.u32 $0x18, v18;
	v32 =	vld.idx.msk [tilespmem:v53+s12+$0x0], $0xffff  }
0x91: {  	v52 =	vor.u32 $0x19, v18;
	v1 =	vmul.f32 v1, v15;
	[tilespmem:$0x1FAC0] =	vst v14;
	v14 =	vld.idx.msk [tilespmem:v60+s18+$0x0], $0xffff  }
0x92: {  	v54 =	vor.u32 $0x22, v18;
	v28 =	vld.idx.msk [tilespmem:v28+s12+$0x0], $0xffff  }
0x93: {  	v57 =	vor.u32 $0x30, v33;
	[tilespmem:$0x1FB20] =	vst v1;
	v1 =	vmul.f32 v3, v15;
	v3 =	vmul.f32 v5, v26;
	v37 =	vld.idx.msk [tilespmem:v38+s18+$0x0], $0xffff  }
0x94: {  	v59 =	vor.u32 $0x1A, v18;
	v38 =	vld.idx.msk [tilespmem:v55+s12+$0x0], $0xffff  }
0x95: {  	[tilespmem:$0x1FB60] =	vst v3;
	v47 =	vld.idx.msk [tilespmem:v62+s18+$0x0], $0xffff;
	v62 =	vor.u32 $0x2A, v33  }
0x96: {  	v50 =	vor.u32 $0x17, v18;
	v3 =	vmul.f32 v7, v26;
	v7 =	vmul.f32 v10, v32;
	[tilespmem:$0x1FAD0] =	vst v14;
	v14 =	vld.idx.msk [tilespmem:v52+s18+$0x0], $0xffff  }
0x97: {  	v56 =	vor.u32 $0x1E, v18;
	v34 =	vld.idx.msk [tilespmem:v54+s18+$0x0], $0xffff  }
0x98: {  	v58 =	vor.u32 $0x5C, v18;
	v54 =	vld.idx.msk [tilespmem:v57+s12+$0x0], $0xffff;
	[tilespmem:$0x1FBD0] =	vst v7;
	v7 =	vmul.f32 v12, v32  }
0x99: {  	v49 =	vor.u32 $0x2E, v33;
	[tilespmem:$0x1FB70] =	vst v3;
	v55 =	vld.idx.msk [tilespmem:v59+s18+$0x0], $0xffff  }
0x9a: {  	v53 =	vor.u32 $0x58, v18;
	[tilespmem:$0x1FBE0] =	vst v7;
	v7 =	vmul.f32 v63, v38;
	v3 =	vld.idx.msk [tilespmem:v62+s12+$0x0], $0xffff  }
0x9b: {  	[tilespmem:$0x1FAE0] =	vst v14;
	v14 =	vld.idx.msk [tilespmem:v50+s18+$0x0], $0xffff;
	v50 =	vor.u32 $0x54, v18  }
0x9c: {  	v0 =	vshll.u32 v0, $0x1;
	v39 =	vld.idx.msk [tilespmem:v56+s18+$0x0], $0xffff;
	v56 =	vor.u32 $0x12, v18;
	[tilespmem:$0x1FBF0] =	vst v7;
	v7 =	vmul.f32 v16, v38  }
0x9d: {  	[tilespmem:$0x1FD90] =	vst v0;
	v5 =	vmul.f32 v6, v23;
	v6 =	vmul.f32 v9, v28;
	v44 =	vld.idx.msk [tilespmem:v58+s18+$0x0], $0xffff;
	v58 =	vor.u32 $0x56, v18  }
0x9e: {  	v0 =	vor.u32 $0x3F, v33;
	v59 =	vld.idx.msk [tilespmem:v49+s12+$0x0], $0xffff;
	[tilespmem:$0x1FC00] =	vst v7;
	v7 =	vor.u32 $0x1E, v33  }
0x9f: {  	[tilespmem:$0x1FBB0] =	vst v6;
	v6 =	vmul.f32 v11, v28;
	v60 =	vld.idx.msk [tilespmem:v53+s18+$0x0], $0xffff;
	v53 =	vor.u32 $0x15, v18;
	v11 =	vmul.f32 v25, v3  }
0xa0: {  	[tilespmem:$0x1FDA0] =	vst v0;
	v4 =	vor.u32 $0x26, v33;
	v49 =	vld.idx.msk [tilespmem:v50+s18+$0x0], $0xffff  }
0xa1: {  	[tilespmem:$0x1FC70] =	vst v11;
	v11 =	vmul.f32 v30, v2;
	v2 =	vmul.f32 v31, v2;
	v50 =	vld.idx.msk [tilespmem:v56+s18+$0x0], $0xffff;
	v56 =	vor.u32 $0x11, v18  }
0xa2: {  	v27 =	vor.u32 $0x6A, v18;
	[tilespmem:$0x1FB80] =	vst v5;
	v46 =	vld.idx.msk [tilespmem:v58+s18+$0x0], $0xffff  }
0xa3: {  	[tilespmem:$0x1FCA0] =	vst v2;
	v2 =	vld.idx.msk [tilespmem:v7+s12+$0x0], $0xffff;
	v7 =	vor.u32 $0x4E, v18  }
0xa4: {  	v5 =	vmul.f32 v8, v23;
	v58 =	vor.u32 $0x13, v18;
	[tilespmem:$0x1FAF0] =	vst v14;
	v14 =	vld.idx.msk [tilespmem:v53+s18+$0x0], $0xffff  }
0xa5: {  	[tilespmem:$0x1FB30] =	vst v1;
	v4 =	vld.idx.msk [tilespmem:v4+s12+$0x0], $0xffff;
	v29 =	vor.u32 $0x26, v18  }
0xa6: {  	v61 =	vor.u32 $0x5A, v18;
	[tilespmem:$0x1FB90] =	vst v5;
	v5 =	vld.idx.msk [tilespmem:v56+s18+$0x0], $0xffff  }
0xa7: {  	v27 =	vld.idx.msk [tilespmem:v27+s18+$0x0], $0xffff;
	[tilespmem:$0x1FBC0] =	vst v6;
	v8 =	vmul.f32 v13, v54;
	v13 =	vor.u32 $0x61, v18;
	v52 =	vor.u32 $0x2C, v33  }
0xa8: {  	[tilespmem:$0x1FFA0] =	vst v13;
	v63 =	vld.idx.msk [tilespmem:v7+s18+$0x0], $0xffff;
	v7 =	vor.u32 $0xB, v18  }
0xa9: {  	[tilespmem:$0x1FB00] =	vst v14;
	v14 =	vld.idx.msk [tilespmem:v58+s18+$0x0], $0xffff;
	v58 =	vor.u32 $0x50, v18  }
0xaa: {  	v1 =	vor.u32 $0xE, v18;
	v29 =	vld.idx.msk [tilespmem:v29+s18+$0x0], $0xffff;
	[tilespmem:$0x1FC10] =	vst v8;
	v9 =	vmul.f32 v19, v59  }
0xab: {  	v57 =	vld.idx.msk [tilespmem:v61+s18+$0x0], $0xffff;
	v8 =	vmul.f32 v17, v54;
	[tilespmem:$0x1FBA0] =	vst v5;
	v5 =	vor.u32 $0x24, v33  }
0xac: {  	v41 =	vor.u32 $0x20, v18;
	[tilespmem:$0x1FC30] =	vst v9;
	v9 =	vmul.f32 v21, v59;
	v61 =	vld.idx.msk [tilespmem:v52+s12+$0x0], $0xffff  }
0xad: {  	v6 =	vor.u32 $0x22, v33;
	[tilespmem:$0x1FC20] =	vst v8;
	v7 =	vld.idx.msk [tilespmem:v7+s18+$0x0], $0xffff  }
0xae: {  	v43 =	vor.u32 $0x60, v18;
	[tilespmem:$0x1FC40] =	vst v9;
	v3 =	vmul.f32 v27, v3;
	v56 =	vld.idx.msk [tilespmem:v58+s18+$0x0], $0xffff  }
0xaf: {  	[tilespmem:$0x1FC90] =	vst v11;
	v11 =	vmul.f32 v29, v4;
	v58 =	vld.idx.msk [tilespmem:v1+s18+$0x0], $0xffff;
	v1 =	vor.u32 $0x20, v33  }
0xb0: {  	[tilespmem:$0x1FC80] =	vst v3;
	v4 =	vmul.f32 v35, v4;
	v5 =	vld.idx.msk [tilespmem:v5+s12+$0x0], $0xffff  }
0xb1: {  	v41 =	vld.idx.msk [tilespmem:v41+s18+$0x0], $0xffff;
	[tilespmem:$0x1FCB0] =	vst v11  }
0xb2: {  	v40 =	vor.u32 $0x62, v18;
	v6 =	vld.idx.msk [tilespmem:v6+s12+$0x0], $0xffff;
	[tilespmem:$0x1FCC0] =	vst v4  }
0xb3: {  	v42 =	vld.idx.msk [tilespmem:v43+s18+$0x0], $0xffff;
	[tilespmem:$0x1FDB0] =	vst v7;
	v7 =	vor.u32 $0x3D, v33  }
0xb4: {  	v10 =	vmul.f32 v20, v61;
	[tilespmem:$0x1FDC0] =	vst v7;
	v7 =	vor.u32 $0x7F, v18;
	v1 =	vld.idx.msk [tilespmem:v1+s12+$0x0], $0xffff  }
0xb5: {  	[tilespmem:$0x1FDD0] =	vst v7;
	v7 =	vor.u32 $0x6, v18;
	v11 =	vmul.f32 v36, v5  }
0xb6: {  	v3 =	vor.u32 $0xF, v18;
	[tilespmem:$0x1FC50] =	vst v10;
	v10 =	vmul.f32 v24, v61  }
0xb7: {  	v45 =	vor.u32 $0x5E, v18;
	v40 =	vld.idx.msk [tilespmem:v40+s18+$0x0], $0xffff;
	[tilespmem:$0x1FCD0] =	vst v11;
	v11 =	vmul.f32 v34, v6  }
0xb8: {  	v9 =	vor.u32 $0x1A, v33;
	[tilespmem:$0x1FC60] =	vst v10  }
0xb9: {  	v10 =	vor.u32 $0x18, v33;
	[tilespmem:$0x1FCF0] =	vst v11;
	v11 =	vmul.f32 v41, v1;
	v1 =	vmul.f32 v42, v1  }
0xba: {  	v8 =	vor.u32 $0x1C, v33;
	[tilespmem:$0x1FB10] =	vst v14;
	v16 =	vld.idx.msk [tilespmem:v7+s18+$0x0], $0xffff  }
0xbb: {  	v7 =	vor.u32 $0x33, v33;
	v5 =	vmul.f32 v37, v5;
	[tilespmem:$0x1FD20] =	vst v1;
	v1 =	vld.idx.msk [tilespmem:v3+s18+$0x0], $0xffff  }
0xbc: {  	v48 =	vld.idx.msk [tilespmem:v45+s18+$0x0], $0xffff;
	[tilespmem:$0x1FE60] =	vst v7;
	v6 =	vmul.f32 v40, v6  }
0xbd: {  	[tilespmem:$0x1FCE0] =	vst v5;
	v5 =	vld.idx.msk [tilespmem:v9+s12+$0x0], $0xffff  }
0xbe: {  	v7 =	vor.u32 $0x75, v18;
	[tilespmem:$0x1FD00] =	vst v6;
	v6 =	vld.idx.msk [tilespmem:v10+s12+$0x0], $0xffff  }
0xbf: {  	v4 =	vld.idx.msk [tilespmem:v8+s12+$0x0], $0xffff;
	[tilespmem:$0x1FE70] =	vst v7  }
0xc0: {  	v9 =	vor.u32 $0xD, v18;
	[tilespmem:$0x1FD30] =	vst v1;
	v1 =	vmul.f32 v39, v2  }
0xc1: {  	[tilespmem:$0x1FD10] =	vst v11;
	v11 =	vor.u32 $0x44, v18  }
0xc2: {  	v7 =	vor.u32 $0x31, v33;
	[tilespmem:$0x1FD40] =	vst v1;
	v1 =	vmul.f32 v48, v2  }
0xc3: {  	v8 =	vor.u32 $0xC, v18;
	[tilespmem:$0x1FE80] =	vst v7;
	v14 =	vmul.f32 v47, v6;
	v2 =	vmul.f32 v55, v5  }
0xc4: {  	v48 =	vmul.f32 v44, v4;
	v44 =	vmul.f32 v60, v6;
	v6 =	vor.u32 $0x9, v18;
	[tilespmem:$0x1FD50] =	vst v1  }
0xc5: {  	v7 =	vor.u32 $0x73, v18;
	v1 =	vmul.f32 v51, v4;
	v4 =	vor.u32 $0x4A, v18;
	[tilespmem:$0x1FD70] =	vst v2;
	v2 =	vld.idx.msk [tilespmem:v9+s18+$0x0], $0xffff  }
0xc6: {  	[tilespmem:$0x1FE90] =	vst v7;
	v26 =	vld.idx.msk [tilespmem:v11+s18+$0x0], $0xffff;
	v11 =	vor.u32 $0x29, v33  }
0xc7: {  	[tilespmem:$0x1FF00] =	vst v11  }
0xc8: {  	v11 =	vor.u32 $0x6B, v18;
	[tilespmem:$0x1FD60] =	vst v1;
	v1 =	vld.idx.msk [tilespmem:v8+s18+$0x0], $0xffff;
	v8 =	vmul.f32 v57, v5  }
0xc9: {  	[tilespmem:$0x1FF10] =	vst v11;
	v57 =	vld.idx.msk [tilespmem:v6+s18+$0x0], $0xffff;
	v6 =	vor.u32 $0x4, v18  }
0xca: {  	v9 =	vor.u32 $0x7, v18;
	v47 =	vmov v8;
	[tilespmem:$0x1FD80] =	vst v2;
	v8 =	vld.idx.msk [tilespmem:v4+s18+$0x0], $0xffff;
	v4 =	vor.u32 $0x3B, v33  }
0xcb: {  	v10 =	vor.u32 $0x4C, v18;
	[tilespmem:$0x1FDE0] =	vst v4;
	v4 =	vor.u32 $0x7D, v18  }
0xcc: {  	v5 =	vor.u32 $0x8, v18;
	[tilespmem:$0x1FDF0] =	vst v4;
	v4 =	vor.u32 $0x39, v33  }
0xcd: {  	v0 =	vor.u32 $0x48, v18;
	[tilespmem:$0x1FE00] =	vst v4;
	v4 =	vor.u32 $0x7B, v18  }
0xce: {  	v23 =	vld.idx.msk [tilespmem:v6+s18+$0x0], $0xffff;
	v6 =	vor.u32 $0x2D, v33;
	[tilespmem:$0x1FE10] =	vst v4  }
0xcf: {  	v61 =	vld.idx.msk [tilespmem:v9+s18+$0x0], $0xffff;
	v9 =	vor.u32 $0x2, v18;
	v4 =	vor.u32 $0x37, v33;
	[tilespmem:$0x1FEC0] =	vst v6  }
0xd0: {  	v15 =	vor.u32 $0x41, v18;
	v2 =	vld.idx.msk [tilespmem:v10+s18+$0x0], $0xffff;
	v6 =	vor.u32 $0x6F, v18;
	[tilespmem:$0x1FE20] =	vst v4  }
0xd1: {  	v10 =	vld.idx.msk [tilespmem:v5+s18+$0x0], $0xffff;
	v5 =	vor.u32 $0x46, v18;
	v4 =	vor.u32 $0x79, v18;
	[tilespmem:$0x1FED0] =	vst v6  }
0xd2: {  	v45 =	vor.u32 $0x14, v18;
	[tilespmem:$0x1FE30] =	vst v4;
	v4 =	vld.idx.msk [tilespmem:v0+s18+$0x0], $0xffff;
	v0 =	vor.u32 $0x35, v33  }
0xd3: {  	v6 =	vor.u32 $0x42, v18;
	[tilespmem:$0x1FE40] =	vst v0;
	v0 =	vor.u32 $0x77, v18  }
0xd4: {  	v24 =	vld.idx.msk [tilespmem:v9+s18+$0x0], $0xffff;
	v9 =	vor.u32 $0x27, v33;
	[tilespmem:$0x1FE50] =	vst v0;
	v0 =	vor.u32 $0x5, v18  }
0xd5: {  	v28 =	vld.idx.msk [tilespmem:v15+s18+$0x0], $0xffff;
	v43 =	vor.u32 $0x16, v18;
	[tilespmem:$0x1FF20] =	vst v9;
	v9 =	vor.u32 $0x69, v18  }
0xd6: {  	v15 =	vor.u32 $0xA, v33;
	v12 =	vld.idx.msk [tilespmem:v5+s18+$0x0], $0xffff;
	v5 =	vor.u32 $0x2F, v33;
	[tilespmem:$0x1FF30] =	vst v9  }
0xd7: {  	v45 =	vld.idx.msk [tilespmem:v45+s18+$0x0], $0xffff;
	v9 =	vor.u32 $0x16, v33;
	[tilespmem:$0x1FEA0] =	vst v5;
	v5 =	vor.u32 $0x71, v18  }
0xd8: {  	[tilespmem:$0x1FEB0] =	vst v5;
	v11 =	vld.idx.msk [tilespmem:v6+s18+$0x0], $0xffff;
	v6 =	vor.u32 $0x65, v18  }
0xd9: {  	v5 =	vor.u32 $0x3, v18;
	[tilespmem:$0x1FF60] =	vst v6;
	v7 =	vld.idx.msk [tilespmem:v0+s18+$0x0], $0xffff;
	v0 =	vor.u32 $0x2B, v33  }
0xda: {  	v43 =	vld.idx.msk [tilespmem:v43+s18+$0x0], $0xffff;
	v52 =	vor.u32 $0x52, v18;
	[tilespmem:$0x1FEE0] =	vst v0;
	v0 =	vor.u32 $0x6D, v18  }
0xdb: {  	v35 =	vld.idx.msk [tilespmem:v15+s12+$0x0], $0xffff;
	v6 =	vor.u32 $0x23, v33;
	[tilespmem:$0x1FEF0] =	vst v0;
	v0 =	vor.u32 $0x1, v18  }
0xdc: {  	v53 =	vor.u32 $0x10, v18;
	[tilespmem:$0x1FF70] =	vst v6;
	v19 =	vld.idx.msk [tilespmem:v9+s12+$0x0], $0xffff;
	v9 =	vor.u32 $0x5F, v18  }
0xdd: {  	v17 =	vor.u32 $0xE, v33;
	v29 =	vld.idx.msk [tilespmem:v18+s18+$0x0], $0xffff;
	[tilespmem:$0x1FFC0] =	vst v9;
	v9 =	vor.u32 $0x1D, v33  }
0xde: {  	v22 =	vor.u32 $0xF, v33;
	v3 =	vor.u32 $0xA, v18;
	v20 =	vld.idx.msk [tilespmem:v5+s18+$0x0], $0xffff;
	v5 =	vor.u32 $0x67, v18;
	[tilespmem:$0x1FFD0] =	vst v9  }
0xdf: {  	v13 =	vor.u32 $0x1F, v33;
	v52 =	vld.idx.msk [tilespmem:v52+s18+$0x0], $0xffff;
	v6 =	vor.u32 $0x12, v33;
	[tilespmem:$0x1FF40] =	vst v5;
	v5 =	vor.u32 $0x25, v33  }
0xe0: {  	v54 =	vor.u32 $0x59, v18;
	[tilespmem:$0x1FF50] =	vst v5;
	v5 =	vor.u32 $0x14, v33;
	v21 =	vld.idx.msk [tilespmem:v0+s18+$0x0], $0xffff;
	v0 =	vor.u32 $0x63, v18  }
0xe1: {  	v59 =	vor.u32 $0x57, v18;
	v53 =	vld.idx.msk [tilespmem:v53+s18+$0x0], $0xffff;
	v9 =	vor.u32 $0xC, v33;
	[tilespmem:$0x1FF80] =	vst v0;
	v0 =	vor.u32 $0x21, v33  }
0xe2: {  	v38 =	vor.u32 $0x4, v33;
	v62 =	vor.u32 $0x15, v33;
	v34 =	vld.idx.msk [tilespmem:v17+s12+$0x0], $0xffff;
	[tilespmem:$0x1FF90] =	vst v0;
	v0 =	vor.u32 $0x10, v33  }
0xe3: {  	v27 =	vor.u32 $0xD, v33;
	v30 =	vor.u32 $0x8, v33;
	v15 =	vor.u32 $0x4F, v18;
	v3 =	vld.idx.msk [tilespmem:v3+s18+$0x0], $0xffff  }
0xe4: {  	v37 =	vor.u32 $0x2, v33;
	v17 =	vor.u32 $0x11, v33;
	v39 =	vor.u32 $0x6, v33;
	v32 =	vld.idx.msk [tilespmem:v6+s12+$0x0], $0xffff  }
0xe5: {  	[tilespmem:$0x1FFB0] =	vst v13;
	v55 =	vor.u32 $0x19, v33;
	v60 =	vor.u32 $0x17, v33;
	v25 =	vld.idx.msk [tilespmem:v5+s12+$0x0], $0xffff;
	v5 =	vor.u32 $0x5D, v18  }
0xe6: {  	v51 =	vor.u32 $0x1B, v33;
	v6 =	vor.u32 $0x13, v33;
	v36 =	vld.idx.msk [tilespmem:v9+s12+$0x0], $0xffff;
	[tilespmem:$0x1FFE0] =	vst v5;
	v5 =	vor.u32 $0x5B, v18  }
0xe7: {  	s16 =	simm.s32 $0x10;
	v9 =	vor.u32 $0x51, v18;
	[tilespmem:$0x1FFF0] =	vst v5;
	v5 =	vor.u32 $0x53, v18;
	v31 =	vld.idx.msk [tilespmem:v0+s12+$0x0], $0xffff;
	v0 =	vor.u32 $0x55, v18  }
.LBB2_2:
0xe8: {  	_ =	sdelay $0x2  }
0xe9: {  	v41 =	vld.idx.msk [tilespmem:v30+s12+$0x0], $0xffff;
	v30 =	vmul.f32 v43, v19;
	v13 =	vmul.f32 v46, v19  }
0xea: {  	v19 =	vmul.f32 v49, v25;
	v46 =	vmul.f32 v50, v32  }
0xeb: {  	v40 =	vor.u32 $0x1, v33;
	v50 =	vmul.f32 v53, v31;
	v49 =	vmul.f32 v56, v31;
	v31 =	vld.idx.msk [tilespmem:v33+s12+$0x0], $0xffff;
	_ =	sdelay $0x1  }
0xec: {  	v43 =	vmul.f32 v45, v25;
	v25 =	vor.u32 $0x3, v33;
	v45 =	vmul.f32 v52, v32;
	v32 =	vld.idx.msk [tilespmem:v37+s12+$0x0], $0xffff  }
0xed: {  	v39 =	vld.idx.msk [tilespmem:v39+s12+$0x0], $0xffff  }
0xee: {  	v38 =	vld.idx.msk [tilespmem:v38+s12+$0x0], $0xffff;
	v52 =	vor.u32 $0x5, v33  }
0xef: {  	v42 =	vor.u32 $0x40, v18;
	v1 =	vmul.f32 v1, v36;
	v40 =	vld.idx.msk [tilespmem:v40+s12+$0x0], $0xffff;
	v29 =	vmul.f32 v29, v31  }
0xf0: {  	v53 =	vmul.f32 v58, v34;
	v34 =	vmul.f32 v63, v34;
	v63 =	vor.u32 $0x7, v33  }
0xf1: {  	v58 =	vor.u32 $0xB, v33;
	v25 =	vld.idx.msk [tilespmem:v25+s12+$0x0], $0xffff;
	v24 =	vmul.f32 v24, v32;
	v29 =	vadd.f32 $0.0e+00, v29  }
0xf2: {  	v16 =	vmul.f32 v16, v39;
	v12 =	vmul.f32 v12, v39;
	v39 =	vor.u32 $0x9, v33  }
0xf3: {  	v23 =	vmul.f32 v23, v38;
	v26 =	vmul.f32 v26, v38;
	v38 =	vld.idx.msk [tilespmem:v52+s12+$0x0], $0xffff;
	v24 =	vadd.f32 v24, v29  }
0xf4: {  	v2 =	vmul.f32 v2, v36;
	v36 =	vld.idx.msk [tilespmem:v42+s18+$0x0], $0xffff;
	v21 =	vmul.f32 v21, v40  }
0xf5: {  	v42 =	vld.idx.msk [tilespmem:v63+s12+$0x0], $0xffff;
	v23 =	vadd.f32 v23, v24  }
0xf6: {  	v20 =	vmul.f32 v20, v25;
	v21 =	vadd.f32 $0.0e+00, v21  }
0xf7: {  	v10 =	vmul.f32 v10, v41;
	v28 =	vmul.f32 v28, v40;
	v40 =	vld.idx.msk [tilespmem:v39+s12+$0x0], $0xffff;
	v16 =	vadd.f32 v16, v23  }
0xf8: {  	v7 =	vmul.f32 v7, v38;
	v20 =	vadd.f32 v20, v21;
	v21 =	vld.idx.msk [tilespmem:v58+s12+$0x0], $0xffff  }
0xf9: {  	v3 =	vmul.f32 v3, v35;
	v10 =	vadd.f32 v10, v16;
	v16 =	vld [tilespmem:$0x1FDB0]  }
0xfa: {  	v24 =	vld.idx.msk [tilespmem:v27+s12+$0x0], $0xffff;
	v7 =	vadd.f32 v7, v20;
	v20 =	vmul.f32 v61, v42  }
0xfb: {  	v3 =	vadd.f32 v3, v10;
	v10 =	vld [tilespmem:$0x1FD80]  }
0xfc: {  	v7 =	vadd.f32 v20, v7;
	v20 =	vmul.f32 v57, v40;
	_ =	sdelay $0x1  }
0xfd: {  	v7 =	vadd.f32 v20, v7;
	v16 =	vmul.f32 v16, v21;
	_ =	sdelay $0x1  }
0xfe: {  	v7 =	vadd.f32 v16, v7;
	v10 =	vmul.f32 v10, v24  }
0xff: {  	v22 =	vld.idx.msk [tilespmem:v22+s12+$0x0], $0xffff  }
0x100: {  	v1 =	vadd.f32 v1, v3;
	v3 =	vadd.f32 v10, v7;
	v7 =	vld [tilespmem:$0x1FD30];
	_ =	sdelay $0x4  }
0x101: {  	v37 =	vor.u32 $0x43, v18;
	v7 =	vmul.f32 v7, v22  }
0x102: {  	v17 =	vld.idx.msk [tilespmem:v17+s12+$0x0], $0xffff  }
0x103: {  	v56 =	vor.u32 $0x45, v18;
	v3 =	vadd.f32 v7, v3;
	v7 =	vld [tilespmem:$0x1FBA0]  }
0x104: {  	v8 =	vmul.f32 v8, v35;
	v35 =	vor.u32 $0x47, v18;
	_ =	sdelay $0x1  }
0x105: {  	v37 =	vld.idx.msk [tilespmem:v37+s18+$0x0], $0xffff  }
0x106: {  	v6 =	vld.idx.msk [tilespmem:v6+s12+$0x0], $0xffff;
	v4 =	vmul.f32 v4, v41;
	v41 =	vor.u32 $0x49, v18  }
0x107: {  	v56 =	vld.idx.msk [tilespmem:v56+s18+$0x0], $0xffff;
	v31 =	vmul.f32 v36, v31;
	v7 =	vmul.f32 v7, v17  }
0x108: {  	v11 =	vmul.f32 v11, v32;
	v63 =	vor.u32 $0x4B, v18;
	v35 =	vld.idx.msk [tilespmem:v35+s18+$0x0], $0xffff  }
0x109: {  	v18 =	vor.u32 $0x4D, v18;
	v31 =	vadd.f32 $0.0e+00, v31;
	v3 =	vadd.f32 v7, v3;
	v7 =	vld [tilespmem:$0x1FB10]  }
0x10a: {  	v25 =	vmul.f32 v37, v25;
	v28 =	vadd.f32 $0.0e+00, v28  }
0x10b: {  	v41 =	vld.idx.msk [tilespmem:v41+s18+$0x0], $0xffff;
	v11 =	vadd.f32 v11, v31  }
0x10c: {  	v25 =	vadd.f32 v25, v28;
	v28 =	vmul.f32 v56, v38  }
0x10d: {  	v29 =	vld.idx.msk [tilespmem:v63+s18+$0x0], $0xffff;
	v11 =	vadd.f32 v26, v11  }
0x10e: {  	v18 =	vld.idx.msk [tilespmem:v18+s18+$0x0], $0xffff;
	v25 =	vadd.f32 v28, v25;
	v26 =	vmul.f32 v35, v42;
	v7 =	vmul.f32 v7, v6  }
0x10f: {  	v11 =	vadd.f32 v12, v11;
	v10 =	vld.idx.msk [tilespmem:v62+s12+$0x0], $0xffff  }
0x110: {  	v23 =	vmul.f32 v41, v40;
	v12 =	vadd.f32 v26, v25;
	v3 =	vadd.f32 v7, v3;
	v7 =	vld [tilespmem:$0x1FB00];
	_ =	sdelay $0x1  }
0x111: {  	v4 =	vadd.f32 v4, v11;
	v11 =	vadd.f32 v23, v12;
	v12 =	vmul.f32 v29, v21;
	_ =	sdelay $0x1  }
0x112: {  	v4 =	vadd.f32 v8, v4;
	v8 =	vadd.f32 v12, v11;
	v11 =	vmul.f32 v18, v24  }
0x113: {  	v7 =	vmul.f32 v7, v10  }
0x114: {  	v2 =	vadd.f32 v2, v4;
	v4 =	vadd.f32 v11, v8;
	v11 =	vld.idx.msk [tilespmem:v60+s12+$0x0], $0xffff  }
0x115: {  	v3 =	vadd.f32 v7, v3;
	v7 =	vld [tilespmem:$0x1FAF0]  }
0x116: {  	v15 =	vld.idx.msk [tilespmem:v15+s18+$0x0], $0xffff;
	v2 =	vadd.f32 v34, v2;
	_ =	sdelay $0x1  }
0x117: {  	v9 =	vld.idx.msk [tilespmem:v9+s18+$0x0], $0xffff;
	v2 =	vadd.f32 v49, v2  }
0x118: {  	v5 =	vld.idx.msk [tilespmem:v5+s18+$0x0], $0xffff  }
0x119: {  	v0 =	vld.idx.msk [tilespmem:v0+s18+$0x0], $0xffff;
	v2 =	vadd.f32 v45, v2;
	v7 =	vmul.f32 v7, v11  }
0x11a: {  	v12 =	vld.idx.msk [tilespmem:v55+s12+$0x0], $0xffff;
	v8 =	vmul.f32 v15, v22  }
0x11b: {  	v2 =	vadd.f32 v19, v2;
	v3 =	vadd.f32 v7, v3;
	v7 =	vld [tilespmem:$0x1FAE0]  }
0x11c: {  	v4 =	vadd.f32 v8, v4;
	v8 =	vmul.f32 v9, v17  }
0x11d: {  	v9 =	vld.idx.msk [tilespmem:v59+s18+$0x0], $0xffff;
	v2 =	vadd.f32 v13, v2  }
0x11e: {  	v4 =	vadd.f32 v8, v4;
	v8 =	vld.idx.msk [tilespmem:v51+s12+$0x0], $0xffff  }
0x11f: {  	v5 =	vmul.f32 v5, v6;
	v13 =	vld [tilespmem:$0x1FD50];
	v2 =	vadd.f32 v44, v2  }
0x120: {  	v0 =	vmul.f32 v0, v10;
	v10 =	vld [tilespmem:$0x1FFD0];
	v7 =	vmul.f32 v7, v12  }
0x121: {  	v4 =	vadd.f32 v5, v4;
	v5 =	vld [tilespmem:$0x1FFF0];
	v2 =	vadd.f32 v47, v2  }
0x122: {  	v3 =	vadd.f32 v7, v3;
	v7 =	vld [tilespmem:$0x1FAD0]  }
0x123: {  	v2 =	vadd.f32 v48, v2  }
0x124: {  	v0 =	vadd.f32 v0, v4;
	v4 =	vmul.f32 v9, v11;
	v9 =	vld [tilespmem:$0x1FFE0]  }
0x125: {  	v2 =	vadd.f32 v13, v2;
	v13 =	vld [tilespmem:$0x1FD20]  }
0x126: {  	v11 =	vld [tilespmem:$0x1FFB0]  }
0x127: {  	v6 =	vld.idx.msk [tilespmem:v54+s18+$0x0], $0xffff;
	v7 =	vmul.f32 v7, v8  }
0x128: {  	v1 =	vadd.f32 v53, v1;
	v10 =	vld.idx.msk [tilespmem:v10+s12+$0x0], $0xffff  }
0x129: {  	v3 =	vadd.f32 v7, v3;
	v7 =	vld [tilespmem:$0x1FAC0]  }
0x12a: {  	v1 =	vadd.f32 v50, v1;
	v5 =	vld.idx.msk [tilespmem:v5+s18+$0x0], $0xffff  }
0x12b: {  	v2 =	vadd.f32 v13, v2;
	v13 =	vld [tilespmem:$0x1FD00]  }
0x12c: {  	v1 =	vadd.f32 v46, v1;
	v0 =	vadd.f32 v4, v0;
	v4 =	vmul.f32 v6, v12;
	v6 =	vld [tilespmem:$0x1FFC0]  }
0x12d: {  	v12 =	vld [tilespmem:$0x1FF90]  }
0x12e: {  	v1 =	vadd.f32 v43, v1;
	v11 =	vld.idx.msk [tilespmem:v11+s12+$0x0], $0xffff;
	v7 =	vmul.f32 v7, v10  }
0x12f: {  	v0 =	vadd.f32 v4, v0;
	v4 =	vmul.f32 v5, v8;
	v8 =	vld [tilespmem:$0x1FD70]  }
0x130: {  	v1 =	vadd.f32 v30, v1;
	v3 =	vadd.f32 v7, v3;
	v7 =	vld [tilespmem:$0x1FAB0]  }
0x131: {  	v9 =	vld.idx.msk [tilespmem:v9+s18+$0x0], $0xffff  }
0x132: {  	v1 =	vadd.f32 v14, v1;
	v2 =	vadd.f32 v13, v2;
	v13 =	vld [tilespmem:$0x1FCE0]  }
0x133: {  	v5 =	vld [tilespmem:$0x1FFA0]  }
0x134: {  	v1 =	vadd.f32 v8, v1;
	v8 =	vld [tilespmem:$0x1FF70]  }
0x135: {  	v12 =	vld.idx.msk [tilespmem:v12+s12+$0x0], $0xffff;
	v7 =	vmul.f32 v7, v11  }
0x136: {  	v0 =	vadd.f32 v4, v0;
	v4 =	vmul.f32 v9, v10;
	v10 =	vld [tilespmem:$0x1FD60]  }
0x137: {  	v3 =	vadd.f32 v7, v3;
	v7 =	vld [tilespmem:$0x1FAA0]  }
0x138: {  	v6 =	vld.idx.msk [tilespmem:v6+s18+$0x0], $0xffff  }
0x139: {  	v9 =	vld [tilespmem:$0x1FF80]  }
0x13a: {  	v2 =	vadd.f32 v13, v2;
	v13 =	vld [tilespmem:$0x1FCC0]  }
0x13b: {  	v1 =	vadd.f32 v10, v1;
	v10 =	vld [tilespmem:$0x1FF50]  }
0x13c: {  	v8 =	vld.idx.msk [tilespmem:v8+s12+$0x0], $0xffff;
	v7 =	vmul.f32 v7, v12  }
0x13d: {  	v0 =	vadd.f32 v4, v0;
	v4 =	vmul.f32 v6, v11;
	v11 =	vld [tilespmem:$0x1FD40]  }
0x13e: {  	v3 =	vadd.f32 v7, v3;
	v7 =	vld [tilespmem:$0x1FA90]  }
0x13f: {  	v5 =	vld.idx.msk [tilespmem:v5+s18+$0x0], $0xffff  }
0x140: {  	v6 =	vld [tilespmem:$0x1FF60]  }
0x141: {  	v9 =	vld.idx.msk [tilespmem:v9+s18+$0x0], $0xffff  }
0x142: {  	v1 =	vadd.f32 v11, v1;
	v11 =	vld [tilespmem:$0x1FF20]  }
0x143: {  	v10 =	vld.idx.msk [tilespmem:v10+s12+$0x0], $0xffff;
	v7 =	vmul.f32 v7, v8  }
0x144: {  	v0 =	vadd.f32 v4, v0;
	v4 =	vmul.f32 v5, v12;
	v12 =	vld [tilespmem:$0x1FD10]  }
0x145: {  	v3 =	vadd.f32 v7, v3;
	v7 =	vld [tilespmem:$0x1FA80];
	_ =	sdelay $0x1  }
0x146: {  	v2 =	vadd.f32 v13, v2;
	v13 =	vld [tilespmem:$0x1FCA0]  }
0x147: {  	v5 =	vld [tilespmem:$0x1FF40]  }
0x148: {  	v1 =	vadd.f32 v12, v1;
	v12 =	vld [tilespmem:$0x1FF00]  }
0x149: {  	v0 =	vadd.f32 v4, v0;
	v4 =	vmul.f32 v9, v8;
	v9 =	vld [tilespmem:$0x1FCF0];
	v7 =	vmul.f32 v7, v10  }
0x14a: {  	v11 =	vld.idx.msk [tilespmem:v11+s12+$0x0], $0xffff  }
0x14b: {  	v3 =	vadd.f32 v7, v3;
	v7 =	vld [tilespmem:$0x1FA70]  }
0x14c: {  	v6 =	vld.idx.msk [tilespmem:v6+s18+$0x0], $0xffff  }
0x14d: {  	v2 =	vadd.f32 v13, v2;
	v13 =	vld [tilespmem:$0x1FC80]  }
0x14e: {  	v8 =	vld [tilespmem:$0x1FF30]  }
0x14f: {  	v1 =	vadd.f32 v9, v1;
	v9 =	vld [tilespmem:$0x1FEE0]  }
0x150: {  	v12 =	vld.idx.msk [tilespmem:v12+s12+$0x0], $0xffff;
	v7 =	vmul.f32 v7, v11  }
0x151: {  	v0 =	vadd.f32 v4, v0;
	v4 =	vmul.f32 v6, v10;
	v10 =	vld [tilespmem:$0x1FCD0]  }
0x152: {  	v3 =	vadd.f32 v7, v3;
	v7 =	vld [tilespmem:$0x1FA60]  }
0x153: {  	v5 =	vld.idx.msk [tilespmem:v5+s18+$0x0], $0xffff  }
0x154: {  	v2 =	vadd.f32 v13, v2;
	v13 =	vld [tilespmem:$0x1FC60]  }
0x155: {  	v6 =	vld [tilespmem:$0x1FF10]  }
0x156: {  	v1 =	vadd.f32 v10, v1;
	v10 =	vld [tilespmem:$0x1FEC0]  }
0x157: {  	v9 =	vld.idx.msk [tilespmem:v9+s12+$0x0], $0xffff;
	v7 =	vmul.f32 v7, v12  }
0x158: {  	v0 =	vadd.f32 v4, v0;
	v4 =	vmul.f32 v5, v11;
	v11 =	vld [tilespmem:$0x1FCB0]  }
0x159: {  	v3 =	vadd.f32 v7, v3;
	v7 =	vld [tilespmem:$0x1FA50]  }
0x15a: {  	v8 =	vld.idx.msk [tilespmem:v8+s18+$0x0], $0xffff  }
0x15b: {  	v2 =	vadd.f32 v13, v2;
	v13 =	vld [tilespmem:$0x1FC40]  }
0x15c: {  	v5 =	vld [tilespmem:$0x1FEF0]  }
0x15d: {  	v1 =	vadd.f32 v11, v1;
	v11 =	vld [tilespmem:$0x1FEA0]  }
0x15e: {  	v10 =	vld.idx.msk [tilespmem:v10+s12+$0x0], $0xffff;
	v7 =	vmul.f32 v7, v9  }
0x15f: {  	v0 =	vadd.f32 v4, v0;
	v4 =	vmul.f32 v8, v12;
	v12 =	vld [tilespmem:$0x1FC90]  }
0x160: {  	v3 =	vadd.f32 v7, v3;
	v7 =	vld [tilespmem:$0x1FA40]  }
0x161: {  	v6 =	vld.idx.msk [tilespmem:v6+s18+$0x0], $0xffff  }
0x162: {  	v8 =	vld [tilespmem:$0x1FED0]  }
0x163: {  	v2 =	vadd.f32 v13, v2;
	v13 =	vld [tilespmem:$0x1FC20]  }
0x164: {  	v1 =	vadd.f32 v12, v1;
	v12 =	vld [tilespmem:$0x1FE80]  }
0x165: {  	v11 =	vld.idx.msk [tilespmem:v11+s12+$0x0], $0xffff;
	v7 =	vmul.f32 v7, v10  }
0x166: {  	v0 =	vadd.f32 v4, v0;
	v4 =	vmul.f32 v6, v9;
	v9 =	vld [tilespmem:$0x1FC70]  }
0x167: {  	v3 =	vadd.f32 v7, v3;
	v7 =	vld [tilespmem:$0x1FA30]  }
0x168: {  	v5 =	vld.idx.msk [tilespmem:v5+s18+$0x0], $0xffff  }
0x169: {  	v6 =	vld [tilespmem:$0x1FEB0]  }
0x16a: {  	v8 =	vld.idx.msk [tilespmem:v8+s18+$0x0], $0xffff  }
0x16b: {  	v1 =	vadd.f32 v9, v1;
	v9 =	vld [tilespmem:$0x1FE60]  }
0x16c: {  	v12 =	vld.idx.msk [tilespmem:v12+s12+$0x0], $0xffff;
	v7 =	vmul.f32 v7, v11  }
0x16d: {  	v0 =	vadd.f32 v4, v0;
	v4 =	vmul.f32 v5, v10;
	v10 =	vld [tilespmem:$0x1FC50]  }
0x16e: {  	v3 =	vadd.f32 v7, v3;
	v7 =	vld [tilespmem:$0x1FA20]  }
0x16f: {  	v5 =	vld [tilespmem:$0x1FE90]  }
0x170: {  	v2 =	vadd.f32 v13, v2;
	v13 =	vld [tilespmem:$0x1FC00]  }
0x171: {  	v6 =	vld.idx.msk [tilespmem:v6+s18+$0x0], $0xffff  }
0x172: {  	v1 =	vadd.f32 v10, v1;
	v10 =	vld [tilespmem:$0x1FE40]  }
0x173: {  	v9 =	vld.idx.msk [tilespmem:v9+s12+$0x0], $0xffff;
	v7 =	vmul.f32 v7, v12  }
0x174: {  	v0 =	vadd.f32 v4, v0;
	v4 =	vmul.f32 v8, v11;
	v11 =	vld [tilespmem:$0x1FC30]  }
0x175: {  	v3 =	vadd.f32 v7, v3;
	v7 =	vld [tilespmem:$0x1FA10]  }
0x176: {  	v8 =	vld [tilespmem:$0x1FE70]  }
0x177: {  	v5 =	vld.idx.msk [tilespmem:v5+s18+$0x0], $0xffff  }
0x178: {  	v0 =	vadd.f32 v4, v0;
	v4 =	vmul.f32 v6, v12;
	v6 =	vld [tilespmem:$0x1FE50]  }
0x179: {  	v1 =	vadd.f32 v11, v1;
	v11 =	vld [tilespmem:$0x1FE20]  }
0x17a: {  	v10 =	vld.idx.msk [tilespmem:v10+s12+$0x0], $0xffff;
	v7 =	vmul.f32 v7, v9  }
0x17b: {  	v12 =	vld [tilespmem:$0x1FC10]  }
0x17c: {  	v3 =	vadd.f32 v7, v3;
	v7 =	vld [tilespmem:$0x1FA00]  }
0x17d: {  	v2 =	vadd.f32 v13, v2;
	v13 =	vld [tilespmem:$0x1FBE0]  }
0x17e: {  	v0 =	vadd.f32 v4, v0;
	v4 =	vmul.f32 v5, v9;
	v5 =	vld [tilespmem:$0x1FE30]  }
0x17f: {  	v8 =	vld.idx.msk [tilespmem:v8+s18+$0x0], $0xffff  }
0x180: {  	v1 =	vadd.f32 v12, v1;
	v12 =	vld [tilespmem:$0x1FE00]  }
0x181: {  	v11 =	vld.idx.msk [tilespmem:v11+s12+$0x0], $0xffff;
	v7 =	vmul.f32 v7, v10  }
0x182: {  	v9 =	vld [tilespmem:$0x1FBF0]  }
0x183: {  	v3 =	vadd.f32 v7, v3;
	v7 =	vld [tilespmem:$0x1F9F0]  }
0x184: {  	v6 =	vld.idx.msk [tilespmem:v6+s18+$0x0], $0xffff  }
0x185: {  	v0 =	vadd.f32 v4, v0;
	v4 =	vmul.f32 v8, v10;
	v8 =	vld [tilespmem:$0x1FE10]  }
0x186: {  	v5 =	vld.idx.msk [tilespmem:v5+s18+$0x0], $0xffff  }
0x187: {  	v1 =	vadd.f32 v9, v1;
	v9 =	vld [tilespmem:$0x1FDE0]  }
0x188: {  	v10 =	vld [tilespmem:$0x1FBD0];
	v7 =	vmul.f32 v7, v11  }
0x189: {  	v12 =	vld.idx.msk [tilespmem:v12+s12+$0x0], $0xffff  }
0x18a: {  	v3 =	vadd.f32 v7, v3;
	v7 =	vld [tilespmem:$0x1F9E0]  }
0x18b: {  	v0 =	vadd.f32 v4, v0;
	v4 =	vmul.f32 v6, v11;
	v6 =	vld [tilespmem:$0x1FDF0]  }
0x18c: {  	v2 =	vadd.f32 v13, v2;
	v13 =	vld [tilespmem:$0x1FBC0]  }
0x18d: {  	v1 =	vadd.f32 v10, v1;
	v10 =	vld [tilespmem:$0x1FDC0]  }
0x18e: {  	v0 =	vadd.f32 v4, v0;
	v4 =	vmul.f32 v5, v12;
	v5 =	vld [tilespmem:$0x1FDD0]  }
0x18f: {  	v11 =	vld [tilespmem:$0x1FBB0];
	v7 =	vmul.f32 v7, v12  }
0x190: {  	v9 =	vld.idx.msk [tilespmem:v9+s12+$0x0], $0xffff  }
0x191: {  	v3 =	vadd.f32 v7, v3;
	v7 =	vld [tilespmem:$0x1F9D0]  }
0x192: {  	v8 =	vld.idx.msk [tilespmem:v8+s18+$0x0], $0xffff  }
0x193: {  	v6 =	vld.idx.msk [tilespmem:v6+s18+$0x0], $0xffff  }
0x194: {  	v1 =	vadd.f32 v11, v1;
	v11 =	vld [tilespmem:$0x1FDA0]  }
0x195: {  	v10 =	vld.idx.msk [tilespmem:v10+s12+$0x0], $0xffff  }
0x196: {  	v12 =	vld [tilespmem:$0x1FB80];
	v7 =	vmul.f32 v7, v9  }
0x197: {  	v0 =	vadd.f32 v4, v0;
	v4 =	vmul.f32 v8, v9;
	v8 =	vld [tilespmem:$0x1FB60]  }
0x198: {  	v3 =	vadd.f32 v7, v3;
	v7 =	vld [tilespmem:$0x1F9C0]  }
0x199: {  	v5 =	vld.idx.msk [tilespmem:v5+s18+$0x0], $0xffff  }
0x19a: {  	v0 =	vadd.f32 v4, v0;
	v4 =	vmul.f32 v6, v10;
	v6 =	vld [tilespmem:$0x1FB40]  }
0x19b: {  	v1 =	vadd.f32 v12, v1;
	v12 =	vld [tilespmem:$0x1FB90]  }
0x19c: {  	v11 =	vld.idx.msk [tilespmem:v11+s12+$0x0], $0xffff  }
0x19d: {  	v1 =	vadd.f32 v8, v1;
	v8 =	vld [tilespmem:$0x1FB70];
	v7 =	vmul.f32 v7, v10  }
0x19e: {  	v2 =	vadd.f32 v13, v2  }
0x19f: {  	v3 =	vadd.f32 v7, v3;
	v7 =	vld [tilespmem:$0x1FB50]  }
0x1a0: {  	v2 =	vadd.f32 v12, v2  }
0x1a1: {  	v1 =	vadd.f32 v6, v1;
	v6 =	vld [tilespmem:$0x1F9B0]  }
0x1a2: {  	v0 =	vadd.f32 v4, v0;
	v4 =	vmul.f32 v5, v11;
	v5 =	vld [tilespmem:$0x1FB20];
	v2 =	vadd.f32 v8, v2  }
0x1a3: {  	v8 =	vld [tilespmem:$0x1FB30]  }
0x1a4: {  	v2 =	vadd.f32 v7, v2;
	v7 =	vld [tilespmem:$0x1FD90];
	_ =	sdelay $0x2  }
0x1a5: {  	v6 =	vmul.f32 v6, v11;
	v5 =	vadd.f32 v5, v1;
	v1 =	vlaneseq.u32  }
0x1a6: {  	v0 =	vadd.f32 v4, v0;
	v1 =	vor.u32 s16, v1;
	v2 =	vadd.f32 v8, v2  }
0x1a7: {  	v3 =	vadd.f32 v6, v3;
	v18 =	vshll.u32 v1, $0x7;
	v6 =	vor.u32 $0x1, v7  }
0x1a8: {  	v0 =	vadd.f32 v0, v2;
	v2 =	vor.u32 $0x3F, v18  }
0x1a9: {  	v3 =	vadd.f32 v3, v5;
	_ =	sdelay $0x1  }
0x1aa: {  	[tilespmem:v7+s14+$0x0] =	vst.idx.msk $0xffff, v3  }
0x1ab: {  	[tilespmem:v6+s14+$0x0] =	vst.idx.msk $0xffff, v0  }
0x1ac: {  	v2 =	vld.idx.msk [tilespmem:v2+s18+$0x0], $0xffff;
	_ =	sdelay $0x2  }
0x1ad: {  	v4 =	vor.u32 $0x3E, v18  }
0x1ae: {  	v5 =	vor.u32 $0x3D, v18  }
0x1af: {  	[tilespmem:$0x1F9B0] =	vst v2;
	v2 =	vor.u32 $0x3B, v18  }
0x1b0: {  	v3 =	vor.u32 $0x7E, v18  }
0x1b1: {  	v7 =	vor.u32 $0x35, v18  }
0x1b2: {  	v0 =	vor.u32 $0x3C, v18;
	v46 =	vld.idx.msk [tilespmem:v4+s18+$0x0], $0xffff  }
0x1b3: {  	v6 =	vor.u32 $0x7C, v18;
	v5 =	vld.idx.msk [tilespmem:v5+s18+$0x0], $0xffff  }
0x1b4: {  	v4 =	vor.u32 $0x3A, v18;
	v2 =	vld.idx.msk [tilespmem:v2+s18+$0x0], $0xffff  }
0x1b5: {  	v8 =	vor.u32 $0x33, v18;
	v48 =	vld.idx.msk [tilespmem:v3+s18+$0x0], $0xffff  }
0x1b6: {  	v3 =	vor.u32 $0x7A, v18;
	v7 =	vld.idx.msk [tilespmem:v7+s18+$0x0], $0xffff  }
0x1b7: {  	v47 =	vld.idx.msk [tilespmem:v0+s18+$0x0], $0xffff;
	v0 =	vor.u32 $0x38, v18  }
0x1b8: {  	[tilespmem:$0x1F9C0] =	vst v5;
	v5 =	vld.idx.msk [tilespmem:v6+s18+$0x0], $0xffff  }
0x1b9: {  	v4 =	vld.idx.msk [tilespmem:v4+s18+$0x0], $0xffff;
	[tilespmem:$0x1F9D0] =	vst v2;
	v2 =	vor.u32 $0x36, v18  }
0x1ba: {  	v8 =	vld.idx.msk [tilespmem:v8+s18+$0x0], $0xffff  }
0x1bb: {  	v6 =	vor.u32 $0x39, v18;
	v3 =	vld.idx.msk [tilespmem:v3+s18+$0x0], $0xffff  }
0x1bc: {  	v33 =	vshll.u32 v1, $0x6;
	[tilespmem:$0x1FA00] =	vst v7;
	v7 =	vor.u32 $0x31, v18;
	v0 =	vld.idx.msk [tilespmem:v0+s18+$0x0], $0xffff  }
0x1bd: {  	[tilespmem:$0x1F780] =	vst v5;
	v5 =	vor.u32 $0x3E, v33  }
0x1be: {  	[tilespmem:$0x1F790] =	vst v4;
	v4 =	vor.u32 $0x78, v18;
	v2 =	vld.idx.msk [tilespmem:v2+s18+$0x0], $0xffff  }
0x1bf: {  	[tilespmem:$0x1FA10] =	vst v8;
	v8 =	vor.u32 $0x2E, v18  }
0x1c0: {  	v6 =	vld.idx.msk [tilespmem:v6+s18+$0x0], $0xffff;
	[tilespmem:$0x1F7A0] =	vst v3;
	v3 =	vor.u32 $0x37, v18  }
0x1c1: {  	v7 =	vld.idx.msk [tilespmem:v7+s18+$0x0], $0xffff;
	[tilespmem:$0x1F7B0] =	vst v0;
	v0 =	vor.u32 $0x76, v18  }
0x1c2: {  	v24 =	vld.idx.msk [tilespmem:v5+s12+$0x0], $0xffff;
	v5 =	vor.u32 $0x34, v18  }
0x1c3: {  	v4 =	vld.idx.msk [tilespmem:v4+s18+$0x0], $0xffff;
	[tilespmem:$0x1F7D0] =	vst v2;
	v2 =	vor.u32 $0x74, v18  }
0x1c4: {  	v8 =	vld.idx.msk [tilespmem:v8+s18+$0x0], $0xffff  }
0x1c5: {  	[tilespmem:$0x1F9E0] =	vst v6;
	v3 =	vld.idx.msk [tilespmem:v3+s18+$0x0], $0xffff  }
0x1c6: {  	[tilespmem:$0x1FA20] =	vst v7;
	v7 =	vor.u32 $0x2D, v18;
	v6 =	vld.idx.msk [tilespmem:v0+s18+$0x0], $0xffff  }
0x1c7: {  	v0 =	vld.idx.msk [tilespmem:v5+s18+$0x0], $0xffff  }
0x1c8: {  	[tilespmem:$0x1F7C0] =	vst v4;
	v4 =	vor.u32 $0x3C, v33;
	v2 =	vld.idx.msk [tilespmem:v2+s18+$0x0], $0xffff  }
0x1c9: {  	v5 =	vor.u32 $0x72, v18  }
0x1ca: {  	[tilespmem:$0x1F9F0] =	vst v3;
	v3 =	vor.u32 $0x32, v18  }
0x1cb: {  	[tilespmem:$0x1F830] =	vst v8;
	v8 =	vor.u32 $0x6C, v18;
	v7 =	vld.idx.msk [tilespmem:v7+s18+$0x0], $0xffff  }
0x1cc: {  	v10 =	vor.u32 $0x2A, v18;
	[tilespmem:$0x1F7E0] =	vst v0  }
0x1cd: {  	v0 =	vld.idx.msk [tilespmem:v4+s12+$0x0], $0xffff;
	[tilespmem:$0x1F7F0] =	vst v2;
	v2 =	vor.u32 $0x3A, v33  }
0x1ce: {  	v4 =	vor.u32 $0x30, v18;
	v5 =	vld.idx.msk [tilespmem:v5+s18+$0x0], $0xffff  }
0x1cf: {  	v3 =	vld.idx.msk [tilespmem:v3+s18+$0x0], $0xffff  }
0x1d0: {  	[tilespmem:$0x1FA40] =	vst v7;
	v7 =	vld.idx.msk [tilespmem:v8+s18+$0x0], $0xffff  }
0x1d1: {  	v10 =	vld.idx.msk [tilespmem:v10+s18+$0x0], $0xffff;
	v8 =	vor.u32 $0x29, v18  }
0x1d2: {  	v9 =	vld.idx.msk [tilespmem:v2+s12+$0x0], $0xffff;
	v2 =	vor.u32 $0x2C, v18  }
0x1d3: {  	[tilespmem:$0x1F810] =	vst v5;
	v5 =	vor.u32 $0x2F, v18;
	v4 =	vld.idx.msk [tilespmem:v4+s18+$0x0], $0xffff  }
0x1d4: {  	[tilespmem:$0x1F800] =	vst v3;
	v3 =	vor.u32 $0x70, v18  }
0x1d5: {  	[tilespmem:$0x1F860] =	vst v7;
	v7 =	vor.u32 $0x36, v33  }
0x1d6: {  	[tilespmem:$0x1F870] =	vst v10;
	v10 =	vor.u32 $0x68, v18;
	v8 =	vld.idx.msk [tilespmem:v8+s18+$0x0], $0xffff  }
0x1d7: {  	v2 =	vld.idx.msk [tilespmem:v2+s18+$0x0], $0xffff  }
0x1d8: {  	[tilespmem:$0x1F820] =	vst v4;
	v4 =	vor.u32 $0x6E, v18;
	v5 =	vld.idx.msk [tilespmem:v5+s18+$0x0], $0xffff  }
0x1d9: {  	v17 =	vld.idx.msk [tilespmem:v3+s18+$0x0], $0xffff;
	v3 =	vor.u32 $0x38, v33  }
0x1da: {  	v22 =	vld.idx.msk [tilespmem:v7+s12+$0x0], $0xffff;
	v7 =	vor.u32 $0x24, v18  }
0x1db: {  	[tilespmem:$0x1FA60] =	vst v8;
	v8 =	vld.idx.msk [tilespmem:v10+s18+$0x0], $0xffff  }
0x1dc: {  	[tilespmem:$0x1F850] =	vst v2;
	v2 =	vor.u32 $0x6A, v18  }
0x1dd: {  	v4 =	vld.idx.msk [tilespmem:v4+s18+$0x0], $0xffff  }
0x1de: {  	[tilespmem:$0x1FA30] =	vst v5;
	v5 =	vld.idx.msk [tilespmem:v3+s12+$0x0], $0xffff;
	v3 =	vor.u32 $0x28, v18  }
0x1df: {  	v10 =	vor.u32 $0x25, v18;
	v7 =	vld.idx.msk [tilespmem:v7+s18+$0x0], $0xffff  }
0x1e0: {  	[tilespmem:$0x1F8A0] =	vst v8;
	v8 =	vor.u32 $0x34, v33  }
0x1e1: {  	v2 =	vld.idx.msk [tilespmem:v2+s18+$0x0], $0xffff  }
0x1e2: {  	[tilespmem:$0x1F840] =	vst v4;
	v4 =	vor.u32 $0x2B, v18  }
0x1e3: {  	v3 =	vld.idx.msk [tilespmem:v3+s18+$0x0], $0xffff  }
0x1e4: {  	v10 =	vld.idx.msk [tilespmem:v10+s18+$0x0], $0xffff;
	[tilespmem:$0x1F8D0] =	vst v7;
	v7 =	vor.u32 $0x62, v18  }
0x1e5: {  	v15 =	vld.idx.msk [tilespmem:v8+s12+$0x0], $0xffff;
	v8 =	vor.u32 $0x20, v18  }
0x1e6: {  	[tilespmem:$0x1F880] =	vst v2;
	v2 =	vor.u32 $0x27, v18  }
0x1e7: {  	v4 =	vld.idx.msk [tilespmem:v4+s18+$0x0], $0xffff  }
0x1e8: {  	[tilespmem:$0x1F890] =	vst v3;
	v3 =	vor.u32 $0x66, v18  }
0x1e9: {  	[tilespmem:$0x1FA80] =	vst v10;
	v10 =	vor.u32 $0x21, v18;
	v7 =	vld.idx.msk [tilespmem:v7+s18+$0x0], $0xffff  }
0x1ea: {  	v8 =	vld.idx.msk [tilespmem:v8+s18+$0x0], $0xffff  }
0x1eb: {  	v2 =	vld.idx.msk [tilespmem:v2+s18+$0x0], $0xffff  }
0x1ec: {  	[tilespmem:$0x1FA50] =	vst v4;
	v4 =	vor.u32 $0x26, v18  }
0x1ed: {  	v3 =	vld.idx.msk [tilespmem:v3+s18+$0x0], $0xffff  }
0x1ee: {  	v10 =	vld.idx.msk [tilespmem:v10+s18+$0x0], $0xffff;
	[tilespmem:$0x1F900] =	vst v7;
	v7 =	vor.u32 $0x1F, v18  }
0x1ef: {  	[tilespmem:$0x1F910] =	vst v8;
	v8 =	vor.u32 $0x5E, v18  }
0x1f0: {  	[tilespmem:$0x1FA70] =	vst v2;
	v2 =	vor.u32 $0x22, v18  }
0x1f1: {  	v4 =	vld.idx.msk [tilespmem:v4+s18+$0x0], $0xffff  }
0x1f2: {  	[tilespmem:$0x1F8C0] =	vst v3;
	v3 =	vor.u32 $0x23, v18  }
0x1f3: {  	[tilespmem:$0x1FAA0] =	vst v10;
	v10 =	vor.u32 $0x1D, v18;
	v7 =	vld.idx.msk [tilespmem:v7+s18+$0x0], $0xffff  }
0x1f4: {  	v8 =	vld.idx.msk [tilespmem:v8+s18+$0x0], $0xffff  }
0x1f5: {  	v2 =	vld.idx.msk [tilespmem:v2+s18+$0x0], $0xffff  }
0x1f6: {  	[tilespmem:$0x1F8B0] =	vst v4;
	v4 =	vor.u32 $0x64, v18  }
0x1f7: {  	v3 =	vld.idx.msk [tilespmem:v3+s18+$0x0], $0xffff  }
0x1f8: {  	v10 =	vld.idx.msk [tilespmem:v10+s18+$0x0], $0xffff;
	[tilespmem:$0x1FAB0] =	vst v7;
	v7 =	vor.u32 $0x1A, v18  }
0x1f9: {  	[tilespmem:$0x1F940] =	vst v8;
	v8 =	vor.u32 $0x1B, v18  }
0x1fa: {  	[tilespmem:$0x1F8F0] =	vst v2;
	v2 =	vor.u32 $0x60, v18  }
0x1fb: {  	v4 =	vld.idx.msk [tilespmem:v4+s18+$0x0], $0xffff  }
0x1fc: {  	[tilespmem:$0x1FA90] =	vst v3;
	v3 =	vor.u32 $0x1E, v18  }
0x1fd: {  	[tilespmem:$0x1FAC0] =	vst v10;
	v10 =	vor.u32 $0x19, v18;
	v7 =	vld.idx.msk [tilespmem:v7+s18+$0x0], $0xffff  }
0x1fe: {  	v8 =	vld.idx.msk [tilespmem:v8+s18+$0x0], $0xffff  }
0x1ff: {  	v2 =	vld.idx.msk [tilespmem:v2+s18+$0x0], $0xffff  }
0x200: {  	[tilespmem:$0x1F8E0] =	vst v4;
	v4 =	vor.u32 $0x32, v33  }
0x201: {  	v3 =	vld.idx.msk [tilespmem:v3+s18+$0x0], $0xffff  }
0x202: {  	v10 =	vld.idx.msk [tilespmem:v10+s18+$0x0], $0xffff;
	[tilespmem:$0x1F970] =	vst v7;
	v7 =	vor.u32 $0x58, v18  }
0x203: {  	[tilespmem:$0x1FAD0] =	vst v8;
	v8 =	vor.u32 $0x16, v18  }
0x204: {  	[tilespmem:$0x1F920] =	vst v2;
	v2 =	vor.u32 $0x30, v33  }
0x205: {  	v28 =	vld.idx.msk [tilespmem:v4+s12+$0x0], $0xffff;
	v4 =	vor.u32 $0x1C, v18  }
0x206: {  	[tilespmem:$0x1F930] =	vst v3;
	v3 =	vor.u32 $0x5C, v18  }
0x207: {  	[tilespmem:$0x1FAE0] =	vst v10;
	v10 =	vor.u32 $0x15, v18;
	v7 =	vld.idx.msk [tilespmem:v7+s18+$0x0], $0xffff  }
0x208: {  	v40 =	vld.idx.msk [tilespmem:v8+s18+$0x0], $0xffff;
	v8 =	vor.u32 $0x54, v18  }
0x209: {  	v27 =	vld.idx.msk [tilespmem:v2+s12+$0x0], $0xffff;
	v2 =	vor.u32 $0x18, v18  }
0x20a: {  	v4 =	vld.idx.msk [tilespmem:v4+s18+$0x0], $0xffff  }
0x20b: {  	v3 =	vld.idx.msk [tilespmem:v3+s18+$0x0], $0xffff  }
0x20c: {  	v10 =	vld.idx.msk [tilespmem:v10+s18+$0x0], $0xffff  }
0x20d: {  	[tilespmem:$0x1F9A0] =	vst v7;
	v7 =	vor.u32 $0x2C, v33;
	v49 =	vld.idx.msk [tilespmem:v8+s18+$0x0], $0xffff  }
0x20e: {  	v8 =	vor.u32 $0x2A, v33;
	v2 =	vld.idx.msk [tilespmem:v2+s18+$0x0], $0xffff  }
0x20f: {  	[tilespmem:$0x1F950] =	vst v4;
	v4 =	vor.u32 $0x5A, v18  }
0x210: {  	[tilespmem:$0x1F960] =	vst v3;
	v3 =	vor.u32 $0x2E, v33  }
0x211: {  	v1 =	vshll.u32 v1, $0x1;
	[tilespmem:$0x1FB00] =	vst v10;
	v10 =	vor.u32 $0x11, v18  }
0x212: {  	[tilespmem:$0x1FD90] =	vst v1;
	v1 =	vor.u32 $0xE, v18;
	v25 =	vld.idx.msk [tilespmem:v7+s12+$0x0], $0xffff  }
0x213: {  	v19 =	vld.idx.msk [tilespmem:v8+s12+$0x0], $0xffff;
	[tilespmem:$0x1F990] =	vst v2;
	v2 =	vor.u32 $0x56, v18  }
0x214: {  	v4 =	vld.idx.msk [tilespmem:v4+s18+$0x0], $0xffff  }
0x215: {  	v30 =	vld.idx.msk [tilespmem:v3+s12+$0x0], $0xffff;
	v3 =	vor.u32 $0x14, v18  }
0x216: {  	v7 =	vor.u32 $0x10, v18;
	v8 =	vld.idx.msk [tilespmem:v10+s18+$0x0], $0xffff  }
0x217: {  	v58 =	vld.idx.msk [tilespmem:v1+s18+$0x0], $0xffff;
	v1 =	vor.u32 $0x35, v33  }
0x218: {  	[tilespmem:$0x1FE40] =	vst v1;
	v36 =	vld.idx.msk [tilespmem:v2+s18+$0x0], $0xffff;
	v2 =	vor.u32 $0x13, v18  }
0x219: {  	v1 =	vor.u32 $0x77, v18;
	[tilespmem:$0x1F980] =	vst v4;
	v4 =	vor.u32 $0x17, v18  }
0x21a: {  	[tilespmem:$0x1FE50] =	vst v1;
	v35 =	vld.idx.msk [tilespmem:v3+s18+$0x0], $0xffff;
	v3 =	vor.u32 $0x52, v18  }
0x21b: {  	v53 =	vld.idx.msk [tilespmem:v7+s18+$0x0], $0xffff;
	v7 =	vor.u32 $0x3B, v33;
	[tilespmem:$0x1FBA0] =	vst v8  }
0x21c: {  	v8 =	vor.u32 $0x39, v33;
	[tilespmem:$0x1FDE0] =	vst v7  }
0x21d: {  	v7 =	vor.u32 $0x7D, v18;
	[tilespmem:$0x1FE00] =	vst v8;
	v2 =	vld.idx.msk [tilespmem:v2+s18+$0x0], $0xffff  }
0x21e: {  	v8 =	vor.u32 $0x7B, v18;
	[tilespmem:$0x1FDF0] =	vst v7;
	v4 =	vld.idx.msk [tilespmem:v4+s18+$0x0], $0xffff  }
0x21f: {  	[tilespmem:$0x1FE10] =	vst v8;
	v52 =	vld.idx.msk [tilespmem:v3+s18+$0x0], $0xffff;
	v3 =	vor.u32 $0x3D, v33  }
0x220: {  	[tilespmem:$0x1FDC0] =	vst v3;
	v3 =	vor.u32 $0x7F, v18  }
0x221: {  	[tilespmem:$0x1FDD0] =	vst v3;
	v3 =	vor.u32 $0x4E, v18  }
0x222: {  	[tilespmem:$0x1FB10] =	vst v2;
	v2 =	vor.u32 $0x3F, v33  }
0x223: {  	[tilespmem:$0x1FDA0] =	vst v2;
	v2 =	vor.u32 $0xF, v18  }
0x224: {  	v8 =	vor.u32 $0x37, v33;
	[tilespmem:$0x1FAF0] =	vst v4;
	v4 =	vor.u32 $0x12, v18  }
0x225: {  	[tilespmem:$0x1FE20] =	vst v8;
	v8 =	vor.u32 $0x79, v18  }
0x226: {  	[tilespmem:$0x1FE30] =	vst v8;
	v63 =	vld.idx.msk [tilespmem:v3+s18+$0x0], $0xffff;
	v3 =	vor.u32 $0x29, v33  }
0x227: {  	[tilespmem:$0x1FF00] =	vst v3;
	v3 =	vor.u32 $0x6B, v18  }
0x228: {  	v8 =	vor.u32 $0xD, v18;
	[tilespmem:$0x1FF10] =	vst v3;
	v1 =	vld.idx.msk [tilespmem:v2+s18+$0x0], $0xffff;
	v2 =	vor.u32 $0x2F, v33  }
0x229: {  	v50 =	vld.idx.msk [tilespmem:v4+s18+$0x0], $0xffff;
	v4 =	vor.u32 $0x50, v18;
	[tilespmem:$0x1FEA0] =	vst v2;
	v2 =	vor.u32 $0x71, v18  }
0x22a: {  	[tilespmem:$0x1FEB0] =	vst v2;
	v2 =	vor.u32 $0x2D, v33  }
0x22b: {  	[tilespmem:$0x1FEC0] =	vst v2;
	v2 =	vor.u32 $0x6F, v18  }
0x22c: {  	[tilespmem:$0x1FED0] =	vst v2  }
0x22d: {  	v12 =	vor.u32 $0xB, v18;
	v2 =	vld.idx.msk [tilespmem:v8+s18+$0x0], $0xffff;
	v8 =	vor.u32 $0x27, v33;
	[tilespmem:$0x1FD30] =	vst v1  }
0x22e: {  	v56 =	vld.idx.msk [tilespmem:v4+s18+$0x0], $0xffff;
	v4 =	vor.u32 $0x28, v33;
	v1 =	vor.u32 $0x33, v33;
	[tilespmem:$0x1FF20] =	vst v8  }
0x22f: {  	v8 =	vor.u32 $0x69, v18;
	[tilespmem:$0x1FE60] =	vst v1  }
0x230: {  	v1 =	vor.u32 $0x75, v18;
	[tilespmem:$0x1FF30] =	vst v8  }
0x231: {  	v7 =	vor.u32 $0xC, v18;
	[tilespmem:$0x1FE70] =	vst v1;
	v1 =	vor.u32 $0x31, v33  }
0x232: {  	v10 =	vor.u32 $0x4C, v18;
	v8 =	vld.idx.msk [tilespmem:v12+s18+$0x0], $0xffff;
	[tilespmem:$0x1FE80] =	vst v1;
	v1 =	vor.u32 $0x73, v18  }
0x233: {  	v32 =	vld.idx.msk [tilespmem:v4+s12+$0x0], $0xffff;
	v4 =	vor.u32 $0x8, v18;
	[tilespmem:$0x1FE90] =	vst v1  }
0x234: {  	v11 =	vor.u32 $0xA, v18;
	[tilespmem:$0x1FD80] =	vst v2;
	v2 =	vor.u32 $0x2B, v33  }
0x235: {  	[tilespmem:$0x1FEE0] =	vst v2;
	v2 =	vor.u32 $0x6D, v18  }
0x236: {  	v1 =	vld.idx.msk [tilespmem:v7+s18+$0x0], $0xffff;
	v7 =	vor.u32 $0x4A, v18;
	[tilespmem:$0x1FEF0] =	vst v2  }
0x237: {  	v2 =	vld.idx.msk [tilespmem:v10+s18+$0x0], $0xffff;
	[tilespmem:$0x1FDB0] =	vst v8;
	v8 =	vor.u32 $0x67, v18  }
0x238: {  	v10 =	vld.idx.msk [tilespmem:v4+s18+$0x0], $0xffff;
	v4 =	vor.u32 $0x23, v33;
	[tilespmem:$0x1FF40] =	vst v8  }
0x239: {  	v3 =	vld.idx.msk [tilespmem:v11+s18+$0x0], $0xffff;
	v11 =	vor.u32 $0x48, v18;
	[tilespmem:$0x1FF70] =	vst v4;
	v4 =	vor.u32 $0x63, v18  }
0x23a: {  	[tilespmem:$0x1FF80] =	vst v4;
	v4 =	vor.u32 $0x21, v33  }
0x23b: {  	v8 =	vld.idx.msk [tilespmem:v7+s18+$0x0], $0xffff;
	v7 =	vor.u32 $0x25, v33;
	[tilespmem:$0x1FF90] =	vst v4  }
0x23c: {  	v4 =	vor.u32 $0x61, v18;
	[tilespmem:$0x1FF50] =	vst v7  }
0x23d: {  	v7 =	vor.u32 $0x65, v18;
	[tilespmem:$0x1FFA0] =	vst v4  }
0x23e: {  	v4 =	vld.idx.msk [tilespmem:v11+s18+$0x0], $0xffff;
	v11 =	vor.u32 $0x1F, v33;
	[tilespmem:$0x1FF60] =	vst v7;
	v7 =	vor.u32 $0x7, v18  }
0x23f: {  	[tilespmem:$0x1FFB0] =	vst v11;
	v11 =	vor.u32 $0x5F, v18  }
0x240: {  	[tilespmem:$0x1FFC0] =	vst v11;
	v11 =	vor.u32 $0x5, v18;
	_ =	sdelay $0x2  }
0x241: {  	v61 =	vld.idx.msk [tilespmem:v7+s18+$0x0], $0xffff;
	v7 =	vor.u32 $0x5D, v18  }
0x242: {  	[tilespmem:$0x1FFE0] =	vst v7;
	v7 =	vor.u32 $0x5B, v18  }
0x243: {  	[tilespmem:$0x1FFF0] =	vst v7;
	v7 =	vld.idx.msk [tilespmem:v11+s18+$0x0], $0xffff;
	v11 =	vmul.f32 v46, v24;
	_ =	sdelay $0x1  }
0x244: {  	[tilespmem:$0x1FB20] =	vst v11;
	v11 =	vmul.f32 v48, v24;
	_ =	sdelay $0x1  }
0x245: {  	[tilespmem:$0x1FB30] =	vst v11;
	v11 =	vmul.f32 v47, v0;
	_ =	sdelay $0x1  }
0x246: {  	[tilespmem:$0x1FB40] =	vst v11;
	v11 =	vld [tilespmem:$0x1F780];
	_ =	sdelay $0x4  }
0x247: {  	v0 =	vmul.f32 v11, v0;
	_ =	sdelay $0x1  }
0x248: {  	[tilespmem:$0x1FB50] =	vst v0;
	v0 =	vld [tilespmem:$0x1F790];
	_ =	sdelay $0x4  }
0x249: {  	v0 =	vmul.f32 v0, v9;
	_ =	sdelay $0x1  }
0x24a: {  	[tilespmem:$0x1FB60] =	vst v0;
	v0 =	vld [tilespmem:$0x1F7A0];
	_ =	sdelay $0x4  }
0x24b: {  	v0 =	vmul.f32 v0, v9;
	v9 =	vld [tilespmem:$0x1F7B0];
	_ =	sdelay $0x4  }
0x24c: {  	v9 =	vmul.f32 v9, v5;
	_ =	sdelay $0x1  }
0x24d: {  	[tilespmem:$0x1FB80] =	vst v9;
	v9 =	vld [tilespmem:$0x1F7C0];
	_ =	sdelay $0x4  }
0x24e: {  	v5 =	vmul.f32 v9, v5;
	_ =	sdelay $0x1  }
0x24f: {  	[tilespmem:$0x1FB90] =	vst v5;
	v5 =	vld [tilespmem:$0x1F7D0];
	_ =	sdelay $0x4  }
0x250: {  	v5 =	vmul.f32 v5, v22;
	_ =	sdelay $0x1  }
0x251: {  	[tilespmem:$0x1FBB0] =	vst v5;
	v5 =	vmul.f32 v6, v22;
	_ =	sdelay $0x1  }
0x252: {  	[tilespmem:$0x1FBC0] =	vst v5;
	v5 =	vld [tilespmem:$0x1F7E0];
	_ =	sdelay $0x4  }
0x253: {  	v5 =	vmul.f32 v5, v15;
	_ =	sdelay $0x1  }
0x254: {  	[tilespmem:$0x1FBD0] =	vst v5;
	v5 =	vld [tilespmem:$0x1F7F0];
	_ =	sdelay $0x4  }
0x255: {  	v5 =	vmul.f32 v5, v15;
	v15 =	vld [tilespmem:$0x1F850];
	_ =	sdelay $0x4  }
0x256: {  	v15 =	vmul.f32 v15, v25;
	_ =	sdelay $0x1  }
0x257: {  	[tilespmem:$0x1FC50] =	vst v15;
	v15 =	vld [tilespmem:$0x1F860];
	_ =	sdelay $0x4  }
0x258: {  	v15 =	vmul.f32 v15, v25;
	_ =	sdelay $0x1  }
0x259: {  	[tilespmem:$0x1FC60] =	vst v15;
	v15 =	vld [tilespmem:$0x1F870];
	_ =	sdelay $0x3  }
0x25a: {  	v9 =	vld [tilespmem:$0x1F800]  }
0x25b: {  	v15 =	vmul.f32 v15, v19;
	_ =	sdelay $0x1  }
0x25c: {  	[tilespmem:$0x1FC70] =	vst v15;
	v15 =	vld [tilespmem:$0x1F880];
	_ =	sdelay $0x1  }
0x25d: {  	v9 =	vmul.f32 v9, v28;
	_ =	sdelay $0x1  }
0x25e: {  	[tilespmem:$0x1FBF0] =	vst v9;
	v9 =	vld [tilespmem:$0x1F810]  }
0x25f: {  	v15 =	vmul.f32 v15, v19;
	_ =	sdelay $0x1  }
0x260: {  	[tilespmem:$0x1FC80] =	vst v15;
	v15 =	vld [tilespmem:$0x1F890]  }
0x261: {  	v13 =	vor.u32 $0x42, v18  }
0x262: {  	v9 =	vmul.f32 v9, v28;
	_ =	sdelay $0x1  }
0x263: {  	[tilespmem:$0x1FC00] =	vst v9;
	v9 =	vld [tilespmem:$0x1F820]  }
0x264: {  	v15 =	vmul.f32 v15, v32  }
0x265: {  	v34 =	vor.u32 $0x20, v33;
	v11 =	vld.idx.msk [tilespmem:v13+s18+$0x0], $0xffff  }
0x266: {  	v13 =	vor.u32 $0x12, v33;
	[tilespmem:$0x1FC90] =	vst v15;
	v15 =	vld [tilespmem:$0x1F8A0];
	_ =	sdelay $0x1  }
0x267: {  	v9 =	vmul.f32 v9, v27;
	_ =	sdelay $0x1  }
0x268: {  	[tilespmem:$0x1FC10] =	vst v9;
	v9 =	vmul.f32 v17, v27;
	v27 =	vld.idx.msk [tilespmem:v34+s12+$0x0], $0xffff  }
0x269: {  	v15 =	vmul.f32 v15, v32;
	v32 =	vld.idx.msk [tilespmem:v13+s12+$0x0], $0xffff  }
0x26a: {  	v13 =	vld [tilespmem:$0x1F910];
	_ =	sdelay $0x4  }
0x26b: {  	v13 =	vmul.f32 v13, v27;
	_ =	sdelay $0x1  }
0x26c: {  	[tilespmem:$0x1FD10] =	vst v13;
	v13 =	vld [tilespmem:$0x1F920]  }
0x26d: {  	v38 =	vor.u32 $0x1E, v33;
	_ =	sdelay $0x3  }
0x26e: {  	v13 =	vmul.f32 v13, v27  }
0x26f: {  	v34 =	vld.idx.msk [tilespmem:v38+s12+$0x0], $0xffff  }
0x270: {  	[tilespmem:$0x1FD20] =	vst v13;
	v13 =	vld [tilespmem:$0x1F930];
	_ =	sdelay $0x4  }
0x271: {  	v21 =	vor.u32 $0x24, v33;
	v13 =	vmul.f32 v13, v34  }
0x272: {  	v48 =	vor.u32 $0x41, v18  }
0x273: {  	v39 =	vor.u32 $0x1C, v33;
	[tilespmem:$0x1FD40] =	vst v13;
	v13 =	vld [tilespmem:$0x1F940];
	_ =	sdelay $0x2  }
0x274: {  	v45 =	vld.idx.msk [tilespmem:v21+s12+$0x0], $0xffff  }
0x275: {  	v28 =	vld.idx.msk [tilespmem:v48+s18+$0x0], $0xffff  }
0x276: {  	v48 =	vld.idx.msk [tilespmem:v39+s12+$0x0], $0xffff;
	v13 =	vmul.f32 v13, v34  }
0x277: {  	v16 =	vor.u32 $0x26, v33;
	v25 =	vld [tilespmem:$0x1F8D0]  }
0x278: {  	v20 =	vor.u32 $0x9, v18;
	[tilespmem:$0x1FD50] =	vst v13;
	v13 =	vld [tilespmem:$0x1F950];
	_ =	sdelay $0x2  }
0x279: {  	v31 =	vor.u32 $0x22, v33  }
0x27a: {  	v41 =	vor.u32 $0x1A, v33;
	v37 =	vld.idx.msk [tilespmem:v16+s12+$0x0], $0xffff;
	v25 =	vmul.f32 v25, v45  }
0x27b: {  	v43 =	vor.u32 $0x18, v33;
	v57 =	vld.idx.msk [tilespmem:v20+s18+$0x0], $0xffff;
	v13 =	vmul.f32 v13, v48  }
0x27c: {  	[tilespmem:$0x1FCD0] =	vst v25;
	v25 =	vld [tilespmem:$0x1F8E0]  }
0x27d: {  	[tilespmem:$0x1FD60] =	vst v13;
	v13 =	vld [tilespmem:$0x1F960]  }
0x27e: {  	v14 =	vor.u32 $0x14, v33;
	v31 =	vld.idx.msk [tilespmem:v31+s12+$0x0], $0xffff  }
0x27f: {  	v41 =	vld.idx.msk [tilespmem:v41+s12+$0x0], $0xffff  }
0x280: {  	v43 =	vld.idx.msk [tilespmem:v43+s12+$0x0], $0xffff;
	v12 =	vor.u32 $0x6, v18  }
0x281: {  	v23 =	vor.u32 $0x46, v18;
	v25 =	vmul.f32 v25, v45;
	v19 =	vld [tilespmem:$0x1F8B0]  }
0x282: {  	v26 =	vor.u32 $0x4, v18;
	v48 =	vmul.f32 v13, v48;
	v13 =	vld [tilespmem:$0x1F970]  }
0x283: {  	[tilespmem:$0x1FCE0] =	vst v25;
	v25 =	vld.idx.msk [tilespmem:v14+s12+$0x0], $0xffff  }
0x284: {  	v14 =	vld [tilespmem:$0x1F8F0]  }
0x285: {  	v16 =	vld.idx.msk [tilespmem:v12+s18+$0x0], $0xffff;
	v12 =	vor.u32 $0x1D, v33  }
0x286: {  	[tilespmem:$0x1FFD0] =	vst v12;
	v12 =	vld.idx.msk [tilespmem:v23+s18+$0x0], $0xffff  }
0x287: {  	v23 =	vld.idx.msk [tilespmem:v26+s18+$0x0], $0xffff;
	v46 =	vor.u32 $0xE, v33;
	v13 =	vmul.f32 v13, v41  }
0x288: {  	v47 =	vor.u32 $0xC, v33;
	[tilespmem:$0x1FC20] =	vst v9;
	v9 =	vld [tilespmem:$0x1F830];
	v19 =	vmul.f32 v19, v37  }
0x289: {  	v14 =	vmul.f32 v14, v31;
	[tilespmem:$0x1FD70] =	vst v13;
	v13 =	vld [tilespmem:$0x1F980]  }
0x28a: {  	v20 =	vor.u32 $0x44, v18;
	[tilespmem:$0x1FCB0] =	vst v19;
	v19 =	vld [tilespmem:$0x1F8C0]  }
0x28b: {  	[tilespmem:$0x1FCF0] =	vst v14;
	v14 =	vld [tilespmem:$0x1F900]  }
0x28c: {  	v42 =	vor.u32 $0x3, v18;
	v34 =	vld.idx.msk [tilespmem:v46+s12+$0x0], $0xffff  }
0x28d: {  	v44 =	vor.u32 $0x16, v33;
	v46 =	vmov v36;
	v36 =	vld.idx.msk [tilespmem:v47+s12+$0x0], $0xffff  }
0x28e: {  	v9 =	vmul.f32 v9, v30;
	v47 =	vmul.f32 v13, v41;
	v13 =	vld [tilespmem:$0x1F990]  }
0x28f: {  	v21 =	vor.u32 $0x1, v18;
	v26 =	vld.idx.msk [tilespmem:v20+s18+$0x0], $0xffff  }
0x290: {  	v29 =	vor.u32 $0x2, v18;
	[tilespmem:$0x1FC30] =	vst v9;
	v9 =	vld [tilespmem:$0x1F840];
	v19 =	vmul.f32 v19, v37  }
0x291: {  	v51 =	vor.u32 $0x1B, v33;
	v55 =	vor.u32 $0x19, v33;
	v20 =	vld.idx.msk [tilespmem:v42+s18+$0x0], $0xffff;
	v14 =	vmul.f32 v14, v31  }
0x292: {  	v54 =	vor.u32 $0x59, v18;
	v60 =	vor.u32 $0x17, v33;
	v42 =	vor.u32 $0x10, v33;
	[tilespmem:$0x1FCC0] =	vst v19;
	v19 =	vld.idx.msk [tilespmem:v44+s12+$0x0], $0xffff  }
0x293: {  	p0 =	sne.s32 s16, $0x1F0;
	v59 =	vor.u32 $0x57, v18;
	v44 =	vor.u32 $0xA, v33;
	[tilespmem:$0x1FD00] =	vst v14;
	v14 =	vmul.f32 v13, v43;
	v13 =	vld [tilespmem:$0x1F9A0]  }
.Ltmp0:
0x294: {  	v62 =	vor.u32 $0x15, v33;
	v21 =	vld.idx.msk [tilespmem:v21+s18+$0x0], $0xffff;
	[tilespmem:$0x1FB70] =	vst v0;
	v0 =	vor.u32 $0x55, v18;
	v6 =	vor.u32 $0x13, v33;
	(pc) =	sbr.rel @p0 .LBB2_2-.Ltmp0, $4  }
0x295: {  	v24 =	vld.idx.msk [tilespmem:v29+s18+$0x0], $0xffff;
	v22 =	vor.u32 $0xF, v33;
	v39 =	vor.u32 $0x6, v33;
	v9 =	vmul.f32 v9, v30  }
0x296: {  	v29 =	vld.idx.msk [tilespmem:v18+s18+$0x0], $0xffff;
	v17 =	vor.u32 $0x11, v33;
	v38 =	vor.u32 $0x4, v33;
	[tilespmem:$0x1FBE0] =	vst v5;
	v5 =	vor.u32 $0x53, v18  }
0x297: {  	v30 =	vor.u32 $0x8, v33;
	[tilespmem:$0x1FC40] =	vst v9;
	v9 =	vor.u32 $0x51, v18;
	v45 =	vmovc v35;
	v31 =	vld.idx.msk [tilespmem:v42+s12+$0x0], $0xffff;
	v37 =	vor.u32 $0x2, v33  }
0x298: {  	s16 =	sadd.s32 $0x10, s16;
	[tilespmem:$0x1FCA0] =	vst v15;
	v15 =	vor.u32 $0x4F, v18;
	v35 =	vld.idx.msk [tilespmem:v44+s12+$0x0], $0xffff;
	v27 =	vor.u32 $0xD, v33;
	v44 =	vmul.f32 v13, v43;
	v43 =	vmovc v40  }
0x299: {  	_ =	sdelay $0x3  }
0x29a: {  	v43 =	vmul.f32 v43, v19;
	v13 =	vmul.f32 v46, v19;
	v19 =	vld.idx.msk [tilespmem:v30+s12+$0x0], $0xffff  }
0x29b: {  	v41 =	vmul.f32 v45, v25;
	v30 =	vmul.f32 v49, v25;
	v25 =	vld.idx.msk [tilespmem:v39+s12+$0x0], $0xffff  }
0x29c: {  	v38 =	vld.idx.msk [tilespmem:v38+s12+$0x0], $0xffff  }
0x29d: {  	v37 =	vld.idx.msk [tilespmem:v37+s12+$0x0], $0xffff  }
0x29e: {  	v1 =	vmul.f32 v1, v36;
	v2 =	vmul.f32 v2, v36;
	v36 =	vld.idx.msk [tilespmem:v33+s12+$0x0], $0xffff  }
0x29f: {  	v39 =	vmul.f32 v50, v32;
	v50 =	vmov v48;
	v48 =	vld.idx.msk [tilespmem:v27+s12+$0x0], $0xffff  }
0x2a0: {  	v15 =	vld.idx.msk [tilespmem:v15+s18+$0x0], $0xffff  }
0x2a1: {  	v17 =	vld.idx.msk [tilespmem:v17+s12+$0x0], $0xffff  }
0x2a2: {  	v40 =	vor.u32 $0x1, v33;
	v9 =	vld.idx.msk [tilespmem:v9+s18+$0x0], $0xffff  }
0x2a3: {  	v42 =	vor.u32 $0x40, v18;
	v6 =	vld.idx.msk [tilespmem:v6+s12+$0x0], $0xffff  }
0x2a4: {  	v46 =	vor.u32 $0x3, v33;
	v5 =	vld.idx.msk [tilespmem:v5+s18+$0x0], $0xffff  }
0x2a5: {  	v32 =	vmul.f32 v52, v32;
	v52 =	vmovc v47;
	v47 =	vmul.f32 v58, v34;
	v58 =	vor.u32 $0x43, v18;
	v0 =	vld.idx.msk [tilespmem:v0+s18+$0x0], $0xffff  }
0x2a6: {  	v34 =	vmul.f32 v63, v34;
	v63 =	vor.u32 $0x5, v33;
	v27 =	vld [tilespmem:$0x1FBA0];
	v45 =	vmul.f32 v53, v31  }
0x2a7: {  	v31 =	vmul.f32 v56, v31;
	v3 =	vmul.f32 v3, v35;
	v40 =	vld.idx.msk [tilespmem:v40+s12+$0x0], $0xffff  }
0x2a8: {  	v8 =	vmul.f32 v8, v35;
	v35 =	vld.idx.msk [tilespmem:v42+s18+$0x0], $0xffff;
	v29 =	vmul.f32 v29, v36  }
0x2a9: {  	v10 =	vmul.f32 v10, v19;
	v42 =	vor.u32 $0x45, v18;
	v4 =	vmul.f32 v4, v19;
	v19 =	vld.idx.msk [tilespmem:v46+s12+$0x0], $0xffff  }
0x2aa: {  	v53 =	vor.u32 $0x7, v33;
	v56 =	vld.idx.msk [tilespmem:v58+s18+$0x0], $0xffff;
	v24 =	vmul.f32 v24, v37;
	v29 =	vadd.f32 $0.0e+00, v29  }
0x2ab: {  	v23 =	vmul.f32 v23, v38;
	v58 =	vor.u32 $0x47, v18;
	v11 =	vmul.f32 v11, v37;
	v37 =	vld.idx.msk [tilespmem:v63+s12+$0x0], $0xffff  }
0x2ac: {  	v26 =	vmul.f32 v26, v38;
	v38 =	vor.u32 $0x9, v33;
	v24 =	vadd.f32 v24, v29;
	v29 =	vld.idx.msk [tilespmem:v60+s12+$0x0], $0xffff  }
0x2ad: {  	v63 =	vor.u32 $0x49, v18;
	v60 =	vld [tilespmem:$0x1FD60]  }
0x2ae: {  	v35 =	vmul.f32 v35, v36;
	v36 =	vld.idx.msk [tilespmem:v42+s18+$0x0], $0xffff  }
0x2af: {  	v21 =	vmul.f32 v21, v40;
	v28 =	vmul.f32 v28, v40;
	v40 =	vld.idx.msk [tilespmem:v53+s12+$0x0], $0xffff  }
0x2b0: {  	v20 =	vmul.f32 v20, v19;
	v19 =	vmul.f32 v56, v19;
	v56 =	vld.idx.msk [tilespmem:v58+s18+$0x0], $0xffff  }
0x2b1: {  	v16 =	vmul.f32 v16, v25;
	v33 =	vor.u32 $0xB, v33;
	v38 =	vld.idx.msk [tilespmem:v38+s12+$0x0], $0xffff;
	v23 =	vadd.f32 v23, v24  }
0x2b2: {  	v53 =	vor.u32 $0x4B, v18;
	v63 =	vld.idx.msk [tilespmem:v63+s18+$0x0], $0xffff;
	v35 =	vadd.f32 $0.0e+00, v35  }
0x2b3: {  	v58 =	vor.u32 $0x4D, v18;
	v16 =	vadd.f32 v16, v23;
	v23 =	vld [tilespmem:$0x1FD30]  }
0x2b4: {  	v11 =	vadd.f32 v11, v35;
	v35 =	vld.idx.msk [tilespmem:v55+s12+$0x0], $0xffff  }
0x2b5: {  	v55 =	vld [tilespmem:$0x1FD70]  }
0x2b6: {  	v7 =	vmul.f32 v7, v37;
	v36 =	vmul.f32 v36, v37;
	v37 =	vld.idx.msk [tilespmem:v33+s12+$0x0], $0xffff  }
0x2b7: {  	v42 =	vld.idx.msk [tilespmem:v53+s18+$0x0], $0xffff  }
0x2b8: {  	v18 =	vld.idx.msk [tilespmem:v58+s18+$0x0], $0xffff  }
0x2b9: {  	v49 =	vmul.f32 v57, v38;
	v57 =	vld.idx.msk [tilespmem:v22+s12+$0x0], $0xffff  }
0x2ba: {  	v58 =	vld [tilespmem:$0x1FDB0]  }
0x2bb: {  	v12 =	vmul.f32 v12, v25;
	v33 =	vld.idx.msk [tilespmem:v59+s18+$0x0], $0xffff  }
0x2bc: {  	v25 =	vmul.f32 v56, v40;
	v56 =	vmul.f32 v63, v38;
	v38 =	vld.idx.msk [tilespmem:v51+s12+$0x0], $0xffff  }
0x2bd: {  	v21 =	vadd.f32 $0.0e+00, v21;
	v46 =	vmul.f32 v61, v40;
	v40 =	vld [tilespmem:$0x1FAF0]  }
0x2be: {  	v28 =	vadd.f32 $0.0e+00, v28;
	v51 =	vld [tilespmem:$0x1FAD0]  }
0x2bf: {  	v20 =	vadd.f32 v20, v21;
	v59 =	vld [tilespmem:$0x1FF70]  }
0x2c0: {  	v19 =	vadd.f32 v19, v28;
	v11 =	vadd.f32 v26, v11;
	v26 =	vld.idx.msk [tilespmem:v62+s12+$0x0], $0xffff  }
0x2c1: {  	v62 =	vld [tilespmem:$0x1FAB0]  }
0x2c2: {  	v7 =	vadd.f32 v7, v20;
	v19 =	vadd.f32 v36, v19;
	v36 =	vld.idx.msk [tilespmem:v54+s18+$0x0], $0xffff  }
0x2c3: {  	v54 =	vld [tilespmem:$0x1FF90]  }
0x2c4: {  	v10 =	vadd.f32 v10, v16;
	v7 =	vadd.f32 v46, v7;
	v46 =	vld [tilespmem:$0x1FAE0]  }
0x2c5: {  	v16 =	vmul.f32 v58, v37;
	v63 =	vmul.f32 v42, v37;
	v37 =	vld [tilespmem:$0x1FB00]  }
0x2c6: {  	v3 =	vadd.f32 v3, v10;
	v42 =	vld [tilespmem:$0x1FFD0]  }
0x2c7: {  	v53 =	vadd.f32 v25, v19;
	v7 =	vadd.f32 v49, v7;
	v49 =	vld [tilespmem:$0x1FFC0]  }
0x2c8: {  	v1 =	vadd.f32 v1, v3;
	v20 =	vmul.f32 v18, v48;
	v18 =	vld [tilespmem:$0x1FF60]  }
0x2c9: {  	v11 =	vadd.f32 v12, v11;
	v61 =	vadd.f32 v56, v53;
	v56 =	vld [tilespmem:$0x1FFA0]  }
0x2ca: {  	v1 =	vadd.f32 v47, v1;
	v7 =	vadd.f32 v16, v7;
	v16 =	vld [tilespmem:$0x1FD80]  }
0x2cb: {  	v4 =	vadd.f32 v4, v11;
	v47 =	vmul.f32 v36, v35;
	v36 =	vld [tilespmem:$0x1FF10]  }
0x2cc: {  	v1 =	vadd.f32 v45, v1;
	v45 =	vld [tilespmem:$0x1FFE0]  }
0x2cd: {  	v4 =	vadd.f32 v8, v4;
	v19 =	vadd.f32 v63, v61;
	v61 =	vld [tilespmem:$0x1FF80]  }
0x2ce: {  	v1 =	vadd.f32 v39, v1;
	v39 =	vld [tilespmem:$0x1FFF0]  }
0x2cf: {  	v2 =	vadd.f32 v2, v4;
	v24 =	vadd.f32 v20, v19;
	v19 =	vld [tilespmem:$0x1FAA0]  }
0x2d0: {  	v20 =	vld [tilespmem:$0x1FD50]  }
0x2d1: {  	v2 =	vadd.f32 v34, v2;
	v34 =	vld [tilespmem:$0x1FB10]  }
0x2d2: {  	v25 =	vmul.f32 v15, v57;
	v10 =	vmul.f32 v16, v48;
	v48 =	vld [tilespmem:$0x1FFB0]  }
0x2d3: {  	v16 =	vld [tilespmem:$0x1FF50]  }
0x2d4: {  	v4 =	vadd.f32 v25, v24;
	v24 =	vld [tilespmem:$0x1FF40]  }
0x2d5: {  	v25 =	vld [tilespmem:$0x1FA90]  }
0x2d6: {  	v8 =	vld.idx.msk [tilespmem:v49+s18+$0x0], $0xffff  }
0x2d7: {  	v2 =	vadd.f32 v31, v2;
	v31 =	vld [tilespmem:$0x1FA80]  }
0x2d8: {  	v49 =	vld [tilespmem:$0x1FA50]  }
0x2d9: {  	v28 =	vmul.f32 v9, v17;
	v22 =	vadd.f32 v10, v7;
	v7 =	vmul.f32 v23, v57;
	v57 =	vld [tilespmem:$0x1FAC0]  }
0x2da: {  	v1 =	vadd.f32 v41, v1;
	v23 =	vld [tilespmem:$0x1FD10]  }
0x2db: {  	v4 =	vadd.f32 v28, v4;
	v28 =	vld [tilespmem:$0x1FF00]  }
0x2dc: {  	v1 =	vadd.f32 v43, v1;
	v43 =	vld [tilespmem:$0x1FA60]  }
0x2dd: {  	v5 =	vmul.f32 v5, v6;
	v2 =	vadd.f32 v32, v2;
	v32 =	vld [tilespmem:$0x1FD00]  }
0x2de: {  	v9 =	vld.idx.msk [tilespmem:v45+s18+$0x0], $0xffff  }
0x2df: {  	v4 =	vadd.f32 v5, v4;
	v5 =	vld.idx.msk [tilespmem:v54+s12+$0x0], $0xffff  }
0x2e0: {  	v3 =	vadd.f32 v7, v22;
	v7 =	vmul.f32 v27, v17;
	v17 =	vld [tilespmem:$0x1FD40]  }
0x2e1: {  	v22 =	vld [tilespmem:$0x1FF20]  }
0x2e2: {  	v11 =	vmul.f32 v34, v6;
	v34 =	vld [tilespmem:$0x1FEE0]  }
0x2e3: {  	v54 =	vld [tilespmem:$0x1FEB0]  }
0x2e4: {  	v2 =	vadd.f32 v30, v2;
	v30 =	vld [tilespmem:$0x1FF30]  }
0x2e5: {  	v10 =	vld.idx.msk [tilespmem:v39+s18+$0x0], $0xffff  }
0x2e6: {  	v1 =	vadd.f32 v14, v1;
	v3 =	vadd.f32 v7, v3;
	v7 =	vld.idx.msk [tilespmem:v42+s12+$0x0], $0xffff  }
0x2e7: {  	v42 =	vld [tilespmem:$0x1FEF0]  }
0x2e8: {  	v0 =	vmul.f32 v0, v26;
	v1 =	vadd.f32 v55, v1;
	v55 =	vld [tilespmem:$0x1FA40]  }
0x2e9: {  	v41 =	vmul.f32 v33, v29;
	v6 =	vld.idx.msk [tilespmem:v48+s12+$0x0], $0xffff  }
0x2ea: {  	v0 =	vadd.f32 v0, v4;
	v3 =	vadd.f32 v11, v3;
	v11 =	vmul.f32 v37, v26;
	v26 =	vld [tilespmem:$0x1FD20]  }
0x2eb: {  	v37 =	vld [tilespmem:$0x1FA70]  }
0x2ec: {  	v0 =	vadd.f32 v41, v0;
	v41 =	vld [tilespmem:$0x1FCB0]  }
0x2ed: {  	v2 =	vadd.f32 v13, v2;
	v48 =	vld [tilespmem:$0x1FED0]  }
0x2ee: {  	v1 =	vadd.f32 v60, v1;
	v60 =	vld [tilespmem:$0x1FE90]  }
0x2ef: {  	v2 =	vadd.f32 v44, v2;
	v44 =	vld [tilespmem:$0x1FCC0]  }
0x2f0: {  	v3 =	vadd.f32 v11, v3;
	v11 =	vmul.f32 v40, v29;
	v29 =	vld [tilespmem:$0x1FCF0]  }
0x2f1: {  	v40 =	vld [tilespmem:$0x1FEC0]  }
0x2f2: {  	v0 =	vadd.f32 v47, v0;
	v47 =	vld [tilespmem:$0x1FC90]  }
0x2f3: {  	v1 =	vadd.f32 v17, v1;
	v17 =	vld [tilespmem:$0x1FC30]  }
0x2f4: {  	v53 =	vmul.f32 v10, v38;
	v10 =	vld.idx.msk [tilespmem:v56+s18+$0x0], $0xffff  }
0x2f5: {  	v58 =	vmul.f32 v9, v7;
	v9 =	vld.idx.msk [tilespmem:v61+s18+$0x0], $0xffff  }
0x2f6: {  	v2 =	vadd.f32 v52, v2;
	v52 =	vld [tilespmem:$0x1FE80]  }
0x2f7: {  	v56 =	vld [tilespmem:$0x1FC80]  }
0x2f8: {  	v61 =	vld [tilespmem:$0x1FA30]  }
0x2f9: {  	v3 =	vadd.f32 v11, v3;
	v11 =	vmul.f32 v46, v35;
	v35 =	vld [tilespmem:$0x1FCD0]  }
0x2fa: {  	v46 =	vld [tilespmem:$0x1FEA0]  }
0x2fb: {  	v1 =	vadd.f32 v23, v1;
	v23 =	vld [tilespmem:$0x1FC10]  }
0x2fc: {  	v63 =	vmul.f32 v8, v6;
	v8 =	vld.idx.msk [tilespmem:v18+s18+$0x0], $0xffff  }
0x2fd: {  	v2 =	vadd.f32 v50, v2;
	v50 =	vld [tilespmem:$0x1FCA0]  }
0x2fe: {  	v0 =	vadd.f32 v53, v0;
	v53 =	vld [tilespmem:$0x1FC70]  }
0x2ff: {  	v18 =	vld [tilespmem:$0x1FE70]  }
0x300: {  	v3 =	vadd.f32 v11, v3;
	v11 =	vmul.f32 v51, v38;
	v38 =	vld [tilespmem:$0x1FCE0]  }
0x301: {  	v0 =	vadd.f32 v58, v0;
	v58 =	vld [tilespmem:$0x1FE60]  }
0x302: {  	v2 =	vadd.f32 v20, v2;
	v20 =	vld [tilespmem:$0x1FC40]  }
0x303: {  	v1 =	vadd.f32 v29, v1;
	v29 =	vld [tilespmem:$0x1FBF0]  }
0x304: {  	v3 =	vadd.f32 v11, v3;
	v11 =	vmul.f32 v57, v7;
	v7 =	vld.idx.msk [tilespmem:v59+s12+$0x0], $0xffff  }
0x305: {  	v21 =	vmul.f32 v10, v5;
	v10 =	vld.idx.msk [tilespmem:v24+s18+$0x0], $0xffff  }
0x306: {  	v59 =	vld [tilespmem:$0x1FC50]  }
0x307: {  	v24 =	vld [tilespmem:$0x1FE50]  }
0x308: {  	v2 =	vadd.f32 v26, v2;
	v26 =	vld [tilespmem:$0x1FC20]  }
0x309: {  	v1 =	vadd.f32 v35, v1;
	v35 =	vld [tilespmem:$0x1FBD0]  }
0x30a: {  	v3 =	vadd.f32 v11, v3;
	v11 =	vmul.f32 v62, v6;
	v6 =	vld.idx.msk [tilespmem:v16+s12+$0x0], $0xffff  }
0x30b: {  	v62 =	vld [tilespmem:$0x1FC60]  }
0x30c: {  	v16 =	vld [tilespmem:$0x1FE40]  }
0x30d: {  	v2 =	vadd.f32 v32, v2;
	v32 =	vld [tilespmem:$0x1FC00]  }
0x30e: {  	v1 =	vadd.f32 v41, v1;
	v41 =	vld [tilespmem:$0x1FBB0]  }
0x30f: {  	v3 =	vadd.f32 v11, v3;
	v11 =	vmul.f32 v19, v5;
	v5 =	vld.idx.msk [tilespmem:v22+s12+$0x0], $0xffff  }
0x310: {  	v19 =	vld [tilespmem:$0x1FA20]  }
0x311: {  	v22 =	vld [tilespmem:$0x1FE20]  }
0x312: {  	v27 =	vmul.f32 v9, v7;
	v9 =	vld.idx.msk [tilespmem:v30+s18+$0x0], $0xffff  }
0x313: {  	v30 =	vld [tilespmem:$0x1FE30]  }
0x314: {  	v2 =	vadd.f32 v38, v2;
	v38 =	vld [tilespmem:$0x1FBE0]  }
0x315: {  	v1 =	vadd.f32 v47, v1;
	v47 =	vld [tilespmem:$0x1FB80]  }
0x316: {  	v3 =	vadd.f32 v11, v3;
	v11 =	vmul.f32 v25, v7;
	v7 =	vld.idx.msk [tilespmem:v28+s12+$0x0], $0xffff  }
0x317: {  	v25 =	vld [tilespmem:$0x1FA10]  }
0x318: {  	v28 =	vld [tilespmem:$0x1FE00]  }
0x319: {  	v33 =	vmul.f32 v8, v6;
	v8 =	vld.idx.msk [tilespmem:v36+s18+$0x0], $0xffff  }
0x31a: {  	v36 =	vld [tilespmem:$0x1FE10]  }
0x31b: {  	v2 =	vadd.f32 v44, v2;
	v44 =	vld [tilespmem:$0x1FBC0]  }
0x31c: {  	v1 =	vadd.f32 v53, v1;
	v53 =	vld [tilespmem:$0x1F9C0]  }
0x31d: {  	v3 =	vadd.f32 v11, v3;
	v11 =	vmul.f32 v31, v6;
	v6 =	vld.idx.msk [tilespmem:v34+s12+$0x0], $0xffff  }
0x31e: {  	v31 =	vld [tilespmem:$0x1FA00]  }
0x31f: {  	v34 =	vld [tilespmem:$0x1FDE0]  }
0x320: {  	v39 =	vmul.f32 v10, v5;
	v10 =	vld.idx.msk [tilespmem:v42+s18+$0x0], $0xffff  }
0x321: {  	v42 =	vld [tilespmem:$0x1FDF0]  }
0x322: {  	v2 =	vadd.f32 v50, v2;
	v50 =	vld [tilespmem:$0x1FB90]  }
0x323: {  	v3 =	vadd.f32 v11, v3;
	v11 =	vmul.f32 v37, v5;
	v5 =	vld.idx.msk [tilespmem:v40+s12+$0x0], $0xffff  }
0x324: {  	v37 =	vld [tilespmem:$0x1F9F0]  }
0x325: {  	v40 =	vld [tilespmem:$0x1FDC0]  }
0x326: {  	v45 =	vmul.f32 v9, v7;
	v9 =	vld.idx.msk [tilespmem:v48+s18+$0x0], $0xffff  }
0x327: {  	v48 =	vld [tilespmem:$0x1FDD0]  }
0x328: {  	v0 =	vadd.f32 v63, v0;
	v2 =	vadd.f32 v56, v2;
	v56 =	vld [tilespmem:$0x1FB40]  }
0x329: {  	v3 =	vadd.f32 v11, v3;
	v11 =	vmul.f32 v43, v7;
	v7 =	vld.idx.msk [tilespmem:v46+s12+$0x0], $0xffff  }
0x32a: {  	v0 =	vadd.f32 v21, v0;
	v43 =	vld [tilespmem:$0x1F9E0]  }
0x32b: {  	v46 =	vld [tilespmem:$0x1FDA0]  }
0x32c: {  	v0 =	vadd.f32 v27, v0;
	v51 =	vmul.f32 v8, v6;
	v8 =	vld.idx.msk [tilespmem:v54+s18+$0x0], $0xffff  }
0x32d: {  	v54 =	vld [tilespmem:$0x1FB70]  }
0x32e: {  	v0 =	vadd.f32 v33, v0;
	v3 =	vadd.f32 v11, v3;
	v11 =	vmul.f32 v49, v6;
	v6 =	vld.idx.msk [tilespmem:v52+s12+$0x0], $0xffff  }
0x32f: {  	v49 =	vld [tilespmem:$0x1F9D0]  }
0x330: {  	v0 =	vadd.f32 v39, v0;
	v52 =	vld [tilespmem:$0x1FB60]  }
0x331: {  	v57 =	vmul.f32 v10, v5;
	v10 =	vld.idx.msk [tilespmem:v60+s18+$0x0], $0xffff  }
0x332: {  	v0 =	vadd.f32 v45, v0;
	v60 =	vld [tilespmem:$0x1FB20]  }
0x333: {  	v3 =	vadd.f32 v11, v3;
	v11 =	vmul.f32 v55, v5;
	v5 =	vld.idx.msk [tilespmem:v58+s12+$0x0], $0xffff  }
0x334: {  	v1 =	vadd.f32 v59, v1;
	v0 =	vadd.f32 v51, v0;
	v58 =	vld [tilespmem:$0x1FB50]  }
0x335: {  	v63 =	vmul.f32 v9, v7;
	v9 =	vld.idx.msk [tilespmem:v18+s18+$0x0], $0xffff;
	v3 =	vadd.f32 v11, v3;
	v11 =	vmul.f32 v61, v7  }
0x336: {  	v2 =	vadd.f32 v62, v2;
	v0 =	vadd.f32 v57, v0;
	v7 =	vld.idx.msk [tilespmem:v16+s12+$0x0], $0xffff  }
0x337: {  	v1 =	vadd.f32 v17, v1;
	v57 =	vld [tilespmem:$0x1F9B0];
	v3 =	vadd.f32 v11, v3;
	v11 =	vmul.f32 v19, v6  }
0x338: {  	v2 =	vadd.f32 v20, v2;
	v0 =	vadd.f32 v63, v0;
	v21 =	vmul.f32 v8, v6;
	v6 =	vld.idx.msk [tilespmem:v22+s12+$0x0], $0xffff  }
0x339: {  	v1 =	vadd.f32 v23, v1;
	v8 =	vld.idx.msk [tilespmem:v24+s18+$0x0], $0xffff;
	v3 =	vadd.f32 v11, v3;
	v11 =	vmul.f32 v25, v5  }
0x33a: {  	v2 =	vadd.f32 v26, v2;
	v0 =	vadd.f32 v21, v0;
	v27 =	vmul.f32 v10, v5;
	v5 =	vld.idx.msk [tilespmem:v28+s12+$0x0], $0xffff  }
0x33b: {  	v1 =	vadd.f32 v29, v1;
	v10 =	vld.idx.msk [tilespmem:v30+s18+$0x0], $0xffff;
	v3 =	vadd.f32 v11, v3;
	v11 =	vmul.f32 v31, v7  }
0x33c: {  	v2 =	vadd.f32 v32, v2;
	v0 =	vadd.f32 v27, v0;
	v33 =	vmul.f32 v9, v7;
	v7 =	vld.idx.msk [tilespmem:v34+s12+$0x0], $0xffff  }
0x33d: {  	v1 =	vadd.f32 v35, v1;
	v9 =	vld.idx.msk [tilespmem:v36+s18+$0x0], $0xffff;
	v3 =	vadd.f32 v11, v3;
	v11 =	vmul.f32 v37, v6  }
0x33e: {  	v2 =	vadd.f32 v38, v2;
	v0 =	vadd.f32 v33, v0;
	v39 =	vmul.f32 v8, v6;
	v6 =	vld.idx.msk [tilespmem:v40+s12+$0x0], $0xffff  }
0x33f: {  	v1 =	vadd.f32 v41, v1;
	v8 =	vld.idx.msk [tilespmem:v42+s18+$0x0], $0xffff;
	v3 =	vadd.f32 v11, v3;
	v11 =	vmul.f32 v43, v5  }
0x340: {  	v2 =	vadd.f32 v44, v2;
	v0 =	vadd.f32 v39, v0;
	v45 =	vmul.f32 v10, v5;
	v5 =	vld.idx.msk [tilespmem:v46+s12+$0x0], $0xffff  }
0x341: {  	v1 =	vadd.f32 v47, v1;
	v10 =	vld.idx.msk [tilespmem:v48+s18+$0x0], $0xffff;
	v3 =	vadd.f32 v11, v3;
	v11 =	vmul.f32 v49, v7  }
0x342: {  	v61 =	vld [tilespmem:$0x1FD90];
	v2 =	vadd.f32 v50, v2;
	v0 =	vadd.f32 v45, v0;
	v51 =	vmul.f32 v9, v7  }
0x343: {  	v63 =	vld [tilespmem:$0x1FB30];
	v1 =	vadd.f32 v52, v1;
	v7 =	vmul.f32 v53, v6;
	v3 =	vadd.f32 v11, v3  }
0x344: {  	v2 =	vadd.f32 v54, v2;
	v0 =	vadd.f32 v51, v0;
	v55 =	vmul.f32 v8, v6  }
0x345: {  	v1 =	vadd.f32 v56, v1;
	v6 =	vmul.f32 v57, v5;
	v3 =	vadd.f32 v7, v3  }
0x346: {  	v2 =	vadd.f32 v58, v2;
	v0 =	vadd.f32 v55, v0;
	v59 =	vmul.f32 v10, v5  }
0x347: {  	v62 =	vor.u32 $0x1, v61;
	v1 =	vadd.f32 v60, v1;
	v3 =	vadd.f32 v6, v3  }
0x348: {  	v2 =	vadd.f32 v63, v2;
	v0 =	vadd.f32 v59, v0  }
0x349: {  	v1 =	vadd.f32 v3, v1  }
0x34a: {  	s15 =	sadd.s32 $0x1, s15;
	v0 =	vadd.f32 v0, v2  }
0x34b: {  	p0 =	sne.s32 s15, s8;
	[tilespmem:v61+s14+$0x0] =	vst.idx.msk $0xffff, v1  }
.Ltmp1:
0x34c: {  	[tilespmem:v62+s14+$0x0] =	vst.idx.msk $0xffff, v0;
	(pc) =	sbr.rel @p0 .LBB2_1-.Ltmp1, $4  }
0x34d: {  	[hbm4b:s7+s2] =	stream.linear.scatter [tilespmem:s14], [sflag:$0x2], $0x400, $0x38;
	[tilespmem:$0x18A00] =	vst v63  }
0x34e: {  	_ =	swait.ge [sflag:s9], $0x400  }
0x34f: {  	[sflag:s9] =	ssyncset.done $0x0  }
0x350: {  	[sflag:s9] =	ssyncadd.s32 $0xFFFFFC00  }
0x351: {  	_ =	sfence.sel $0x180000  }
0x352: {  	[bflag:$0x0] =	sbarrier.arrive $0xFFFF  }
0x353: {  	_ =	strace $0x90000047  }
0x354: {  	s0 =	stileid.u32;
	[bflag:$0x2] =	sbarrier.arrive $0xFFFF  }
0x355: {  	p0 =	sne.s32 s0, $0x0;
	s0 =	rddreg [dreg:$0x2]  }
0x356: {  	s0 =	sadd.s32 @!p0 $0x100000, s0  }
0x357: {  	[sflag:s0] =	ssyncadd.tile.s32 @!p0 $0x1;
	_ =	shalt  }
.Lfunc_end2:
_tile_overlayer_lowered:
.L_overlay_start_2:
0x358: {  	(tag) =	ssettag $0x2  }
0x359: {  	s0 =	rddreg [dreg:$0x0];
	s2 =	stileid.u32  }
0x35a: {  	s1 =	rddreg [dreg:$0x1];
	p0 =	sne.s32 s2, $0x0  }
0x35b: {  	s3 =	rddreg [dreg:$0x2];
	[bflag:$0x3] =	sbarrier.arrive $0xFFFF;
	s2 =	simm.s32 @!p0 $0x1C02  }
0x35c: {  	[timem:s3], [sflag:s2] =	dma.local @!p0 [hbm:s0], s1  }
0x35d: {  	s0 =	simm.s32 @!p0 $0x2  }
0x35e: {  	_ =	swait.ge @!p0 [sflag:s0], s1  }
0x35f: {  	s1 =	ssub.s32 @!p0 $0x0, s1;
	[sflag:s0] =	ssyncset.done @!p0 $0x0  }
0x360: {  	[sflag:s0] =	ssyncadd.s32 @!p0 s1  }
0x361: {  	[bflag:$0x3] =	sbarrier.arrive $0xFFFF  }
0x362: {  	_ =	shalt  }

</sc_bundles>
